<compile_context>
chip_gen: v7x
topology: tpu7x:2x2x1
jax: 0.10.2.dev20260603
libtpu: 0.0.44.dev20260713+nightly
codegen_flags: <defaults>
</compile_context>

<pallas_src>
import functools

import jax
import jax.numpy as jnp
from jax import lax
from jax.experimental import pallas as pl
from jax.experimental.pallas import tpu as pltpu
from jax.experimental.pallas import tpu_sc as plsc

N = 10000
E = 320000
F = 128
H = 20
L = 16

NP = 10240
FP = 32
NC = 2
NS = 16
NW = NC * NS
BB = 128
TOTB = E // BB
NB0 = 86
NB1 = 71
NB1L = TOTB - NS * NB0 - (NS - 1) * NB1
NBMAX = max(NB0, NB1)
RPT = NP // NS
NBUF = 20
PLA = 10
DLAG = 10

_mesh = plsc.VectorSubcoreMesh(core_axis_name="c", subcore_axis_name="s")


@functools.partial(
    pl.kernel,
    out_type=jax.ShapeDtypeStruct((NC, NP, FP), jnp.float32),
    mesh=_mesh,
    compiler_params=pltpu.CompilerParams(use_tc_tiling_on_sc=False),
    scratch_types=[
        pltpu.VMEM((NBMAX, BB), jnp.int32),
        pltpu.VMEM((NBMAX, BB), jnp.int32),
        pltpu.VMEM((NBUF, BB, FP), jnp.float32),
        pltpu.VMEM_SHARED((NP, FP), jnp.float32),
        pltpu.SemaphoreType.DMA,
        pltpu.SemaphoreType.DMA,
    ],
)
def _sc_segment_sum(y_hbm, src_hbm, dst_hbm, zeros_hbm, out_hbm,
                    src_v, dst_v, rows_v, acc, gsem, ssem):
    c = lax.axis_index("c")
    s = lax.axis_index("s")
    nb = lax.select(c == 0, NB0, lax.select(s == NS - 1, NB1L, NB1))
    base = lax.select(c == 0, s * NB0, NS * NB0 + s * NB1)

    pltpu.async_copy(zeros_hbm.at[pl.ds(s * RPT, RPT)],
                     acc.at[pl.ds(s * RPT, RPT)], ssem)

    @pl.when(c == 0)
    def _stage0():
        pltpu.async_copy(src_hbm.at[pl.ds(base, NB0)], src_v.at[pl.ds(0, NB0)], gsem)
        pltpu.async_copy(dst_hbm.at[pl.ds(base, NB0)], dst_v.at[pl.ds(0, NB0)], gsem)

    @pl.when(jnp.logical_and(c == 1, s < NS - 1))
    def _stage1():
        pltpu.async_copy(src_hbm.at[pl.ds(base, NB1)], src_v.at[pl.ds(0, NB1)], gsem)
        pltpu.async_copy(dst_hbm.at[pl.ds(base, NB1)], dst_v.at[pl.ds(0, NB1)], gsem)

    @pl.when(jnp.logical_and(c == 1, s == NS - 1))
    def _stage1l():
        pltpu.async_copy(src_hbm.at[pl.ds(base, NB1L)], src_v.at[pl.ds(0, NB1L)], gsem)
        pltpu.async_copy(dst_hbm.at[pl.ds(base, NB1L)], dst_v.at[pl.ds(0, NB1L)], gsem)

    pltpu.make_async_copy(zeros_hbm.at[pl.ds(s * RPT, RPT)],
                          acc.at[pl.ds(s * RPT, RPT)], ssem).wait()

    @pl.when(c == 0)
    def _wait0():
        pltpu.make_async_copy(src_hbm.at[pl.ds(base, NB0)],
                              src_v.at[pl.ds(0, NB0)], gsem).wait()
        pltpu.make_async_copy(dst_hbm.at[pl.ds(base, NB0)],
                              dst_v.at[pl.ds(0, NB0)], gsem).wait()

    @pl.when(jnp.logical_and(c == 1, s < NS - 1))
    def _wait1():
        pltpu.make_async_copy(src_hbm.at[pl.ds(base, NB1)],
                              src_v.at[pl.ds(0, NB1)], gsem).wait()
        pltpu.make_async_copy(dst_hbm.at[pl.ds(base, NB1)],
                              dst_v.at[pl.ds(0, NB1)], gsem).wait()

    @pl.when(jnp.logical_and(c == 1, s == NS - 1))
    def _wait1l():
        pltpu.make_async_copy(src_hbm.at[pl.ds(base, NB1L)],
                              src_v.at[pl.ds(0, NB1L)], gsem).wait()
        pltpu.make_async_copy(dst_hbm.at[pl.ds(base, NB1L)],
                              dst_v.at[pl.ds(0, NB1L)], gsem).wait()

    plsc.subcore_barrier()

    for b in range(PLA):
        pltpu.async_copy(y_hbm.at[src_v.at[b]], rows_v.at[b], gsem)

    def body(j, carry):
        buf = lax.rem(j, NBUF)
        pltpu.make_async_copy(y_hbm.at[src_v.at[j]], rows_v.at[buf], gsem).wait()
        pltpu.async_copy(rows_v.at[buf], acc.at[dst_v.at[j]], ssem, add=True)

        @pl.when(j >= DLAG)
        def _drain():
            ob = lax.rem(j - DLAG, NBUF)
            pltpu.make_async_copy(rows_v.at[ob], acc.at[dst_v.at[j - DLAG]],
                                  ssem).wait()

        @pl.when(j + PLA < nb)
        def _prefetch():
            gb = lax.rem(j + PLA, NBUF)
            pltpu.async_copy(y_hbm.at[src_v.at[j + PLA]], rows_v.at[gb], gsem)

        return carry

    lax.fori_loop(0, nb, body, 0)

    def drain_body(j, carry):
        pltpu.make_async_copy(rows_v.at[lax.rem(j, NBUF)],
                              acc.at[dst_v.at[j]], ssem).wait()
        return carry

    lax.fori_loop(nb - DLAG, nb, drain_body, 0)

    plsc.subcore_barrier()
    pltpu.sync_copy(acc.at[pl.ds(s * RPT, RPT)],
                    out_hbm.at[c, pl.ds(s * RPT, RPT)])


BM = 2560


def _mm2_body(x_ref, wa_ref, wb_ref, ya_ref, yb_ref):
    xv = x_ref[...]
    ya_ref[...] = jnp.dot(xv, wa_ref[...], preferred_element_type=jnp.float32)
    yb_ref[...] = jnp.dot(xv, wb_ref[...], preferred_element_type=jnp.float32)


BM1 = 1000


def _tc_mm2(xp, wa, wb):
    k = xp.shape[1]
    return pl.pallas_call(
        _mm2_body,
        grid=(N // BM1,),
        in_specs=[
            pl.BlockSpec((BM1, k), lambda i: (i, 0)),
            pl.BlockSpec((k, FP), lambda i: (0, 0)),
            pl.BlockSpec((k, FP), lambda i: (0, 0)),
        ],
        out_specs=[
            pl.BlockSpec((BM1, FP), lambda i: (i, 0)),
            pl.BlockSpec((BM1, FP), lambda i: (i, 0)),
        ],
        out_shape=[
            jax.ShapeDtypeStruct((NP, FP), jnp.float32),
            jax.ShapeDtypeStruct((NP, FP), jnp.float32),
        ],
    )(xp, wa, wb)


def _layer_body(s_ref, r_ref, b_ref, wa_ref, wb_ref, emb_ref, ya_ref, yb_ref):
    e = jnp.maximum(s_ref[0] + s_ref[1] + r_ref[...] + b_ref[...], 0.0)
    emb_ref[...] = e
    ya_ref[...] = jnp.dot(e, wa_ref[...], preferred_element_type=jnp.float32)
    yb_ref[...] = jnp.dot(e, wb_ref[...], preferred_element_type=jnp.float32)


def _tc_layer(sparts, r, b, wa, wb):
    return pl.pallas_call(
        _layer_body,
        grid=(NP // BM,),
        in_specs=[
            pl.BlockSpec((NC, BM, FP), lambda i: (0, i, 0)),
            pl.BlockSpec((BM, FP), lambda i: (i, 0)),
            pl.BlockSpec((1, FP), lambda i: (0, 0)),
            pl.BlockSpec((FP, FP), lambda i: (0, 0)),
            pl.BlockSpec((FP, FP), lambda i: (0, 0)),
        ],
        out_specs=[
            pl.BlockSpec((BM, FP), lambda i: (i, 0)),
            pl.BlockSpec((BM, FP), lambda i: (i, 0)),
            pl.BlockSpec((BM, FP), lambda i: (i, 0)),
        ],
        out_shape=[
            jax.ShapeDtypeStruct((NP, FP), jnp.float32),
            jax.ShapeDtypeStruct((NP, FP), jnp.float32),
            jax.ShapeDtypeStruct((NP, FP), jnp.float32),
        ],
    )(sparts, r, b, wa, wb)


def _final_body(s_ref, r_ref, b_ref, e1_ref, e2_ref, w1_ref, w2_ref, w3_ref,
                bl_ref, out_ref):
    e3 = jnp.maximum(s_ref[0] + s_ref[1] + r_ref[...] + b_ref[...], 0.0)
    acc = jnp.dot(e1_ref[...], w1_ref[...], preferred_element_type=jnp.float32)
    acc += jnp.dot(e2_ref[...], w2_ref[...], preferred_element_type=jnp.float32)
    acc += jnp.dot(e3, w3_ref[...], preferred_element_type=jnp.float32)
    out_ref[...] = acc + bl_ref[...]


def _tc_final(sparts, r, b, e1, e2, w1, w2, w3, bl):
    return pl.pallas_call(
        _final_body,
        grid=(NP // BM,),
        in_specs=[
            pl.BlockSpec((NC, BM, FP), lambda i: (0, i, 0)),
            pl.BlockSpec((BM, FP), lambda i: (i, 0)),
            pl.BlockSpec((1, FP), lambda i: (0, 0)),
            pl.BlockSpec((BM, FP), lambda i: (i, 0)),
            pl.BlockSpec((BM, FP), lambda i: (i, 0)),
            pl.BlockSpec((FP, L), lambda i: (0, 0)),
            pl.BlockSpec((FP, L), lambda i: (0, 0)),
            pl.BlockSpec((FP, L), lambda i: (0, 0)),
            pl.BlockSpec((1, L), lambda i: (0, 0)),
        ],
        out_specs=pl.BlockSpec((BM, L), lambda i: (i, 0)),
        out_shape=jax.ShapeDtypeStruct((NP, L), jnp.float32),
    )(sparts, r, b, e1, e2, w1, w2, w3, bl)


def _padw(wt, rows, cols):
    out = jnp.zeros((rows, cols), jnp.float32)
    return out.at[: wt.shape[0], : wt.shape[1]].set(wt)


def kernel(x, edge_index, W_rel1, b_rel1, W_root1, W_rel2, b_rel2, W_root2,
           W_rel3, b_rel3, W_root3, W_lin, b_lin):
    srcp = edge_index[0].astype(jnp.int32).reshape(TOTB, BB)
    dstp = edge_index[1].astype(jnp.int32).reshape(TOTB, BB)
    zeros_full = jnp.zeros((NP, FP), jnp.float32)

    wr1 = _padw(W_rel1.T, F, FP)
    wt1 = _padw(W_root1.T, F, FP)
    wr2 = _padw(W_rel2.T, FP, FP)
    wt2 = _padw(W_root2.T, FP, FP)
    wr3 = _padw(W_rel3.T, FP, FP)
    wt3 = _padw(W_root3.T, FP, FP)
    b1 = _padw(b_rel1[None, :], 1, FP)
    b2 = _padw(b_rel2[None, :], 1, FP)
    b3 = _padw(b_rel3[None, :], 1, FP)
    wl1 = _padw(W_lin[:, 0 * H:1 * H].T, FP, L)
    wl2 = _padw(W_lin[:, 1 * H:2 * H].T, FP, L)
    wl3 = _padw(W_lin[:, 2 * H:3 * H].T, FP, L)
    bl = b_lin[None, :]

    y1, r1 = _tc_mm2(x, wr1, wt1)
    s1 = _sc_segment_sum(y1, srcp, dstp, zeros_full)
    emb1, y2, r2 = _tc_layer(s1, r1, b1, wr2, wt2)
    s2 = _sc_segment_sum(y2, srcp, dstp, zeros_full)
    emb2, y3, r3 = _tc_layer(s2, r2, b2, wr3, wt3)
    s3 = _sc_segment_sum(y3, srcp, dstp, zeros_full)
    out = _tc_final(s3, r3, b3, emb1, emb2, wl1, wl2, wl3, bl)
    return out[:N]

# --- scband reference (transcript-rebuilt; emitter-appended) ---
"""Pipeline reference for scband-node-gnn-11209864643248 (READ-ONLY COPY).

The authoritative reference and input builder live on the scoring server;
editing this copy changes nothing except your own understanding.
"""

import jax, jax.numpy as jnp
import numpy as np

N = 10000
E = 320000
F = 128
H = 20
L = 16


def setup_inputs(seed: int = 0) -> dict:
    key = jax.random.key(seed)
    ks = jax.random.split(key, 16)
    x = jax.random.normal(ks[0], (N, F), dtype=jnp.float32)
    edge_index = jax.random.randint(ks[1], (2, E), 0, N)

    def xavier(k, shape):
        fan_in, fan_out = shape[1], shape[0]
        limit = float(np.sqrt(6.0 / (fan_in + fan_out)))
        return jax.random.uniform(k, shape, dtype=jnp.float32, minval=-limit, maxval=limit)

    W_rel1 = xavier(ks[2], (H, F))
    b_rel1 = jnp.zeros((H,), dtype=jnp.float32)
    W_root1 = xavier(ks[3], (H, F))
    W_rel2 = xavier(ks[4], (H, H))
    b_rel2 = jnp.zeros((H,), dtype=jnp.float32)
    W_root2 = xavier(ks[5], (H, H))
    W_rel3 = xavier(ks[6], (H, H))
    b_rel3 = jnp.zeros((H,), dtype=jnp.float32)
    W_root3 = xavier(ks[7], (H, H))
    W_lin = xavier(ks[8], (L, 3 * H))
    b_lin = jnp.zeros((L,), dtype=jnp.float32)
    return {
        "x": x,
        "edge_index": edge_index,
        "W_rel1": W_rel1, "b_rel1": b_rel1, "W_root1": W_root1,
        "W_rel2": W_rel2, "b_rel2": b_rel2, "W_root2": W_root2,
        "W_rel3": W_rel3, "b_rel3": b_rel3, "W_root3": W_root3,
        "W_lin": W_lin, "b_lin": b_lin,
    }


def reference(x, edge_index, W_rel1, b_rel1, W_root1, W_rel2, b_rel2, W_root2,
              W_rel3, b_rel3, W_root3, W_lin, b_lin):
    src = edge_index[0]
    dst = edge_index[1]

    def graph_conv(h, W_rel, b_rel, W_root):
        # PyG GraphConv with aggr='add': lin_rel(sum_{j->i} x_j) + lin_root(x_i)
        msgs = jnp.take(h, src, axis=0)
        agg = jax.ops.segment_sum(msgs, dst, num_segments=N)
        return agg @ W_rel.T + b_rel + h @ W_root.T

    emb1 = jax.nn.relu(graph_conv(x, W_rel1, b_rel1, W_root1))
    emb2 = jax.nn.relu(graph_conv(emb1, W_rel2, b_rel2, W_root2))
    emb3 = jax.nn.relu(graph_conv(emb2, W_rel3, b_rel3, W_root3))
    emb = jnp.concatenate([emb1, emb2, emb3], axis=-1)
    out = emb @ W_lin.T + b_lin
    return out

if __name__ == "__main__":
    import jax
    _d = setup_inputs()
    print(jax.jit(kernel)(*tuple(_d.values())))

</pallas_src>

<mosaic_0001>
#map = affine_map<(d0, d1) -> (0, 0)>
#map1 = affine_map<(d0, d1) -> (0, 0, 0)>
module attributes {stable_mosaic.version = 14 : i64} {
  func.func @_sc_segment_sum(%arg0: i32, %arg1: i32, %arg2: memref<10240x32xf32, #tpu.memory_space<hbm>>, %arg3: memref<2500x128xi32, #tpu.memory_space<hbm>>, %arg4: memref<2500x128xi32, #tpu.memory_space<hbm>>, %arg5: memref<10240x32xf32, #tpu.memory_space<hbm>>, %arg6: memref<2x10240x32xf32, #tpu.memory_space<hbm>>, %arg7: memref<86x128xi32, #tpu.memory_space<vmem>>, %arg8: memref<86x128xi32, #tpu.memory_space<vmem>>, %arg9: memref<20x128x32xf32, #tpu.memory_space<vmem>>, %arg10: memref<10240x32xf32, #tpu.memory_space<vmem_shared>>, %arg11: memref<!tpu.dma_semaphore, #tpu.memory_space<semaphore_mem>>, %arg12: memref<!tpu.dma_semaphore, #tpu.memory_space<semaphore_mem>>) attributes {dimension_semantics = [#tpu.dimension_semantics<core_parallel>, #tpu.dimension_semantics<subcore_parallel>], iteration_bounds = array<i64: 2, 16>, scalar_prefetch = 0 : i64, scratch_operands = 6 : i64, tpu.core_type = #tpu.core_type<sc_vector_subcore>, window_params = [{transform_indices = #map}, {transform_indices = #map}, {transform_indices = #map}, {transform_indices = #map}, {transform_indices = #map1}]} {
    %eq3A = arith.constant 0 : i32
    %eq3A_0 = arith.cmpi eq, %arg0, %eq3A : i32
    %eq3A_1 = arith.constant 15 : i32
    %eq3A_2 = arith.cmpi eq, %arg1, %eq3A_1 : i32
    %select_n3A = arith.constant 71 : i32
    %select_n3A_3 = arith.constant 59 : i32
    %select_n3A_4 = arith.select %eq3A_2, %select_n3A_3, %select_n3A : i32
    %select_n3A_5 = arith.constant 86 : i32
    %select_n3A_6 = arith.select %eq3A_0, %select_n3A_5, %select_n3A_4 : i32
    %eq3A_7 = arith.constant 0 : i32
    %eq3A_8 = arith.cmpi eq, %arg0, %eq3A_7 : i32
    %mul3A = arith.constant 86 : i32
    %mul3A_9 = arith.muli %arg1, %mul3A : i32
    %mul3A_10 = arith.constant 71 : i32
    %mul3A_11 = arith.muli %arg1, %mul3A_10 : i32
    %add3A = arith.constant 1376 : i32
    %add3A_12 = arith.addi %add3A, %mul3A_11 : i32
    %select_n3A_13 = arith.select %eq3A_8, %mul3A_9, %add3A_12 : i32
    %mul3A_14 = arith.constant 640 : i32
    %mul3A_15 = arith.muli %arg1, %mul3A_14 : i32
    %mul3A_16 = arith.constant 640 : i32
    %mul3A_17 = arith.muli %arg1, %mul3A_16 : i32
    %dma_start3A = arith.constant 0 : i32
    %dma_start3A_18 = tpu.memref_slice %arg10[%mul3A_17, %dma_start3A] : memref<10240x32xf32, #tpu.memory_space<vmem_shared>> -> memref<640x32xf32, #tpu.memory_space<vmem_shared>>
    %dma_start3A_19 = arith.constant 0 : i32
    %dma_start3A_20 = tpu.memref_slice %arg5[%mul3A_15, %dma_start3A_19] : memref<10240x32xf32, #tpu.memory_space<hbm>> -> memref<640x32xf32, #tpu.memory_space<hbm>>
    tpu.enqueue_dma source(%dma_start3A_20 : memref<640x32xf32, #tpu.memory_space<hbm>>) target(%dma_start3A_18 : memref<640x32xf32, #tpu.memory_space<vmem_shared>>) target_semaphore(%arg12 : memref<!tpu.dma_semaphore, #tpu.memory_space<semaphore_mem>>)
    %eq3A_21 = arith.constant 0 : i32
    %eq3A_22 = arith.cmpi eq, %arg0, %eq3A_21 : i32
    %convert_element_type3A = arith.extui %eq3A_22 : i1 to i32
    %cond3A = arith.constant 0 : i32
    %cond3A_23 = arith.cmpi ne, %convert_element_type3A, %cond3A : i32
    scf.if %cond3A_23 {
      %dma_start3A_210 = arith.constant 0 : i32
      %dma_start3A_211 = arith.constant 0 : i32
      %dma_start3A_212 = tpu.memref_slice %arg7[%dma_start3A_210, %dma_start3A_211] : memref<86x128xi32, #tpu.memory_space<vmem>> -> memref<86x128xi32, #tpu.memory_space<vmem>>
      %dma_start3A_213 = arith.constant 0 : i32
      %dma_start3A_214 = tpu.memref_slice %arg3[%select_n3A_13, %dma_start3A_213] : memref<2500x128xi32, #tpu.memory_space<hbm>> -> memref<86x128xi32, #tpu.memory_space<hbm>>
      %dma_start3A_215 = arith.constant 0 : i32
      %dma_start3A_216 = arith.constant 0 : i32
      %dma_start3A_217 = tpu.memref_slice %arg7[%dma_start3A_215, %dma_start3A_216] : memref<86x128xi32, #tpu.memory_space<vmem>> -> memref<86x128xi32, #tpu.memory_space<vmem>>
      %dma_start3A_218 = arith.constant 0 : i32
      %dma_start3A_219 = tpu.memref_slice %arg3[%select_n3A_13, %dma_start3A_218] : memref<2500x128xi32, #tpu.memory_space<hbm>> -> memref<86x128xi32, #tpu.memory_space<hbm>>
      tpu.enqueue_dma source(%dma_start3A_219 : memref<86x128xi32, #tpu.memory_space<hbm>>) target(%dma_start3A_217 : memref<86x128xi32, #tpu.memory_space<vmem>>) target_semaphore(%arg11 : memref<!tpu.dma_semaphore, #tpu.memory_space<semaphore_mem>>)
      %dma_start3A_220 = arith.constant 0 : i32
      %dma_start3A_221 = arith.constant 0 : i32
      %dma_start3A_222 = tpu.memref_slice %arg8[%dma_start3A_220, %dma_start3A_221] : memref<86x128xi32, #tpu.memory_space<vmem>> -> memref<86x128xi32, #tpu.memory_space<vmem>>
      %dma_start3A_223 = arith.constant 0 : i32
      %dma_start3A_224 = tpu.memref_slice %arg4[%select_n3A_13, %dma_start3A_223] : memref<2500x128xi32, #tpu.memory_space<hbm>> -> memref<86x128xi32, #tpu.memory_space<hbm>>
      %dma_start3A_225 = arith.constant 0 : i32
      %dma_start3A_226 = arith.constant 0 : i32
      %dma_start3A_227 = tpu.memref_slice %arg8[%dma_start3A_225, %dma_start3A_226] : memref<86x128xi32, #tpu.memory_space<vmem>> -> memref<86x128xi32, #tpu.memory_space<vmem>>
      %dma_start3A_228 = arith.constant 0 : i32
      %dma_start3A_229 = tpu.memref_slice %arg4[%select_n3A_13, %dma_start3A_228] : memref<2500x128xi32, #tpu.memory_space<hbm>> -> memref<86x128xi32, #tpu.memory_space<hbm>>
      tpu.enqueue_dma source(%dma_start3A_229 : memref<86x128xi32, #tpu.memory_space<hbm>>) target(%dma_start3A_227 : memref<86x128xi32, #tpu.memory_space<vmem>>) target_semaphore(%arg11 : memref<!tpu.dma_semaphore, #tpu.memory_space<semaphore_mem>>)
    } else {
    }
    %eq3A_24 = arith.constant 1 : i32
    %eq3A_25 = arith.cmpi eq, %arg0, %eq3A_24 : i32
    %lt3A = arith.constant 15 : i32
    %lt3A_26 = arith.cmpi slt, %arg1, %lt3A : i32
    %and3A = arith.andi %eq3A_25, %lt3A_26 : i1
    %convert_element_type3A_27 = arith.extui %and3A : i1 to i32
    %cond3A_28 = arith.constant 0 : i32
    %cond3A_29 = arith.cmpi ne, %convert_element_type3A_27, %cond3A_28 : i32
    scf.if %cond3A_29 {
      %dma_start3A_210 = arith.constant 0 : i32
      %dma_start3A_211 = arith.constant 0 : i32
      %dma_start3A_212 = tpu.memref_slice %arg7[%dma_start3A_210, %dma_start3A_211] : memref<86x128xi32, #tpu.memory_space<vmem>> -> memref<71x128xi32, #tpu.memory_space<vmem>>
      %dma_start3A_213 = arith.constant 0 : i32
      %dma_start3A_214 = tpu.memref_slice %arg3[%select_n3A_13, %dma_start3A_213] : memref<2500x128xi32, #tpu.memory_space<hbm>> -> memref<71x128xi32, #tpu.memory_space<hbm>>
      %dma_start3A_215 = arith.constant 0 : i32
      %dma_start3A_216 = arith.constant 0 : i32
      %dma_start3A_217 = tpu.memref_slice %arg7[%dma_start3A_215, %dma_start3A_216] : memref<86x128xi32, #tpu.memory_space<vmem>> -> memref<71x128xi32, #tpu.memory_space<vmem>>
      %dma_start3A_218 = arith.constant 0 : i32
      %dma_start3A_219 = tpu.memref_slice %arg3[%select_n3A_13, %dma_start3A_218] : memref<2500x128xi32, #tpu.memory_space<hbm>> -> memref<71x128xi32, #tpu.memory_space<hbm>>
      tpu.enqueue_dma source(%dma_start3A_219 : memref<71x128xi32, #tpu.memory_space<hbm>>) target(%dma_start3A_217 : memref<71x128xi32, #tpu.memory_space<vmem>>) target_semaphore(%arg11 : memref<!tpu.dma_semaphore, #tpu.memory_space<semaphore_mem>>)
      %dma_start3A_220 = arith.constant 0 : i32
      %dma_start3A_221 = arith.constant 0 : i32
      %dma_start3A_222 = tpu.memref_slice %arg8[%dma_start3A_220, %dma_start3A_221] : memref<86x128xi32, #tpu.memory_space<vmem>> -> memref<71x128xi32, #tpu.memory_space<vmem>>
      %dma_start3A_223 = arith.constant 0 : i32
      %dma_start3A_224 = tpu.memref_slice %arg4[%select_n3A_13, %dma_start3A_223] : memref<2500x128xi32, #tpu.memory_space<hbm>> -> memref<71x128xi32, #tpu.memory_space<hbm>>
      %dma_start3A_225 = arith.constant 0 : i32
      %dma_start3A_226 = arith.constant 0 : i32
      %dma_start3A_227 = tpu.memref_slice %arg8[%dma_start3A_225, %dma_start3A_226] : memref<86x128xi32, #tpu.memory_space<vmem>> -> memref<71x128xi32, #tpu.memory_space<vmem>>
      %dma_start3A_228 = arith.constant 0 : i32
      %dma_start3A_229 = tpu.memref_slice %arg4[%select_n3A_13, %dma_start3A_228] : memref<2500x128xi32, #tpu.memory_space<hbm>> -> memref<71x128xi32, #tpu.memory_space<hbm>>
      tpu.enqueue_dma source(%dma_start3A_229 : memref<71x128xi32, #tpu.memory_space<hbm>>) target(%dma_start3A_227 : memref<71x128xi32, #tpu.memory_space<vmem>>) target_semaphore(%arg11 : memref<!tpu.dma_semaphore, #tpu.memory_space<semaphore_mem>>)
    } else {
    }
    %eq3A_30 = arith.constant 1 : i32
    %eq3A_31 = arith.cmpi eq, %arg0, %eq3A_30 : i32
    %eq3A_32 = arith.constant 15 : i32
    %eq3A_33 = arith.cmpi eq, %arg1, %eq3A_32 : i32
    %and3A_34 = arith.andi %eq3A_31, %eq3A_33 : i1
    %convert_element_type3A_35 = arith.extui %and3A_34 : i1 to i32
    %cond3A_36 = arith.constant 0 : i32
    %cond3A_37 = arith.cmpi ne, %convert_element_type3A_35, %cond3A_36 : i32
    scf.if %cond3A_37 {
      %dma_start3A_210 = arith.constant 0 : i32
      %dma_start3A_211 = arith.constant 0 : i32
      %dma_start3A_212 = tpu.memref_slice %arg7[%dma_start3A_210, %dma_start3A_211] : memref<86x128xi32, #tpu.memory_space<vmem>> -> memref<59x128xi32, #tpu.memory_space<vmem>>
      %dma_start3A_213 = arith.constant 0 : i32
      %dma_start3A_214 = tpu.memref_slice %arg3[%select_n3A_13, %dma_start3A_213] : memref<2500x128xi32, #tpu.memory_space<hbm>> -> memref<59x128xi32, #tpu.memory_space<hbm>>
      %dma_start3A_215 = arith.constant 0 : i32
      %dma_start3A_216 = arith.constant 0 : i32
      %dma_start3A_217 = tpu.memref_slice %arg7[%dma_start3A_215, %dma_start3A_216] : memref<86x128xi32, #tpu.memory_space<vmem>> -> memref<59x128xi32, #tpu.memory_space<vmem>>
      %dma_start3A_218 = arith.constant 0 : i32
      %dma_start3A_219 = tpu.memref_slice %arg3[%select_n3A_13, %dma_start3A_218] : memref<2500x128xi32, #tpu.memory_space<hbm>> -> memref<59x128xi32, #tpu.memory_space<hbm>>
      tpu.enqueue_dma source(%dma_start3A_219 : memref<59x128xi32, #tpu.memory_space<hbm>>) target(%dma_start3A_217 : memref<59x128xi32, #tpu.memory_space<vmem>>) target_semaphore(%arg11 : memref<!tpu.dma_semaphore, #tpu.memory_space<semaphore_mem>>)
      %dma_start3A_220 = arith.constant 0 : i32
      %dma_start3A_221 = arith.constant 0 : i32
      %dma_start3A_222 = tpu.memref_slice %arg8[%dma_start3A_220, %dma_start3A_221] : memref<86x128xi32, #tpu.memory_space<vmem>> -> memref<59x128xi32, #tpu.memory_space<vmem>>
      %dma_start3A_223 = arith.constant 0 : i32
      %dma_start3A_224 = tpu.memref_slice %arg4[%select_n3A_13, %dma_start3A_223] : memref<2500x128xi32, #tpu.memory_space<hbm>> -> memref<59x128xi32, #tpu.memory_space<hbm>>
      %dma_start3A_225 = arith.constant 0 : i32
      %dma_start3A_226 = arith.constant 0 : i32
      %dma_start3A_227 = tpu.memref_slice %arg8[%dma_start3A_225, %dma_start3A_226] : memref<86x128xi32, #tpu.memory_space<vmem>> -> memref<59x128xi32, #tpu.memory_space<vmem>>
      %dma_start3A_228 = arith.constant 0 : i32
      %dma_start3A_229 = tpu.memref_slice %arg4[%select_n3A_13, %dma_start3A_228] : memref<2500x128xi32, #tpu.memory_space<hbm>> -> memref<59x128xi32, #tpu.memory_space<hbm>>
      tpu.enqueue_dma source(%dma_start3A_229 : memref<59x128xi32, #tpu.memory_space<hbm>>) target(%dma_start3A_227 : memref<59x128xi32, #tpu.memory_space<vmem>>) target_semaphore(%arg11 : memref<!tpu.dma_semaphore, #tpu.memory_space<semaphore_mem>>)
    } else {
    }
    %mul3A_38 = arith.constant 640 : i32
    %mul3A_39 = arith.muli %arg1, %mul3A_38 : i32
    %mul3A_40 = arith.constant 640 : i32
    %mul3A_41 = arith.muli %arg1, %mul3A_40 : i32
    %dma_wait3A = arith.constant 0 : i32
    %dma_wait3A_42 = tpu.memref_slice %arg10[%mul3A_41, %dma_wait3A] : memref<10240x32xf32, #tpu.memory_space<vmem_shared>> -> memref<640x32xf32, #tpu.memory_space<vmem_shared>>
    %dma_wait3A_43 = arith.constant 0 : i32
    %dma_wait3A_44 = tpu.memref_slice %arg5[%mul3A_39, %dma_wait3A_43] : memref<10240x32xf32, #tpu.memory_space<hbm>> -> memref<640x32xf32, #tpu.memory_space<hbm>>
    tpu.wait_dma2 semaphore(%arg12 : memref<!tpu.dma_semaphore, #tpu.memory_space<semaphore_mem>>) src(%dma_wait3A_44 : memref<640x32xf32, #tpu.memory_space<hbm>>) dst(%dma_wait3A_42 : memref<640x32xf32, #tpu.memory_space<vmem_shared>>)
    %eq3A_45 = arith.constant 0 : i32
    %eq3A_46 = arith.cmpi eq, %arg0, %eq3A_45 : i32
    %convert_element_type3A_47 = arith.extui %eq3A_46 : i1 to i32
    %cond3A_48 = arith.constant 0 : i32
    %cond3A_49 = arith.cmpi ne, %convert_element_type3A_47, %cond3A_48 : i32
    scf.if %cond3A_49 {
      %dma_wait3A_210 = arith.constant 0 : i32
      %dma_wait3A_211 = arith.constant 0 : i32
      %dma_wait3A_212 = tpu.memref_slice %arg7[%dma_wait3A_210, %dma_wait3A_211] : memref<86x128xi32, #tpu.memory_space<vmem>> -> memref<86x128xi32, #tpu.memory_space<vmem>>
      %dma_wait3A_213 = arith.constant 0 : i32
      %dma_wait3A_214 = tpu.memref_slice %arg3[%select_n3A_13, %dma_wait3A_213] : memref<2500x128xi32, #tpu.memory_space<hbm>> -> memref<86x128xi32, #tpu.memory_space<hbm>>
      %dma_wait3A_215 = arith.constant 0 : i32
      %dma_wait3A_216 = arith.constant 0 : i32
      %dma_wait3A_217 = tpu.memref_slice %arg7[%dma_wait3A_215, %dma_wait3A_216] : memref<86x128xi32, #tpu.memory_space<vmem>> -> memref<86x128xi32, #tpu.memory_space<vmem>>
      %dma_wait3A_218 = arith.constant 0 : i32
      %dma_wait3A_219 = tpu.memref_slice %arg3[%select_n3A_13, %dma_wait3A_218] : memref<2500x128xi32, #tpu.memory_space<hbm>> -> memref<86x128xi32, #tpu.memory_space<hbm>>
      tpu.wait_dma2 semaphore(%arg11 : memref<!tpu.dma_semaphore, #tpu.memory_space<semaphore_mem>>) src(%dma_wait3A_219 : memref<86x128xi32, #tpu.memory_space<hbm>>) dst(%dma_wait3A_217 : memref<86x128xi32, #tpu.memory_space<vmem>>)
      %dma_wait3A_220 = arith.constant 0 : i32
      %dma_wait3A_221 = arith.constant 0 : i32
      %dma_wait3A_222 = tpu.memref_slice %arg8[%dma_wait3A_220, %dma_wait3A_221] : memref<86x128xi32, #tpu.memory_space<vmem>> -> memref<86x128xi32, #tpu.memory_space<vmem>>
      %dma_wait3A_223 = arith.constant 0 : i32
      %dma_wait3A_224 = tpu.memref_slice %arg4[%select_n3A_13, %dma_wait3A_223] : memref<2500x128xi32, #tpu.memory_space<hbm>> -> memref<86x128xi32, #tpu.memory_space<hbm>>
      %dma_wait3A_225 = arith.constant 0 : i32
      %dma_wait3A_226 = arith.constant 0 : i32
      %dma_wait3A_227 = tpu.memref_slice %arg8[%dma_wait3A_225, %dma_wait3A_226] : memref<86x128xi32, #tpu.memory_space<vmem>> -> memref<86x128xi32, #tpu.memory_space<vmem>>
      %dma_wait3A_228 = arith.constant 0 : i32
      %dma_wait3A_229 = tpu.memref_slice %arg4[%select_n3A_13, %dma_wait3A_228] : memref<2500x128xi32, #tpu.memory_space<hbm>> -> memref<86x128xi32, #tpu.memory_space<hbm>>
      tpu.wait_dma2 semaphore(%arg11 : memref<!tpu.dma_semaphore, #tpu.memory_space<semaphore_mem>>) src(%dma_wait3A_229 : memref<86x128xi32, #tpu.memory_space<hbm>>) dst(%dma_wait3A_227 : memref<86x128xi32, #tpu.memory_space<vmem>>)
    } else {
    }
    %eq3A_50 = arith.constant 1 : i32
    %eq3A_51 = arith.cmpi eq, %arg0, %eq3A_50 : i32
    %lt3A_52 = arith.constant 15 : i32
    %lt3A_53 = arith.cmpi slt, %arg1, %lt3A_52 : i32
    %and3A_54 = arith.andi %eq3A_51, %lt3A_53 : i1
    %convert_element_type3A_55 = arith.extui %and3A_54 : i1 to i32
    %cond3A_56 = arith.constant 0 : i32
    %cond3A_57 = arith.cmpi ne, %convert_element_type3A_55, %cond3A_56 : i32
    scf.if %cond3A_57 {
      %dma_wait3A_210 = arith.constant 0 : i32
      %dma_wait3A_211 = arith.constant 0 : i32
      %dma_wait3A_212 = tpu.memref_slice %arg7[%dma_wait3A_210, %dma_wait3A_211] : memref<86x128xi32, #tpu.memory_space<vmem>> -> memref<71x128xi32, #tpu.memory_space<vmem>>
      %dma_wait3A_213 = arith.constant 0 : i32
      %dma_wait3A_214 = tpu.memref_slice %arg3[%select_n3A_13, %dma_wait3A_213] : memref<2500x128xi32, #tpu.memory_space<hbm>> -> memref<71x128xi32, #tpu.memory_space<hbm>>
      %dma_wait3A_215 = arith.constant 0 : i32
      %dma_wait3A_216 = arith.constant 0 : i32
      %dma_wait3A_217 = tpu.memref_slice %arg7[%dma_wait3A_215, %dma_wait3A_216] : memref<86x128xi32, #tpu.memory_space<vmem>> -> memref<71x128xi32, #tpu.memory_space<vmem>>
      %dma_wait3A_218 = arith.constant 0 : i32
      %dma_wait3A_219 = tpu.memref_slice %arg3[%select_n3A_13, %dma_wait3A_218] : memref<2500x128xi32, #tpu.memory_space<hbm>> -> memref<71x128xi32, #tpu.memory_space<hbm>>
      tpu.wait_dma2 semaphore(%arg11 : memref<!tpu.dma_semaphore, #tpu.memory_space<semaphore_mem>>) src(%dma_wait3A_219 : memref<71x128xi32, #tpu.memory_space<hbm>>) dst(%dma_wait3A_217 : memref<71x128xi32, #tpu.memory_space<vmem>>)
      %dma_wait3A_220 = arith.constant 0 : i32
      %dma_wait3A_221 = arith.constant 0 : i32
      %dma_wait3A_222 = tpu.memref_slice %arg8[%dma_wait3A_220, %dma_wait3A_221] : memref<86x128xi32, #tpu.memory_space<vmem>> -> memref<71x128xi32, #tpu.memory_space<vmem>>
      %dma_wait3A_223 = arith.constant 0 : i32
      %dma_wait3A_224 = tpu.memref_slice %arg4[%select_n3A_13, %dma_wait3A_223] : memref<2500x128xi32, #tpu.memory_space<hbm>> -> memref<71x128xi32, #tpu.memory_space<hbm>>
      %dma_wait3A_225 = arith.constant 0 : i32
      %dma_wait3A_226 = arith.constant 0 : i32
      %dma_wait3A_227 = tpu.memref_slice %arg8[%dma_wait3A_225, %dma_wait3A_226] : memref<86x128xi32, #tpu.memory_space<vmem>> -> memref<71x128xi32, #tpu.memory_space<vmem>>
      %dma_wait3A_228 = arith.constant 0 : i32
      %dma_wait3A_229 = tpu.memref_slice %arg4[%select_n3A_13, %dma_wait3A_228] : memref<2500x128xi32, #tpu.memory_space<hbm>> -> memref<71x128xi32, #tpu.memory_space<hbm>>
      tpu.wait_dma2 semaphore(%arg11 : memref<!tpu.dma_semaphore, #tpu.memory_space<semaphore_mem>>) src(%dma_wait3A_229 : memref<71x128xi32, #tpu.memory_space<hbm>>) dst(%dma_wait3A_227 : memref<71x128xi32, #tpu.memory_space<vmem>>)
    } else {
    }
    %eq3A_58 = arith.constant 1 : i32
    %eq3A_59 = arith.cmpi eq, %arg0, %eq3A_58 : i32
    %eq3A_60 = arith.constant 15 : i32
    %eq3A_61 = arith.cmpi eq, %arg1, %eq3A_60 : i32
    %and3A_62 = arith.andi %eq3A_59, %eq3A_61 : i1
    %convert_element_type3A_63 = arith.extui %and3A_62 : i1 to i32
    %cond3A_64 = arith.constant 0 : i32
    %cond3A_65 = arith.cmpi ne, %convert_element_type3A_63, %cond3A_64 : i32
    scf.if %cond3A_65 {
      %dma_wait3A_210 = arith.constant 0 : i32
      %dma_wait3A_211 = arith.constant 0 : i32
      %dma_wait3A_212 = tpu.memref_slice %arg7[%dma_wait3A_210, %dma_wait3A_211] : memref<86x128xi32, #tpu.memory_space<vmem>> -> memref<59x128xi32, #tpu.memory_space<vmem>>
      %dma_wait3A_213 = arith.constant 0 : i32
      %dma_wait3A_214 = tpu.memref_slice %arg3[%select_n3A_13, %dma_wait3A_213] : memref<2500x128xi32, #tpu.memory_space<hbm>> -> memref<59x128xi32, #tpu.memory_space<hbm>>
      %dma_wait3A_215 = arith.constant 0 : i32
      %dma_wait3A_216 = arith.constant 0 : i32
      %dma_wait3A_217 = tpu.memref_slice %arg7[%dma_wait3A_215, %dma_wait3A_216] : memref<86x128xi32, #tpu.memory_space<vmem>> -> memref<59x128xi32, #tpu.memory_space<vmem>>
      %dma_wait3A_218 = arith.constant 0 : i32
      %dma_wait3A_219 = tpu.memref_slice %arg3[%select_n3A_13, %dma_wait3A_218] : memref<2500x128xi32, #tpu.memory_space<hbm>> -> memref<59x128xi32, #tpu.memory_space<hbm>>
      tpu.wait_dma2 semaphore(%arg11 : memref<!tpu.dma_semaphore, #tpu.memory_space<semaphore_mem>>) src(%dma_wait3A_219 : memref<59x128xi32, #tpu.memory_space<hbm>>) dst(%dma_wait3A_217 : memref<59x128xi32, #tpu.memory_space<vmem>>)
      %dma_wait3A_220 = arith.constant 0 : i32
      %dma_wait3A_221 = arith.constant 0 : i32
      %dma_wait3A_222 = tpu.memref_slice %arg8[%dma_wait3A_220, %dma_wait3A_221] : memref<86x128xi32, #tpu.memory_space<vmem>> -> memref<59x128xi32, #tpu.memory_space<vmem>>
      %dma_wait3A_223 = arith.constant 0 : i32
      %dma_wait3A_224 = tpu.memref_slice %arg4[%select_n3A_13, %dma_wait3A_223] : memref<2500x128xi32, #tpu.memory_space<hbm>> -> memref<59x128xi32, #tpu.memory_space<hbm>>
      %dma_wait3A_225 = arith.constant 0 : i32
      %dma_wait3A_226 = arith.constant 0 : i32
      %dma_wait3A_227 = tpu.memref_slice %arg8[%dma_wait3A_225, %dma_wait3A_226] : memref<86x128xi32, #tpu.memory_space<vmem>> -> memref<59x128xi32, #tpu.memory_space<vmem>>
      %dma_wait3A_228 = arith.constant 0 : i32
      %dma_wait3A_229 = tpu.memref_slice %arg4[%select_n3A_13, %dma_wait3A_228] : memref<2500x128xi32, #tpu.memory_space<hbm>> -> memref<59x128xi32, #tpu.memory_space<hbm>>
      tpu.wait_dma2 semaphore(%arg11 : memref<!tpu.dma_semaphore, #tpu.memory_space<semaphore_mem>>) src(%dma_wait3A_229 : memref<59x128xi32, #tpu.memory_space<hbm>>) dst(%dma_wait3A_227 : memref<59x128xi32, #tpu.memory_space<vmem>>)
    } else {
    }
    %barrier3A = arith.constant 0 : index
    tpu.barrier barrier_id(%barrier3A)
    %dma_start3A_66 = arith.constant 0 : i32
    %dma_start3A_67 = arith.constant 0 : i32
    %dma_start3A_68 = arith.constant 0 : i32
    %dma_start3A_69 = arith.constant 0 : i32
    %dma_start3A_70 = tpu.memref_slice %arg9[%dma_start3A_67, %dma_start3A_68, %dma_start3A_69] : memref<20x128x32xf32, #tpu.memory_space<vmem>> -> memref<1x128x32xf32, #tpu.memory_space<vmem>>
    %dma_start3A_71 = tpu.memref_squeeze %dma_start3A_70 : memref<1x128x32xf32, #tpu.memory_space<vmem>> -> memref<128x32xf32, #tpu.memory_space<vmem>>
    %dma_start3A_72 = arith.constant 0 : i32
    %dma_start3A_73 = tpu.memref_slice %arg7[%dma_start3A_66, %dma_start3A_72] : memref<86x128xi32, #tpu.memory_space<vmem>> -> memref<1x128xi32, #tpu.memory_space<vmem>>
    %dma_start3A_74 = tpu.memref_squeeze %dma_start3A_73 : memref<1x128xi32, #tpu.memory_space<vmem>> -> memref<128xi32, #tpu.memory_space<vmem>>
    %dma_start3A_75 = arith.constant 0 : i32
    %dma_start3A_76 = arith.constant 0 : i32
    %dma_start3A_77 = tpu.memref_slice %arg2[%dma_start3A_75, %dma_start3A_76] : memref<10240x32xf32, #tpu.memory_space<hbm>> -> memref<10240x32xf32, #tpu.memory_space<hbm>>
    tpu.enqueue_indirect_dma source(%dma_start3A_77 : memref<10240x32xf32, #tpu.memory_space<hbm>>) target(%dma_start3A_71 : memref<128x32xf32, #tpu.memory_space<vmem>>) offsets(%dma_start3A_74 : memref<128xi32, #tpu.memory_space<vmem>>) semaphore(%arg11 : memref<!tpu.dma_semaphore, #tpu.memory_space<semaphore_mem>>)
    %dma_start3A_78 = arith.constant 1 : i32
    %dma_start3A_79 = arith.constant 1 : i32
    %dma_start3A_80 = arith.constant 0 : i32
    %dma_start3A_81 = arith.constant 0 : i32
    %dma_start3A_82 = tpu.memref_slice %arg9[%dma_start3A_79, %dma_start3A_80, %dma_start3A_81] : memref<20x128x32xf32, #tpu.memory_space<vmem>> -> memref<1x128x32xf32, #tpu.memory_space<vmem>>
    %dma_start3A_83 = tpu.memref_squeeze %dma_start3A_82 : memref<1x128x32xf32, #tpu.memory_space<vmem>> -> memref<128x32xf32, #tpu.memory_space<vmem>>
    %dma_start3A_84 = arith.constant 0 : i32
    %dma_start3A_85 = tpu.memref_slice %arg7[%dma_start3A_78, %dma_start3A_84] : memref<86x128xi32, #tpu.memory_space<vmem>> -> memref<1x128xi32, #tpu.memory_space<vmem>>
    %dma_start3A_86 = tpu.memref_squeeze %dma_start3A_85 : memref<1x128xi32, #tpu.memory_space<vmem>> -> memref<128xi32, #tpu.memory_space<vmem>>
    %dma_start3A_87 = arith.constant 0 : i32
    %dma_start3A_88 = arith.constant 0 : i32
    %dma_start3A_89 = tpu.memref_slice %arg2[%dma_start3A_87, %dma_start3A_88] : memref<10240x32xf32, #tpu.memory_space<hbm>> -> memref<10240x32xf32, #tpu.memory_space<hbm>>
    tpu.enqueue_indirect_dma source(%dma_start3A_89 : memref<10240x32xf32, #tpu.memory_space<hbm>>) target(%dma_start3A_83 : memref<128x32xf32, #tpu.memory_space<vmem>>) offsets(%dma_start3A_86 : memref<128xi32, #tpu.memory_space<vmem>>) semaphore(%arg11 : memref<!tpu.dma_semaphore, #tpu.memory_space<semaphore_mem>>)
    %dma_start3A_90 = arith.constant 2 : i32
    %dma_start3A_91 = arith.constant 2 : i32
    %dma_start3A_92 = arith.constant 0 : i32
    %dma_start3A_93 = arith.constant 0 : i32
    %dma_start3A_94 = tpu.memref_slice %arg9[%dma_start3A_91, %dma_start3A_92, %dma_start3A_93] : memref<20x128x32xf32, #tpu.memory_space<vmem>> -> memref<1x128x32xf32, #tpu.memory_space<vmem>>
    %dma_start3A_95 = tpu.memref_squeeze %dma_start3A_94 : memref<1x128x32xf32, #tpu.memory_space<vmem>> -> memref<128x32xf32, #tpu.memory_space<vmem>>
    %dma_start3A_96 = arith.constant 0 : i32
    %dma_start3A_97 = tpu.memref_slice %arg7[%dma_start3A_90, %dma_start3A_96] : memref<86x128xi32, #tpu.memory_space<vmem>> -> memref<1x128xi32, #tpu.memory_space<vmem>>
    %dma_start3A_98 = tpu.memref_squeeze %dma_start3A_97 : memref<1x128xi32, #tpu.memory_space<vmem>> -> memref<128xi32, #tpu.memory_space<vmem>>
    %dma_start3A_99 = arith.constant 0 : i32
    %dma_start3A_100 = arith.constant 0 : i32
    %dma_start3A_101 = tpu.memref_slice %arg2[%dma_start3A_99, %dma_start3A_100] : memref<10240x32xf32, #tpu.memory_space<hbm>> -> memref<10240x32xf32, #tpu.memory_space<hbm>>
    tpu.enqueue_indirect_dma source(%dma_start3A_101 : memref<10240x32xf32, #tpu.memory_space<hbm>>) target(%dma_start3A_95 : memref<128x32xf32, #tpu.memory_space<vmem>>) offsets(%dma_start3A_98 : memref<128xi32, #tpu.memory_space<vmem>>) semaphore(%arg11 : memref<!tpu.dma_semaphore, #tpu.memory_space<semaphore_mem>>)
    %dma_start3A_102 = arith.constant 3 : i32
    %dma_start3A_103 = arith.constant 3 : i32
    %dma_start3A_104 = arith.constant 0 : i32
    %dma_start3A_105 = arith.constant 0 : i32
    %dma_start3A_106 = tpu.memref_slice %arg9[%dma_start3A_103, %dma_start3A_104, %dma_start3A_105] : memref<20x128x32xf32, #tpu.memory_space<vmem>> -> memref<1x128x32xf32, #tpu.memory_space<vmem>>
    %dma_start3A_107 = tpu.memref_squeeze %dma_start3A_106 : memref<1x128x32xf32, #tpu.memory_space<vmem>> -> memref<128x32xf32, #tpu.memory_space<vmem>>
    %dma_start3A_108 = arith.constant 0 : i32
    %dma_start3A_109 = tpu.memref_slice %arg7[%dma_start3A_102, %dma_start3A_108] : memref<86x128xi32, #tpu.memory_space<vmem>> -> memref<1x128xi32, #tpu.memory_space<vmem>>
    %dma_start3A_110 = tpu.memref_squeeze %dma_start3A_109 : memref<1x128xi32, #tpu.memory_space<vmem>> -> memref<128xi32, #tpu.memory_space<vmem>>
    %dma_start3A_111 = arith.constant 0 : i32
    %dma_start3A_112 = arith.constant 0 : i32
    %dma_start3A_113 = tpu.memref_slice %arg2[%dma_start3A_111, %dma_start3A_112] : memref<10240x32xf32, #tpu.memory_space<hbm>> -> memref<10240x32xf32, #tpu.memory_space<hbm>>
    tpu.enqueue_indirect_dma source(%dma_start3A_113 : memref<10240x32xf32, #tpu.memory_space<hbm>>) target(%dma_start3A_107 : memref<128x32xf32, #tpu.memory_space<vmem>>) offsets(%dma_start3A_110 : memref<128xi32, #tpu.memory_space<vmem>>) semaphore(%arg11 : memref<!tpu.dma_semaphore, #tpu.memory_space<semaphore_mem>>)
    %dma_start3A_114 = arith.constant 4 : i32
    %dma_start3A_115 = arith.constant 4 : i32
    %dma_start3A_116 = arith.constant 0 : i32
    %dma_start3A_117 = arith.constant 0 : i32
    %dma_start3A_118 = tpu.memref_slice %arg9[%dma_start3A_115, %dma_start3A_116, %dma_start3A_117] : memref<20x128x32xf32, #tpu.memory_space<vmem>> -> memref<1x128x32xf32, #tpu.memory_space<vmem>>
    %dma_start3A_119 = tpu.memref_squeeze %dma_start3A_118 : memref<1x128x32xf32, #tpu.memory_space<vmem>> -> memref<128x32xf32, #tpu.memory_space<vmem>>
    %dma_start3A_120 = arith.constant 0 : i32
    %dma_start3A_121 = tpu.memref_slice %arg7[%dma_start3A_114, %dma_start3A_120] : memref<86x128xi32, #tpu.memory_space<vmem>> -> memref<1x128xi32, #tpu.memory_space<vmem>>
    %dma_start3A_122 = tpu.memref_squeeze %dma_start3A_121 : memref<1x128xi32, #tpu.memory_space<vmem>> -> memref<128xi32, #tpu.memory_space<vmem>>
    %dma_start3A_123 = arith.constant 0 : i32
    %dma_start3A_124 = arith.constant 0 : i32
    %dma_start3A_125 = tpu.memref_slice %arg2[%dma_start3A_123, %dma_start3A_124] : memref<10240x32xf32, #tpu.memory_space<hbm>> -> memref<10240x32xf32, #tpu.memory_space<hbm>>
    tpu.enqueue_indirect_dma source(%dma_start3A_125 : memref<10240x32xf32, #tpu.memory_space<hbm>>) target(%dma_start3A_119 : memref<128x32xf32, #tpu.memory_space<vmem>>) offsets(%dma_start3A_122 : memref<128xi32, #tpu.memory_space<vmem>>) semaphore(%arg11 : memref<!tpu.dma_semaphore, #tpu.memory_space<semaphore_mem>>)
    %dma_start3A_126 = arith.constant 5 : i32
    %dma_start3A_127 = arith.constant 5 : i32
    %dma_start3A_128 = arith.constant 0 : i32
    %dma_start3A_129 = arith.constant 0 : i32
    %dma_start3A_130 = tpu.memref_slice %arg9[%dma_start3A_127, %dma_start3A_128, %dma_start3A_129] : memref<20x128x32xf32, #tpu.memory_space<vmem>> -> memref<1x128x32xf32, #tpu.memory_space<vmem>>
    %dma_start3A_131 = tpu.memref_squeeze %dma_start3A_130 : memref<1x128x32xf32, #tpu.memory_space<vmem>> -> memref<128x32xf32, #tpu.memory_space<vmem>>
    %dma_start3A_132 = arith.constant 0 : i32
    %dma_start3A_133 = tpu.memref_slice %arg7[%dma_start3A_126, %dma_start3A_132] : memref<86x128xi32, #tpu.memory_space<vmem>> -> memref<1x128xi32, #tpu.memory_space<vmem>>
    %dma_start3A_134 = tpu.memref_squeeze %dma_start3A_133 : memref<1x128xi32, #tpu.memory_space<vmem>> -> memref<128xi32, #tpu.memory_space<vmem>>
    %dma_start3A_135 = arith.constant 0 : i32
    %dma_start3A_136 = arith.constant 0 : i32
    %dma_start3A_137 = tpu.memref_slice %arg2[%dma_start3A_135, %dma_start3A_136] : memref<10240x32xf32, #tpu.memory_space<hbm>> -> memref<10240x32xf32, #tpu.memory_space<hbm>>
    tpu.enqueue_indirect_dma source(%dma_start3A_137 : memref<10240x32xf32, #tpu.memory_space<hbm>>) target(%dma_start3A_131 : memref<128x32xf32, #tpu.memory_space<vmem>>) offsets(%dma_start3A_134 : memref<128xi32, #tpu.memory_space<vmem>>) semaphore(%arg11 : memref<!tpu.dma_semaphore, #tpu.memory_space<semaphore_mem>>)
    %dma_start3A_138 = arith.constant 6 : i32
    %dma_start3A_139 = arith.constant 6 : i32
    %dma_start3A_140 = arith.constant 0 : i32
    %dma_start3A_141 = arith.constant 0 : i32
    %dma_start3A_142 = tpu.memref_slice %arg9[%dma_start3A_139, %dma_start3A_140, %dma_start3A_141] : memref<20x128x32xf32, #tpu.memory_space<vmem>> -> memref<1x128x32xf32, #tpu.memory_space<vmem>>
    %dma_start3A_143 = tpu.memref_squeeze %dma_start3A_142 : memref<1x128x32xf32, #tpu.memory_space<vmem>> -> memref<128x32xf32, #tpu.memory_space<vmem>>
    %dma_start3A_144 = arith.constant 0 : i32
    %dma_start3A_145 = tpu.memref_slice %arg7[%dma_start3A_138, %dma_start3A_144] : memref<86x128xi32, #tpu.memory_space<vmem>> -> memref<1x128xi32, #tpu.memory_space<vmem>>
    %dma_start3A_146 = tpu.memref_squeeze %dma_start3A_145 : memref<1x128xi32, #tpu.memory_space<vmem>> -> memref<128xi32, #tpu.memory_space<vmem>>
    %dma_start3A_147 = arith.constant 0 : i32
    %dma_start3A_148 = arith.constant 0 : i32
    %dma_start3A_149 = tpu.memref_slice %arg2[%dma_start3A_147, %dma_start3A_148] : memref<10240x32xf32, #tpu.memory_space<hbm>> -> memref<10240x32xf32, #tpu.memory_space<hbm>>
    tpu.enqueue_indirect_dma source(%dma_start3A_149 : memref<10240x32xf32, #tpu.memory_space<hbm>>) target(%dma_start3A_143 : memref<128x32xf32, #tpu.memory_space<vmem>>) offsets(%dma_start3A_146 : memref<128xi32, #tpu.memory_space<vmem>>) semaphore(%arg11 : memref<!tpu.dma_semaphore, #tpu.memory_space<semaphore_mem>>)
    %dma_start3A_150 = arith.constant 7 : i32
    %dma_start3A_151 = arith.constant 7 : i32
    %dma_start3A_152 = arith.constant 0 : i32
    %dma_start3A_153 = arith.constant 0 : i32
    %dma_start3A_154 = tpu.memref_slice %arg9[%dma_start3A_151, %dma_start3A_152, %dma_start3A_153] : memref<20x128x32xf32, #tpu.memory_space<vmem>> -> memref<1x128x32xf32, #tpu.memory_space<vmem>>
    %dma_start3A_155 = tpu.memref_squeeze %dma_start3A_154 : memref<1x128x32xf32, #tpu.memory_space<vmem>> -> memref<128x32xf32, #tpu.memory_space<vmem>>
    %dma_start3A_156 = arith.constant 0 : i32
    %dma_start3A_157 = tpu.memref_slice %arg7[%dma_start3A_150, %dma_start3A_156] : memref<86x128xi32, #tpu.memory_space<vmem>> -> memref<1x128xi32, #tpu.memory_space<vmem>>
    %dma_start3A_158 = tpu.memref_squeeze %dma_start3A_157 : memref<1x128xi32, #tpu.memory_space<vmem>> -> memref<128xi32, #tpu.memory_space<vmem>>
    %dma_start3A_159 = arith.constant 0 : i32
    %dma_start3A_160 = arith.constant 0 : i32
    %dma_start3A_161 = tpu.memref_slice %arg2[%dma_start3A_159, %dma_start3A_160] : memref<10240x32xf32, #tpu.memory_space<hbm>> -> memref<10240x32xf32, #tpu.memory_space<hbm>>
    tpu.enqueue_indirect_dma source(%dma_start3A_161 : memref<10240x32xf32, #tpu.memory_space<hbm>>) target(%dma_start3A_155 : memref<128x32xf32, #tpu.memory_space<vmem>>) offsets(%dma_start3A_158 : memref<128xi32, #tpu.memory_space<vmem>>) semaphore(%arg11 : memref<!tpu.dma_semaphore, #tpu.memory_space<semaphore_mem>>)
    %dma_start3A_162 = arith.constant 8 : i32
    %dma_start3A_163 = arith.constant 8 : i32
    %dma_start3A_164 = arith.constant 0 : i32
    %dma_start3A_165 = arith.constant 0 : i32
    %dma_start3A_166 = tpu.memref_slice %arg9[%dma_start3A_163, %dma_start3A_164, %dma_start3A_165] : memref<20x128x32xf32, #tpu.memory_space<vmem>> -> memref<1x128x32xf32, #tpu.memory_space<vmem>>
    %dma_start3A_167 = tpu.memref_squeeze %dma_start3A_166 : memref<1x128x32xf32, #tpu.memory_space<vmem>> -> memref<128x32xf32, #tpu.memory_space<vmem>>
    %dma_start3A_168 = arith.constant 0 : i32
    %dma_start3A_169 = tpu.memref_slice %arg7[%dma_start3A_162, %dma_start3A_168] : memref<86x128xi32, #tpu.memory_space<vmem>> -> memref<1x128xi32, #tpu.memory_space<vmem>>
    %dma_start3A_170 = tpu.memref_squeeze %dma_start3A_169 : memref<1x128xi32, #tpu.memory_space<vmem>> -> memref<128xi32, #tpu.memory_space<vmem>>
    %dma_start3A_171 = arith.constant 0 : i32
    %dma_start3A_172 = arith.constant 0 : i32
    %dma_start3A_173 = tpu.memref_slice %arg2[%dma_start3A_171, %dma_start3A_172] : memref<10240x32xf32, #tpu.memory_space<hbm>> -> memref<10240x32xf32, #tpu.memory_space<hbm>>
    tpu.enqueue_indirect_dma source(%dma_start3A_173 : memref<10240x32xf32, #tpu.memory_space<hbm>>) target(%dma_start3A_167 : memref<128x32xf32, #tpu.memory_space<vmem>>) offsets(%dma_start3A_170 : memref<128xi32, #tpu.memory_space<vmem>>) semaphore(%arg11 : memref<!tpu.dma_semaphore, #tpu.memory_space<semaphore_mem>>)
    %dma_start3A_174 = arith.constant 9 : i32
    %dma_start3A_175 = arith.constant 9 : i32
    %dma_start3A_176 = arith.constant 0 : i32
    %dma_start3A_177 = arith.constant 0 : i32
    %dma_start3A_178 = tpu.memref_slice %arg9[%dma_start3A_175, %dma_start3A_176, %dma_start3A_177] : memref<20x128x32xf32, #tpu.memory_space<vmem>> -> memref<1x128x32xf32, #tpu.memory_space<vmem>>
    %dma_start3A_179 = tpu.memref_squeeze %dma_start3A_178 : memref<1x128x32xf32, #tpu.memory_space<vmem>> -> memref<128x32xf32, #tpu.memory_space<vmem>>
    %dma_start3A_180 = arith.constant 0 : i32
    %dma_start3A_181 = tpu.memref_slice %arg7[%dma_start3A_174, %dma_start3A_180] : memref<86x128xi32, #tpu.memory_space<vmem>> -> memref<1x128xi32, #tpu.memory_space<vmem>>
    %dma_start3A_182 = tpu.memref_squeeze %dma_start3A_181 : memref<1x128xi32, #tpu.memory_space<vmem>> -> memref<128xi32, #tpu.memory_space<vmem>>
    %dma_start3A_183 = arith.constant 0 : i32
    %dma_start3A_184 = arith.constant 0 : i32
    %dma_start3A_185 = tpu.memref_slice %arg2[%dma_start3A_183, %dma_start3A_184] : memref<10240x32xf32, #tpu.memory_space<hbm>> -> memref<10240x32xf32, #tpu.memory_space<hbm>>
    tpu.enqueue_indirect_dma source(%dma_start3A_185 : memref<10240x32xf32, #tpu.memory_space<hbm>>) target(%dma_start3A_179 : memref<128x32xf32, #tpu.memory_space<vmem>>) offsets(%dma_start3A_182 : memref<128xi32, #tpu.memory_space<vmem>>) semaphore(%arg11 : memref<!tpu.dma_semaphore, #tpu.memory_space<semaphore_mem>>)
    %while3A = arith.constant 0 : i32
    %while3A_186 = arith.constant 0 : i32
    %while3A_187 = arith.subi %select_n3A_6, %while3A_186 : i32
    %while3A_188 = arith.addi %while3A_186, %while3A_187 : i32
    %while3A_189 = arith.constant 1 : i32
    %while3A_190 = arith.divsi %while3A_187, %while3A_189 : i32
    %while3A_191 = arith.muli %while3A_190, %while3A_189 : i32
    %while3A_192 = arith.addi %while3A_186, %while3A_191 : i32
    %while3A_193 = arith.constant 1 : i32
    scf.for %while3A_210 = %while3A_186 to %while3A_192 step %while3A_193  : i32 {
      %rem3A = arith.constant 20 : i32
      %rem3A_211 = arith.remsi %while3A_210, %rem3A : i32
      %dma_wait3A_212 = arith.constant 0 : i32
      %dma_wait3A_213 = arith.constant 0 : i32
      %dma_wait3A_214 = tpu.memref_slice %arg9[%rem3A_211, %dma_wait3A_212, %dma_wait3A_213] : memref<20x128x32xf32, #tpu.memory_space<vmem>> -> memref<1x128x32xf32, #tpu.memory_space<vmem>>
      %dma_wait3A_215 = tpu.memref_squeeze %dma_wait3A_214 : memref<1x128x32xf32, #tpu.memory_space<vmem>> -> memref<128x32xf32, #tpu.memory_space<vmem>>
      %dma_wait3A_216 = arith.constant 0 : i32
      %dma_wait3A_217 = tpu.memref_slice %arg7[%while3A_210, %dma_wait3A_216] : memref<86x128xi32, #tpu.memory_space<vmem>> -> memref<1x128xi32, #tpu.memory_space<vmem>>
      %dma_wait3A_218 = tpu.memref_squeeze %dma_wait3A_217 : memref<1x128xi32, #tpu.memory_space<vmem>> -> memref<128xi32, #tpu.memory_space<vmem>>
      %dma_wait3A_219 = arith.constant 0 : i32
      %dma_wait3A_220 = arith.constant 0 : i32
      %dma_wait3A_221 = tpu.memref_slice %arg2[%dma_wait3A_219, %dma_wait3A_220] : memref<10240x32xf32, #tpu.memory_space<hbm>> -> memref<10240x32xf32, #tpu.memory_space<hbm>>
      tpu.wait_indirect_dma semaphore(%arg11 : memref<!tpu.dma_semaphore, #tpu.memory_space<semaphore_mem>>) src(%dma_wait3A_221 : memref<10240x32xf32, #tpu.memory_space<hbm>>) dst(%dma_wait3A_215 : memref<128x32xf32, #tpu.memory_space<vmem>>)
      %dma_start3A_222 = arith.constant 0 : i32
      %dma_start3A_223 = arith.constant 0 : i32
      %dma_start3A_224 = tpu.memref_slice %arg9[%rem3A_211, %dma_start3A_222, %dma_start3A_223] : memref<20x128x32xf32, #tpu.memory_space<vmem>> -> memref<1x128x32xf32, #tpu.memory_space<vmem>>
      %dma_start3A_225 = tpu.memref_squeeze %dma_start3A_224 : memref<1x128x32xf32, #tpu.memory_space<vmem>> -> memref<128x32xf32, #tpu.memory_space<vmem>>
      %dma_start3A_226 = arith.constant 0 : i32
      %dma_start3A_227 = tpu.memref_slice %arg8[%while3A_210, %dma_start3A_226] : memref<86x128xi32, #tpu.memory_space<vmem>> -> memref<1x128xi32, #tpu.memory_space<vmem>>
      %dma_start3A_228 = tpu.memref_squeeze %dma_start3A_227 : memref<1x128xi32, #tpu.memory_space<vmem>> -> memref<128xi32, #tpu.memory_space<vmem>>
      %dma_start3A_229 = arith.constant 0 : i32
      %dma_start3A_230 = arith.constant 0 : i32
      %dma_start3A_231 = tpu.memref_slice %arg10[%dma_start3A_229, %dma_start3A_230] : memref<10240x32xf32, #tpu.memory_space<vmem_shared>> -> memref<10240x32xf32, #tpu.memory_space<vmem_shared>>
      tpu.enqueue_indirect_dma source(%dma_start3A_225 : memref<128x32xf32, #tpu.memory_space<vmem>>) target(%dma_start3A_231 : memref<10240x32xf32, #tpu.memory_space<vmem_shared>>) offsets(%dma_start3A_228 : memref<128xi32, #tpu.memory_space<vmem>>) semaphore(%arg12 : memref<!tpu.dma_semaphore, #tpu.memory_space<semaphore_mem>>) {add = true}
      %ge3A = arith.constant 10 : i32
      %ge3A_232 = arith.cmpi sge, %while3A_210, %ge3A : i32
      %convert_element_type3A_233 = arith.extui %ge3A_232 : i1 to i32
      %cond3A_234 = arith.constant 0 : i32
      %cond3A_235 = arith.cmpi ne, %convert_element_type3A_233, %cond3A_234 : i32
      scf.if %cond3A_235 {
        %sub3A_242 = arith.constant 10 : i32
        %sub3A_243 = arith.subi %while3A_210, %sub3A_242 : i32
        %rem3A_244 = arith.constant 20 : i32
        %rem3A_245 = arith.remsi %sub3A_243, %rem3A_244 : i32
        %sub3A_246 = arith.constant 10 : i32
        %sub3A_247 = arith.subi %while3A_210, %sub3A_246 : i32
        %dma_wait3A_248 = arith.constant 0 : i32
        %dma_wait3A_249 = arith.constant 0 : i32
        %dma_wait3A_250 = tpu.memref_slice %arg9[%rem3A_245, %dma_wait3A_248, %dma_wait3A_249] : memref<20x128x32xf32, #tpu.memory_space<vmem>> -> memref<1x128x32xf32, #tpu.memory_space<vmem>>
        %dma_wait3A_251 = tpu.memref_squeeze %dma_wait3A_250 : memref<1x128x32xf32, #tpu.memory_space<vmem>> -> memref<128x32xf32, #tpu.memory_space<vmem>>
        %dma_wait3A_252 = arith.constant 0 : i32
        %dma_wait3A_253 = tpu.memref_slice %arg8[%sub3A_247, %dma_wait3A_252] : memref<86x128xi32, #tpu.memory_space<vmem>> -> memref<1x128xi32, #tpu.memory_space<vmem>>
        %dma_wait3A_254 = tpu.memref_squeeze %dma_wait3A_253 : memref<1x128xi32, #tpu.memory_space<vmem>> -> memref<128xi32, #tpu.memory_space<vmem>>
        %dma_wait3A_255 = arith.constant 0 : i32
        %dma_wait3A_256 = arith.constant 0 : i32
        %dma_wait3A_257 = tpu.memref_slice %arg10[%dma_wait3A_255, %dma_wait3A_256] : memref<10240x32xf32, #tpu.memory_space<vmem_shared>> -> memref<10240x32xf32, #tpu.memory_space<vmem_shared>>
        tpu.wait_indirect_dma semaphore(%arg12 : memref<!tpu.dma_semaphore, #tpu.memory_space<semaphore_mem>>) src(%dma_wait3A_251 : memref<128x32xf32, #tpu.memory_space<vmem>>) dst(%dma_wait3A_257 : memref<10240x32xf32, #tpu.memory_space<vmem_shared>>)
      } else {
      }
      %add3A_236 = arith.constant 10 : i32
      %add3A_237 = arith.addi %while3A_210, %add3A_236 : i32
      %lt3A_238 = arith.cmpi slt, %add3A_237, %select_n3A_6 : i32
      %convert_element_type3A_239 = arith.extui %lt3A_238 : i1 to i32
      %cond3A_240 = arith.constant 0 : i32
      %cond3A_241 = arith.cmpi ne, %convert_element_type3A_239, %cond3A_240 : i32
      scf.if %cond3A_241 {
        %add3A_242 = arith.constant 10 : i32
        %add3A_243 = arith.addi %while3A_210, %add3A_242 : i32
        %rem3A_244 = arith.constant 20 : i32
        %rem3A_245 = arith.remsi %add3A_243, %rem3A_244 : i32
        %add3A_246 = arith.constant 10 : i32
        %add3A_247 = arith.addi %while3A_210, %add3A_246 : i32
        %dma_start3A_248 = arith.constant 0 : i32
        %dma_start3A_249 = arith.constant 0 : i32
        %dma_start3A_250 = tpu.memref_slice %arg9[%rem3A_245, %dma_start3A_248, %dma_start3A_249] : memref<20x128x32xf32, #tpu.memory_space<vmem>> -> memref<1x128x32xf32, #tpu.memory_space<vmem>>
        %dma_start3A_251 = tpu.memref_squeeze %dma_start3A_250 : memref<1x128x32xf32, #tpu.memory_space<vmem>> -> memref<128x32xf32, #tpu.memory_space<vmem>>
        %dma_start3A_252 = arith.constant 0 : i32
        %dma_start3A_253 = tpu.memref_slice %arg7[%add3A_247, %dma_start3A_252] : memref<86x128xi32, #tpu.memory_space<vmem>> -> memref<1x128xi32, #tpu.memory_space<vmem>>
        %dma_start3A_254 = tpu.memref_squeeze %dma_start3A_253 : memref<1x128xi32, #tpu.memory_space<vmem>> -> memref<128xi32, #tpu.memory_space<vmem>>
        %dma_start3A_255 = arith.constant 0 : i32
        %dma_start3A_256 = arith.constant 0 : i32
        %dma_start3A_257 = tpu.memref_slice %arg2[%dma_start3A_255, %dma_start3A_256] : memref<10240x32xf32, #tpu.memory_space<hbm>> -> memref<10240x32xf32, #tpu.memory_space<hbm>>
        tpu.enqueue_indirect_dma source(%dma_start3A_257 : memref<10240x32xf32, #tpu.memory_space<hbm>>) target(%dma_start3A_251 : memref<128x32xf32, #tpu.memory_space<vmem>>) offsets(%dma_start3A_254 : memref<128xi32, #tpu.memory_space<vmem>>) semaphore(%arg11 : memref<!tpu.dma_semaphore, #tpu.memory_space<semaphore_mem>>)
      } else {
      }
    }
    %while3A_194 = arith.constant 1 : i32
    scf.for %while3A_210 = %while3A_192 to %while3A_188 step %while3A_194  : i32 {
      %rem3A = arith.constant 20 : i32
      %rem3A_211 = arith.remsi %while3A_210, %rem3A : i32
      %dma_wait3A_212 = arith.constant 0 : i32
      %dma_wait3A_213 = arith.constant 0 : i32
      %dma_wait3A_214 = tpu.memref_slice %arg9[%rem3A_211, %dma_wait3A_212, %dma_wait3A_213] : memref<20x128x32xf32, #tpu.memory_space<vmem>> -> memref<1x128x32xf32, #tpu.memory_space<vmem>>
      %dma_wait3A_215 = tpu.memref_squeeze %dma_wait3A_214 : memref<1x128x32xf32, #tpu.memory_space<vmem>> -> memref<128x32xf32, #tpu.memory_space<vmem>>
      %dma_wait3A_216 = arith.constant 0 : i32
      %dma_wait3A_217 = tpu.memref_slice %arg7[%while3A_210, %dma_wait3A_216] : memref<86x128xi32, #tpu.memory_space<vmem>> -> memref<1x128xi32, #tpu.memory_space<vmem>>
      %dma_wait3A_218 = tpu.memref_squeeze %dma_wait3A_217 : memref<1x128xi32, #tpu.memory_space<vmem>> -> memref<128xi32, #tpu.memory_space<vmem>>
      %dma_wait3A_219 = arith.constant 0 : i32
      %dma_wait3A_220 = arith.constant 0 : i32
      %dma_wait3A_221 = tpu.memref_slice %arg2[%dma_wait3A_219, %dma_wait3A_220] : memref<10240x32xf32, #tpu.memory_space<hbm>> -> memref<10240x32xf32, #tpu.memory_space<hbm>>
      tpu.wait_indirect_dma semaphore(%arg11 : memref<!tpu.dma_semaphore, #tpu.memory_space<semaphore_mem>>) src(%dma_wait3A_221 : memref<10240x32xf32, #tpu.memory_space<hbm>>) dst(%dma_wait3A_215 : memref<128x32xf32, #tpu.memory_space<vmem>>)
      %dma_start3A_222 = arith.constant 0 : i32
      %dma_start3A_223 = arith.constant 0 : i32
      %dma_start3A_224 = tpu.memref_slice %arg9[%rem3A_211, %dma_start3A_222, %dma_start3A_223] : memref<20x128x32xf32, #tpu.memory_space<vmem>> -> memref<1x128x32xf32, #tpu.memory_space<vmem>>
      %dma_start3A_225 = tpu.memref_squeeze %dma_start3A_224 : memref<1x128x32xf32, #tpu.memory_space<vmem>> -> memref<128x32xf32, #tpu.memory_space<vmem>>
      %dma_start3A_226 = arith.constant 0 : i32
      %dma_start3A_227 = tpu.memref_slice %arg8[%while3A_210, %dma_start3A_226] : memref<86x128xi32, #tpu.memory_space<vmem>> -> memref<1x128xi32, #tpu.memory_space<vmem>>
      %dma_start3A_228 = tpu.memref_squeeze %dma_start3A_227 : memref<1x128xi32, #tpu.memory_space<vmem>> -> memref<128xi32, #tpu.memory_space<vmem>>
      %dma_start3A_229 = arith.constant 0 : i32
      %dma_start3A_230 = arith.constant 0 : i32
      %dma_start3A_231 = tpu.memref_slice %arg10[%dma_start3A_229, %dma_start3A_230] : memref<10240x32xf32, #tpu.memory_space<vmem_shared>> -> memref<10240x32xf32, #tpu.memory_space<vmem_shared>>
      tpu.enqueue_indirect_dma source(%dma_start3A_225 : memref<128x32xf32, #tpu.memory_space<vmem>>) target(%dma_start3A_231 : memref<10240x32xf32, #tpu.memory_space<vmem_shared>>) offsets(%dma_start3A_228 : memref<128xi32, #tpu.memory_space<vmem>>) semaphore(%arg12 : memref<!tpu.dma_semaphore, #tpu.memory_space<semaphore_mem>>) {add = true}
      %ge3A = arith.constant 10 : i32
      %ge3A_232 = arith.cmpi sge, %while3A_210, %ge3A : i32
      %convert_element_type3A_233 = arith.extui %ge3A_232 : i1 to i32
      %cond3A_234 = arith.constant 0 : i32
      %cond3A_235 = arith.cmpi ne, %convert_element_type3A_233, %cond3A_234 : i32
      scf.if %cond3A_235 {
        %sub3A_242 = arith.constant 10 : i32
        %sub3A_243 = arith.subi %while3A_210, %sub3A_242 : i32
        %rem3A_244 = arith.constant 20 : i32
        %rem3A_245 = arith.remsi %sub3A_243, %rem3A_244 : i32
        %sub3A_246 = arith.constant 10 : i32
        %sub3A_247 = arith.subi %while3A_210, %sub3A_246 : i32
        %dma_wait3A_248 = arith.constant 0 : i32
        %dma_wait3A_249 = arith.constant 0 : i32
        %dma_wait3A_250 = tpu.memref_slice %arg9[%rem3A_245, %dma_wait3A_248, %dma_wait3A_249] : memref<20x128x32xf32, #tpu.memory_space<vmem>> -> memref<1x128x32xf32, #tpu.memory_space<vmem>>
        %dma_wait3A_251 = tpu.memref_squeeze %dma_wait3A_250 : memref<1x128x32xf32, #tpu.memory_space<vmem>> -> memref<128x32xf32, #tpu.memory_space<vmem>>
        %dma_wait3A_252 = arith.constant 0 : i32
        %dma_wait3A_253 = tpu.memref_slice %arg8[%sub3A_247, %dma_wait3A_252] : memref<86x128xi32, #tpu.memory_space<vmem>> -> memref<1x128xi32, #tpu.memory_space<vmem>>
        %dma_wait3A_254 = tpu.memref_squeeze %dma_wait3A_253 : memref<1x128xi32, #tpu.memory_space<vmem>> -> memref<128xi32, #tpu.memory_space<vmem>>
        %dma_wait3A_255 = arith.constant 0 : i32
        %dma_wait3A_256 = arith.constant 0 : i32
        %dma_wait3A_257 = tpu.memref_slice %arg10[%dma_wait3A_255, %dma_wait3A_256] : memref<10240x32xf32, #tpu.memory_space<vmem_shared>> -> memref<10240x32xf32, #tpu.memory_space<vmem_shared>>
        tpu.wait_indirect_dma semaphore(%arg12 : memref<!tpu.dma_semaphore, #tpu.memory_space<semaphore_mem>>) src(%dma_wait3A_251 : memref<128x32xf32, #tpu.memory_space<vmem>>) dst(%dma_wait3A_257 : memref<10240x32xf32, #tpu.memory_space<vmem_shared>>)
      } else {
      }
      %add3A_236 = arith.constant 10 : i32
      %add3A_237 = arith.addi %while3A_210, %add3A_236 : i32
      %lt3A_238 = arith.cmpi slt, %add3A_237, %select_n3A_6 : i32
      %convert_element_type3A_239 = arith.extui %lt3A_238 : i1 to i32
      %cond3A_240 = arith.constant 0 : i32
      %cond3A_241 = arith.cmpi ne, %convert_element_type3A_239, %cond3A_240 : i32
      scf.if %cond3A_241 {
        %add3A_242 = arith.constant 10 : i32
        %add3A_243 = arith.addi %while3A_210, %add3A_242 : i32
        %rem3A_244 = arith.constant 20 : i32
        %rem3A_245 = arith.remsi %add3A_243, %rem3A_244 : i32
        %add3A_246 = arith.constant 10 : i32
        %add3A_247 = arith.addi %while3A_210, %add3A_246 : i32
        %dma_start3A_248 = arith.constant 0 : i32
        %dma_start3A_249 = arith.constant 0 : i32
        %dma_start3A_250 = tpu.memref_slice %arg9[%rem3A_245, %dma_start3A_248, %dma_start3A_249] : memref<20x128x32xf32, #tpu.memory_space<vmem>> -> memref<1x128x32xf32, #tpu.memory_space<vmem>>
        %dma_start3A_251 = tpu.memref_squeeze %dma_start3A_250 : memref<1x128x32xf32, #tpu.memory_space<vmem>> -> memref<128x32xf32, #tpu.memory_space<vmem>>
        %dma_start3A_252 = arith.constant 0 : i32
        %dma_start3A_253 = tpu.memref_slice %arg7[%add3A_247, %dma_start3A_252] : memref<86x128xi32, #tpu.memory_space<vmem>> -> memref<1x128xi32, #tpu.memory_space<vmem>>
        %dma_start3A_254 = tpu.memref_squeeze %dma_start3A_253 : memref<1x128xi32, #tpu.memory_space<vmem>> -> memref<128xi32, #tpu.memory_space<vmem>>
        %dma_start3A_255 = arith.constant 0 : i32
        %dma_start3A_256 = arith.constant 0 : i32
        %dma_start3A_257 = tpu.memref_slice %arg2[%dma_start3A_255, %dma_start3A_256] : memref<10240x32xf32, #tpu.memory_space<hbm>> -> memref<10240x32xf32, #tpu.memory_space<hbm>>
        tpu.enqueue_indirect_dma source(%dma_start3A_257 : memref<10240x32xf32, #tpu.memory_space<hbm>>) target(%dma_start3A_251 : memref<128x32xf32, #tpu.memory_space<vmem>>) offsets(%dma_start3A_254 : memref<128xi32, #tpu.memory_space<vmem>>) semaphore(%arg11 : memref<!tpu.dma_semaphore, #tpu.memory_space<semaphore_mem>>)
      } else {
      }
    }
    %sub3A = arith.constant 10 : i32
    %sub3A_195 = arith.subi %select_n3A_6, %sub3A : i32
    %while3A_196 = arith.constant 0 : i32
    %while3A_197 = arith.subi %select_n3A_6, %sub3A_195 : i32
    %while3A_198 = arith.addi %sub3A_195, %while3A_197 : i32
    %while3A_199 = arith.constant 1 : i32
    %while3A_200 = arith.divsi %while3A_197, %while3A_199 : i32
    %while3A_201 = arith.muli %while3A_200, %while3A_199 : i32
    %while3A_202 = arith.addi %sub3A_195, %while3A_201 : i32
    %while3A_203 = arith.constant 1 : i32
    scf.for %while3A_210 = %sub3A_195 to %while3A_202 step %while3A_203  : i32 {
      %rem3A = arith.constant 20 : i32
      %rem3A_211 = arith.remsi %while3A_210, %rem3A : i32
      %dma_wait3A_212 = arith.constant 0 : i32
      %dma_wait3A_213 = arith.constant 0 : i32
      %dma_wait3A_214 = tpu.memref_slice %arg9[%rem3A_211, %dma_wait3A_212, %dma_wait3A_213] : memref<20x128x32xf32, #tpu.memory_space<vmem>> -> memref<1x128x32xf32, #tpu.memory_space<vmem>>
      %dma_wait3A_215 = tpu.memref_squeeze %dma_wait3A_214 : memref<1x128x32xf32, #tpu.memory_space<vmem>> -> memref<128x32xf32, #tpu.memory_space<vmem>>
      %dma_wait3A_216 = arith.constant 0 : i32
      %dma_wait3A_217 = tpu.memref_slice %arg8[%while3A_210, %dma_wait3A_216] : memref<86x128xi32, #tpu.memory_space<vmem>> -> memref<1x128xi32, #tpu.memory_space<vmem>>
      %dma_wait3A_218 = tpu.memref_squeeze %dma_wait3A_217 : memref<1x128xi32, #tpu.memory_space<vmem>> -> memref<128xi32, #tpu.memory_space<vmem>>
      %dma_wait3A_219 = arith.constant 0 : i32
      %dma_wait3A_220 = arith.constant 0 : i32
      %dma_wait3A_221 = tpu.memref_slice %arg10[%dma_wait3A_219, %dma_wait3A_220] : memref<10240x32xf32, #tpu.memory_space<vmem_shared>> -> memref<10240x32xf32, #tpu.memory_space<vmem_shared>>
      tpu.wait_indirect_dma semaphore(%arg12 : memref<!tpu.dma_semaphore, #tpu.memory_space<semaphore_mem>>) src(%dma_wait3A_215 : memref<128x32xf32, #tpu.memory_space<vmem>>) dst(%dma_wait3A_221 : memref<10240x32xf32, #tpu.memory_space<vmem_shared>>)
    }
    %while3A_204 = arith.constant 1 : i32
    scf.for %while3A_210 = %while3A_202 to %while3A_198 step %while3A_204  : i32 {
      %rem3A = arith.constant 20 : i32
      %rem3A_211 = arith.remsi %while3A_210, %rem3A : i32
      %dma_wait3A_212 = arith.constant 0 : i32
      %dma_wait3A_213 = arith.constant 0 : i32
      %dma_wait3A_214 = tpu.memref_slice %arg9[%rem3A_211, %dma_wait3A_212, %dma_wait3A_213] : memref<20x128x32xf32, #tpu.memory_space<vmem>> -> memref<1x128x32xf32, #tpu.memory_space<vmem>>
      %dma_wait3A_215 = tpu.memref_squeeze %dma_wait3A_214 : memref<1x128x32xf32, #tpu.memory_space<vmem>> -> memref<128x32xf32, #tpu.memory_space<vmem>>
      %dma_wait3A_216 = arith.constant 0 : i32
      %dma_wait3A_217 = tpu.memref_slice %arg8[%while3A_210, %dma_wait3A_216] : memref<86x128xi32, #tpu.memory_space<vmem>> -> memref<1x128xi32, #tpu.memory_space<vmem>>
      %dma_wait3A_218 = tpu.memref_squeeze %dma_wait3A_217 : memref<1x128xi32, #tpu.memory_space<vmem>> -> memref<128xi32, #tpu.memory_space<vmem>>
      %dma_wait3A_219 = arith.constant 0 : i32
      %dma_wait3A_220 = arith.constant 0 : i32
      %dma_wait3A_221 = tpu.memref_slice %arg10[%dma_wait3A_219, %dma_wait3A_220] : memref<10240x32xf32, #tpu.memory_space<vmem_shared>> -> memref<10240x32xf32, #tpu.memory_space<vmem_shared>>
      tpu.wait_indirect_dma semaphore(%arg12 : memref<!tpu.dma_semaphore, #tpu.memory_space<semaphore_mem>>) src(%dma_wait3A_215 : memref<128x32xf32, #tpu.memory_space<vmem>>) dst(%dma_wait3A_221 : memref<10240x32xf32, #tpu.memory_space<vmem_shared>>)
    }
    %barrier3A_205 = arith.constant 0 : index
    tpu.barrier barrier_id(%barrier3A_205)
    %mul3A_206 = arith.constant 640 : i32
    %mul3A_207 = arith.muli %arg1, %mul3A_206 : i32
    %mul3A_208 = arith.constant 640 : i32
    %mul3A_209 = arith.muli %arg1, %mul3A_208 : i32
    "tpu.region"() ({
      %run_scoped3A = tpu.sem_alloc : memref<!tpu.dma_semaphore, #tpu.memory_space<semaphore_mem>>
      %dma_start3A_210 = arith.constant 0 : i32
      %dma_start3A_211 = tpu.memref_slice %arg6[%arg0, %mul3A_209, %dma_start3A_210] : memref<2x10240x32xf32, #tpu.memory_space<hbm>> -> memref<1x640x32xf32, #tpu.memory_space<hbm>>
      %dma_start3A_212 = tpu.memref_squeeze %dma_start3A_211 : memref<1x640x32xf32, #tpu.memory_space<hbm>> -> memref<640x32xf32, #tpu.memory_space<hbm>>
      %dma_start3A_213 = arith.constant 0 : i32
      %dma_start3A_214 = tpu.memref_slice %arg10[%mul3A_207, %dma_start3A_213] : memref<10240x32xf32, #tpu.memory_space<vmem_shared>> -> memref<640x32xf32, #tpu.memory_space<vmem_shared>>
      tpu.enqueue_dma source(%dma_start3A_214 : memref<640x32xf32, #tpu.memory_space<vmem_shared>>) target(%dma_start3A_212 : memref<640x32xf32, #tpu.memory_space<hbm>>) target_semaphore(%run_scoped3A : memref<!tpu.dma_semaphore, #tpu.memory_space<semaphore_mem>>)
      %dma_wait3A_215 = arith.constant 0 : i32
      %dma_wait3A_216 = tpu.memref_slice %arg6[%arg0, %mul3A_209, %dma_wait3A_215] : memref<2x10240x32xf32, #tpu.memory_space<hbm>> -> memref<1x640x32xf32, #tpu.memory_space<hbm>>
      %dma_wait3A_217 = tpu.memref_squeeze %dma_wait3A_216 : memref<1x640x32xf32, #tpu.memory_space<hbm>> -> memref<640x32xf32, #tpu.memory_space<hbm>>
      %dma_wait3A_218 = arith.constant 0 : i32
      %dma_wait3A_219 = tpu.memref_slice %arg10[%mul3A_207, %dma_wait3A_218] : memref<10240x32xf32, #tpu.memory_space<vmem_shared>> -> memref<640x32xf32, #tpu.memory_space<vmem_shared>>
      tpu.wait_dma2 semaphore(%run_scoped3A : memref<!tpu.dma_semaphore, #tpu.memory_space<semaphore_mem>>) src(%dma_wait3A_219 : memref<640x32xf32, #tpu.memory_space<vmem_shared>>) dst(%dma_wait3A_217 : memref<640x32xf32, #tpu.memory_space<hbm>>)
      tpu.yield
    }) : () -> ()
    return
  }
}

#map = affine_map<(d0, d1) -> (0, 0)>
#map1 = affine_map<(d0, d1) -> (0, 0, 0)>
module attributes {stable_mosaic.version = 14 : i64} {
  func.func @_sc_segment_sum(%arg0: i32, %arg1: i32, %arg2: memref<10240x32xf32, #tpu.memory_space<hbm>>, %arg3: memref<2500x128xi32, #tpu.memory_space<hbm>>, %arg4: memref<2500x128xi32, #tpu.memory_space<hbm>>, %arg5: memref<10240x32xf32, #tpu.memory_space<hbm>>, %arg6: memref<2x10240x32xf32, #tpu.memory_space<hbm>>, %arg7: memref<86x128xi32, #tpu.memory_space<vmem>>, %arg8: memref<86x128xi32, #tpu.memory_space<vmem>>, %arg9: memref<20x128x32xf32, #tpu.memory_space<vmem>>, %arg10: memref<10240x32xf32, #tpu.memory_space<vmem_shared>>, %arg11: memref<!tpu.dma_semaphore, #tpu.memory_space<semaphore_mem>>, %arg12: memref<!tpu.dma_semaphore, #tpu.memory_space<semaphore_mem>>) attributes {dimension_semantics = [#tpu.dimension_semantics<core_parallel>, #tpu.dimension_semantics<subcore_parallel>], iteration_bounds = array<i64: 2, 16>, scalar_prefetch = 0 : i64, scratch_operands = 6 : i64, tpu.core_type = #tpu.core_type<sc_vector_subcore>, window_params = [{transform_indices = #map}, {transform_indices = #map}, {transform_indices = #map}, {transform_indices = #map}, {transform_indices = #map1}]} {
    %eq3A = arith.constant 0 : i32
    %eq3A_0 = arith.cmpi eq, %arg0, %eq3A : i32
    %eq3A_1 = arith.constant 15 : i32
    %eq3A_2 = arith.cmpi eq, %arg1, %eq3A_1 : i32
    %select_n3A = arith.constant 71 : i32
    %select_n3A_3 = arith.constant 59 : i32
    %select_n3A_4 = arith.select %eq3A_2, %select_n3A_3, %select_n3A : i32
    %select_n3A_5 = arith.constant 86 : i32
    %select_n3A_6 = arith.select %eq3A_0, %select_n3A_5, %select_n3A_4 : i32
    %eq3A_7 = arith.constant 0 : i32
    %eq3A_8 = arith.cmpi eq, %arg0, %eq3A_7 : i32
    %mul3A = arith.constant 86 : i32
    %mul3A_9 = arith.muli %arg1, %mul3A : i32
    %mul3A_10 = arith.constant 71 : i32
    %mul3A_11 = arith.muli %arg1, %mul3A_10 : i32
    %add3A = arith.constant 1376 : i32
    %add3A_12 = arith.addi %add3A, %mul3A_11 : i32
    %select_n3A_13 = arith.select %eq3A_8, %mul3A_9, %add3A_12 : i32
    %mul3A_14 = arith.constant 640 : i32
    %mul3A_15 = arith.muli %arg1, %mul3A_14 : i32
    %mul3A_16 = arith.constant 640 : i32
    %mul3A_17 = arith.muli %arg1, %mul3A_16 : i32
    %dma_start3A = arith.constant 0 : i32
    %dma_start3A_18 = tpu.memref_slice %arg10[%mul3A_17, %dma_start3A] : memref<10240x32xf32, #tpu.memory_space<vmem_shared>> -> memref<640x32xf32, #tpu.memory_space<vmem_shared>>
    %dma_start3A_19 = arith.constant 0 : i32
    %dma_start3A_20 = tpu.memref_slice %arg5[%mul3A_15, %dma_start3A_19] : memref<10240x32xf32, #tpu.memory_space<hbm>> -> memref<640x32xf32, #tpu.memory_space<hbm>>
    tpu.enqueue_dma source(%dma_start3A_20 : memref<640x32xf32, #tpu.memory_space<hbm>>) target(%dma_start3A_18 : memref<640x32xf32, #tpu.memory_space<vmem_shared>>) target_semaphore(%arg12 : memref<!tpu.dma_semaphore, #tpu.memory_space<semaphore_mem>>)
    %eq3A_21 = arith.constant 0 : i32
    %eq3A_22 = arith.cmpi eq, %arg0, %eq3A_21 : i32
    %convert_element_type3A = arith.extui %eq3A_22 : i1 to i32
    %cond3A = arith.constant 0 : i32
    %cond3A_23 = arith.cmpi ne, %convert_element_type3A, %cond3A : i32
    scf.if %cond3A_23 {
      %dma_start3A_210 = arith.constant 0 : i32
      %dma_start3A_211 = arith.constant 0 : i32
      %dma_start3A_212 = tpu.memref_slice %arg7[%dma_start3A_210, %dma_start3A_211] : memref<86x128xi32, #tpu.memory_space<vmem>> -> memref<86x128xi32, #tpu.memory_space<vmem>>
      %dma_start3A_213 = arith.constant 0 : i32
      %dma_start3A_214 = tpu.memref_slice %arg3[%select_n3A_13, %dma_start3A_213] : memref<2500x128xi32, #tpu.memory_space<hbm>> -> memref<86x128xi32, #tpu.memory_space<hbm>>
      %dma_start3A_215 = arith.constant 0 : i32
      %dma_start3A_216 = arith.constant 0 : i32
      %dma_start3A_217 = tpu.memref_slice %arg7[%dma_start3A_215, %dma_start3A_216] : memref<86x128xi32, #tpu.memory_space<vmem>> -> memref<86x128xi32, #tpu.memory_space<vmem>>
      %dma_start3A_218 = arith.constant 0 : i32
      %dma_start3A_219 = tpu.memref_slice %arg3[%select_n3A_13, %dma_start3A_218] : memref<2500x128xi32, #tpu.memory_space<hbm>> -> memref<86x128xi32, #tpu.memory_space<hbm>>
      tpu.enqueue_dma source(%dma_start3A_219 : memref<86x128xi32, #tpu.memory_space<hbm>>) target(%dma_start3A_217 : memref<86x128xi32, #tpu.memory_space<vmem>>) target_semaphore(%arg11 : memref<!tpu.dma_semaphore, #tpu.memory_space<semaphore_mem>>)
      %dma_start3A_220 = arith.constant 0 : i32
      %dma_start3A_221 = arith.constant 0 : i32
      %dma_start3A_222 = tpu.memref_slice %arg8[%dma_start3A_220, %dma_start3A_221] : memref<86x128xi32, #tpu.memory_space<vmem>> -> memref<86x128xi32, #tpu.memory_space<vmem>>
      %dma_start3A_223 = arith.constant 0 : i32
      %dma_start3A_224 = tpu.memref_slice %arg4[%select_n3A_13, %dma_start3A_223] : memref<2500x128xi32, #tpu.memory_space<hbm>> -> memref<86x128xi32, #tpu.memory_space<hbm>>
      %dma_start3A_225 = arith.constant 0 : i32
      %dma_start3A_226 = arith.constant 0 : i32
      %dma_start3A_227 = tpu.memref_slice %arg8[%dma_start3A_225, %dma_start3A_226] : memref<86x128xi32, #tpu.memory_space<vmem>> -> memref<86x128xi32, #tpu.memory_space<vmem>>
      %dma_start3A_228 = arith.constant 0 : i32
      %dma_start3A_229 = tpu.memref_slice %arg4[%select_n3A_13, %dma_start3A_228] : memref<2500x128xi32, #tpu.memory_space<hbm>> -> memref<86x128xi32, #tpu.memory_space<hbm>>
      tpu.enqueue_dma source(%dma_start3A_229 : memref<86x128xi32, #tpu.memory_space<hbm>>) target(%dma_start3A_227 : memref<86x128xi32, #tpu.memory_space<vmem>>) target_semaphore(%arg11 : memref<!tpu.dma_semaphore, #tpu.memory_space<semaphore_mem>>)
    } else {
    }
    %eq3A_24 = arith.constant 1 : i32
    %eq3A_25 = arith.cmpi eq, %arg0, %eq3A_24 : i32
    %lt3A = arith.constant 15 : i32
    %lt3A_26 = arith.cmpi slt, %arg1, %lt3A : i32
    %and3A = arith.andi %eq3A_25, %lt3A_26 : i1
    %convert_element_type3A_27 = arith.extui %and3A : i1 to i32
    %cond3A_28 = arith.constant 0 : i32
    %cond3A_29 = arith.cmpi ne, %convert_element_type3A_27, %cond3A_28 : i32
    scf.if %cond3A_29 {
      %dma_start3A_210 = arith.constant 0 : i32
      %dma_start3A_211 = arith.constant 0 : i32
      %dma_start3A_212 = tpu.memref_slice %arg7[%dma_start3A_210, %dma_start3A_211] : memref<86x128xi32, #tpu.memory_space<vmem>> -> memref<71x128xi32, #tpu.memory_space<vmem>>
      %dma_start3A_213 = arith.constant 0 : i32
      %dma_start3A_214 = tpu.memref_slice %arg3[%select_n3A_13, %dma_start3A_213] : memref<2500x128xi32, #tpu.memory_space<hbm>> -> memref<71x128xi32, #tpu.memory_space<hbm>>
      %dma_start3A_215 = arith.constant 0 : i32
      %dma_start3A_216 = arith.constant 0 : i32
      %dma_start3A_217 = tpu.memref_slice %arg7[%dma_start3A_215, %dma_start3A_216] : memref<86x128xi32, #tpu.memory_space<vmem>> -> memref<71x128xi32, #tpu.memory_space<vmem>>
      %dma_start3A_218 = arith.constant 0 : i32
      %dma_start3A_219 = tpu.memref_slice %arg3[%select_n3A_13, %dma_start3A_218] : memref<2500x128xi32, #tpu.memory_space<hbm>> -> memref<71x128xi32, #tpu.memory_space<hbm>>
      tpu.enqueue_dma source(%dma_start3A_219 : memref<71x128xi32, #tpu.memory_space<hbm>>) target(%dma_start3A_217 : memref<71x128xi32, #tpu.memory_space<vmem>>) target_semaphore(%arg11 : memref<!tpu.dma_semaphore, #tpu.memory_space<semaphore_mem>>)
      %dma_start3A_220 = arith.constant 0 : i32
      %dma_start3A_221 = arith.constant 0 : i32
      %dma_start3A_222 = tpu.memref_slice %arg8[%dma_start3A_220, %dma_start3A_221] : memref<86x128xi32, #tpu.memory_space<vmem>> -> memref<71x128xi32, #tpu.memory_space<vmem>>
      %dma_start3A_223 = arith.constant 0 : i32
      %dma_start3A_224 = tpu.memref_slice %arg4[%select_n3A_13, %dma_start3A_223] : memref<2500x128xi32, #tpu.memory_space<hbm>> -> memref<71x128xi32, #tpu.memory_space<hbm>>
      %dma_start3A_225 = arith.constant 0 : i32
      %dma_start3A_226 = arith.constant 0 : i32
      %dma_start3A_227 = tpu.memref_slice %arg8[%dma_start3A_225, %dma_start3A_226] : memref<86x128xi32, #tpu.memory_space<vmem>> -> memref<71x128xi32, #tpu.memory_space<vmem>>
      %dma_start3A_228 = arith.constant 0 : i32
      %dma_start3A_229 = tpu.memref_slice %arg4[%select_n3A_13, %dma_start3A_228] : memref<2500x128xi32, #tpu.memory_space<hbm>> -> memref<71x128xi32, #tpu.memory_space<hbm>>
      tpu.enqueue_dma source(%dma_start3A_229 : memref<71x128xi32, #tpu.memory_space<hbm>>) target(%dma_start3A_227 : memref<71x128xi32, #tpu.memory_space<vmem>>) target_semaphore(%arg11 : memref<!tpu.dma_semaphore, #tpu.memory_space<semaphore_mem>>)
    } else {
    }
    %eq3A_30 = arith.constant 1 : i32
    %eq3A_31 = arith.cmpi eq, %arg0, %eq3A_30 : i32
    %eq3A_32 = arith.constant 15 : i32
    %eq3A_33 = arith.cmpi eq, %arg1, %eq3A_32 : i32
    %and3A_34 = arith.andi %eq3A_31, %eq3A_33 : i1
    %convert_element_type3A_35 = arith.extui %and3A_34 : i1 to i32
    %cond3A_36 = arith.constant 0 : i32
    %cond3A_37 = arith.cmpi ne, %convert_element_type3A_35, %cond3A_36 : i32
    scf.if %cond3A_37 {
      %dma_start3A_210 = arith.constant 0 : i32
      %dma_start3A_211 = arith.constant 0 : i32
      %dma_start3A_212 = tpu.memref_slice %arg7[%dma_start3A_210, %dma_start3A_211] : memref<86x128xi32, #tpu.memory_space<vmem>> -> memref<59x128xi32, #tpu.memory_space<vmem>>
      %dma_start3A_213 = arith.constant 0 : i32
      %dma_start3A_214 = tpu.memref_slice %arg3[%select_n3A_13, %dma_start3A_213] : memref<2500x128xi32, #tpu.memory_space<hbm>> -> memref<59x128xi32, #tpu.memory_space<hbm>>
      %dma_start3A_215 = arith.constant 0 : i32
      %dma_start3A_216 = arith.constant 0 : i32
      %dma_start3A_217 = tpu.memref_slice %arg7[%dma_start3A_215, %dma_start3A_216] : memref<86x128xi32, #tpu.memory_space<vmem>> -> memref<59x128xi32, #tpu.memory_space<vmem>>
      %dma_start3A_218 = arith.constant 0 : i32
      %dma_start3A_219 = tpu.memref_slice %arg3[%select_n3A_13, %dma_start3A_218] : memref<2500x128xi32, #tpu.memory_space<hbm>> -> memref<59x128xi32, #tpu.memory_space<hbm>>
      tpu.enqueue_dma source(%dma_start3A_219 : memref<59x128xi32, #tpu.memory_space<hbm>>) target(%dma_start3A_217 : memref<59x128xi32, #tpu.memory_space<vmem>>) target_semaphore(%arg11 : memref<!tpu.dma_semaphore, #tpu.memory_space<semaphore_mem>>)
      %dma_start3A_220 = arith.constant 0 : i32
      %dma_start3A_221 = arith.constant 0 : i32
      %dma_start3A_222 = tpu.memref_slice %arg8[%dma_start3A_220, %dma_start3A_221] : memref<86x128xi32, #tpu.memory_space<vmem>> -> memref<59x128xi32, #tpu.memory_space<vmem>>
      %dma_start3A_223 = arith.constant 0 : i32
      %dma_start3A_224 = tpu.memref_slice %arg4[%select_n3A_13, %dma_start3A_223] : memref<2500x128xi32, #tpu.memory_space<hbm>> -> memref<59x128xi32, #tpu.memory_space<hbm>>
      %dma_start3A_225 = arith.constant 0 : i32
      %dma_start3A_226 = arith.constant 0 : i32
      %dma_start3A_227 = tpu.memref_slice %arg8[%dma_start3A_225, %dma_start3A_226] : memref<86x128xi32, #tpu.memory_space<vmem>> -> memref<59x128xi32, #tpu.memory_space<vmem>>
      %dma_start3A_228 = arith.constant 0 : i32
      %dma_start3A_229 = tpu.memref_slice %arg4[%select_n3A_13, %dma_start3A_228] : memref<2500x128xi32, #tpu.memory_space<hbm>> -> memref<59x128xi32, #tpu.memory_space<hbm>>
      tpu.enqueue_dma source(%dma_start3A_229 : memref<59x128xi32, #tpu.memory_space<hbm>>) target(%dma_start3A_227 : memref<59x128xi32, #tpu.memory_space<vmem>>) target_semaphore(%arg11 : memref<!tpu.dma_semaphore, #tpu.memory_space<semaphore_mem>>)
    } else {
    }
    %mul3A_38 = arith.constant 640 : i32
    %mul3A_39 = arith.muli %arg1, %mul3A_38 : i32
    %mul3A_40 = arith.constant 640 : i32
    %mul3A_41 = arith.muli %arg1, %mul3A_40 : i32
    %dma_wait3A = arith.constant 0 : i32
    %dma_wait3A_42 = tpu.memref_slice %arg10[%mul3A_41, %dma_wait3A] : memref<10240x32xf32, #tpu.memory_space<vmem_shared>> -> memref<640x32xf32, #tpu.memory_space<vmem_shared>>
    %dma_wait3A_43 = arith.constant 0 : i32
    %dma_wait3A_44 = tpu.memref_slice %arg5[%mul3A_39, %dma_wait3A_43] : memref<10240x32xf32, #tpu.memory_space<hbm>> -> memref<640x32xf32, #tpu.memory_space<hbm>>
    tpu.wait_dma2 semaphore(%arg12 : memref<!tpu.dma_semaphore, #tpu.memory_space<semaphore_mem>>) src(%dma_wait3A_44 : memref<640x32xf32, #tpu.memory_space<hbm>>) dst(%dma_wait3A_42 : memref<640x32xf32, #tpu.memory_space<vmem_shared>>)
    %eq3A_45 = arith.constant 0 : i32
    %eq3A_46 = arith.cmpi eq, %arg0, %eq3A_45 : i32
    %convert_element_type3A_47 = arith.extui %eq3A_46 : i1 to i32
    %cond3A_48 = arith.constant 0 : i32
    %cond3A_49 = arith.cmpi ne, %convert_element_type3A_47, %cond3A_48 : i32
    scf.if %cond3A_49 {
      %dma_wait3A_210 = arith.constant 0 : i32
      %dma_wait3A_211 = arith.constant 0 : i32
      %dma_wait3A_212 = tpu.memref_slice %arg7[%dma_wait3A_210, %dma_wait3A_211] : memref<86x128xi32, #tpu.memory_space<vmem>> -> memref<86x128xi32, #tpu.memory_space<vmem>>
      %dma_wait3A_213 = arith.constant 0 : i32
      %dma_wait3A_214 = tpu.memref_slice %arg3[%select_n3A_13, %dma_wait3A_213] : memref<2500x128xi32, #tpu.memory_space<hbm>> -> memref<86x128xi32, #tpu.memory_space<hbm>>
      %dma_wait3A_215 = arith.constant 0 : i32
      %dma_wait3A_216 = arith.constant 0 : i32
      %dma_wait3A_217 = tpu.memref_slice %arg7[%dma_wait3A_215, %dma_wait3A_216] : memref<86x128xi32, #tpu.memory_space<vmem>> -> memref<86x128xi32, #tpu.memory_space<vmem>>
      %dma_wait3A_218 = arith.constant 0 : i32
      %dma_wait3A_219 = tpu.memref_slice %arg3[%select_n3A_13, %dma_wait3A_218] : memref<2500x128xi32, #tpu.memory_space<hbm>> -> memref<86x128xi32, #tpu.memory_space<hbm>>
      tpu.wait_dma2 semaphore(%arg11 : memref<!tpu.dma_semaphore, #tpu.memory_space<semaphore_mem>>) src(%dma_wait3A_219 : memref<86x128xi32, #tpu.memory_space<hbm>>) dst(%dma_wait3A_217 : memref<86x128xi32, #tpu.memory_space<vmem>>)
      %dma_wait3A_220 = arith.constant 0 : i32
      %dma_wait3A_221 = arith.constant 0 : i32
      %dma_wait3A_222 = tpu.memref_slice %arg8[%dma_wait3A_220, %dma_wait3A_221] : memref<86x128xi32, #tpu.memory_space<vmem>> -> memref<86x128xi32, #tpu.memory_space<vmem>>
      %dma_wait3A_223 = arith.constant 0 : i32
      %dma_wait3A_224 = tpu.memref_slice %arg4[%select_n3A_13, %dma_wait3A_223] : memref<2500x128xi32, #tpu.memory_space<hbm>> -> memref<86x128xi32, #tpu.memory_space<hbm>>
      %dma_wait3A_225 = arith.constant 0 : i32
      %dma_wait3A_226 = arith.constant 0 : i32
      %dma_wait3A_227 = tpu.memref_slice %arg8[%dma_wait3A_225, %dma_wait3A_226] : memref<86x128xi32, #tpu.memory_space<vmem>> -> memref<86x128xi32, #tpu.memory_space<vmem>>
      %dma_wait3A_228 = arith.constant 0 : i32
      %dma_wait3A_229 = tpu.memref_slice %arg4[%select_n3A_13, %dma_wait3A_228] : memref<2500x128xi32, #tpu.memory_space<hbm>> -> memref<86x128xi32, #tpu.memory_space<hbm>>
      tpu.wait_dma2 semaphore(%arg11 : memref<!tpu.dma_semaphore, #tpu.memory_space<semaphore_mem>>) src(%dma_wait3A_229 : memref<86x128xi32, #tpu.memory_space<hbm>>) dst(%dma_wait3A_227 : memref<86x128xi32, #tpu.memory_space<vmem>>)
    } else {
    }
    %eq3A_50 = arith.constant 1 : i32
    %eq3A_51 = arith.cmpi eq, %arg0, %eq3A_50 : i32
    %lt3A_52 = arith.constant 15 : i32
    %lt3A_53 = arith.cmpi slt, %arg1, %lt3A_52 : i32
    %and3A_54 = arith.andi %eq3A_51, %lt3A_53 : i1
    %convert_element_type3A_55 = arith.extui %and3A_54 : i1 to i32
    %cond3A_56 = arith.constant 0 : i32
    %cond3A_57 = arith.cmpi ne, %convert_element_type3A_55, %cond3A_56 : i32
    scf.if %cond3A_57 {
      %dma_wait3A_210 = arith.constant 0 : i32
      %dma_wait3A_211 = arith.constant 0 : i32
      %dma_wait3A_212 = tpu.memref_slice %arg7[%dma_wait3A_210, %dma_wait3A_211] : memref<86x128xi32, #tpu.memory_space<vmem>> -> memref<71x128xi32, #tpu.memory_space<vmem>>
      %dma_wait3A_213 = arith.constant 0 : i32
      %dma_wait3A_214 = tpu.memref_slice %arg3[%select_n3A_13, %dma_wait3A_213] : memref<2500x128xi32, #tpu.memory_space<hbm>> -> memref<71x128xi32, #tpu.memory_space<hbm>>
      %dma_wait3A_215 = arith.constant 0 : i32
      %dma_wait3A_216 = arith.constant 0 : i32
      %dma_wait3A_217 = tpu.memref_slice %arg7[%dma_wait3A_215, %dma_wait3A_216] : memref<86x128xi32, #tpu.memory_space<vmem>> -> memref<71x128xi32, #tpu.memory_space<vmem>>
      %dma_wait3A_218 = arith.constant 0 : i32
      %dma_wait3A_219 = tpu.memref_slice %arg3[%select_n3A_13, %dma_wait3A_218] : memref<2500x128xi32, #tpu.memory_space<hbm>> -> memref<71x128xi32, #tpu.memory_space<hbm>>
      tpu.wait_dma2 semaphore(%arg11 : memref<!tpu.dma_semaphore, #tpu.memory_space<semaphore_mem>>) src(%dma_wait3A_219 : memref<71x128xi32, #tpu.memory_space<hbm>>) dst(%dma_wait3A_217 : memref<71x128xi32, #tpu.memory_space<vmem>>)
      %dma_wait3A_220 = arith.constant 0 : i32
      %dma_wait3A_221 = arith.constant 0 : i32
      %dma_wait3A_222 = tpu.memref_slice %arg8[%dma_wait3A_220, %dma_wait3A_221] : memref<86x128xi32, #tpu.memory_space<vmem>> -> memref<71x128xi32, #tpu.memory_space<vmem>>
      %dma_wait3A_223 = arith.constant 0 : i32
      %dma_wait3A_224 = tpu.memref_slice %arg4[%select_n3A_13, %dma_wait3A_223] : memref<2500x128xi32, #tpu.memory_space<hbm>> -> memref<71x128xi32, #tpu.memory_space<hbm>>
      %dma_wait3A_225 = arith.constant 0 : i32
      %dma_wait3A_226 = arith.constant 0 : i32
      %dma_wait3A_227 = tpu.memref_slice %arg8[%dma_wait3A_225, %dma_wait3A_226] : memref<86x128xi32, #tpu.memory_space<vmem>> -> memref<71x128xi32, #tpu.memory_space<vmem>>
      %dma_wait3A_228 = arith.constant 0 : i32
      %dma_wait3A_229 = tpu.memref_slice %arg4[%select_n3A_13, %dma_wait3A_228] : memref<2500x128xi32, #tpu.memory_space<hbm>> -> memref<71x128xi32, #tpu.memory_space<hbm>>
      tpu.wait_dma2 semaphore(%arg11 : memref<!tpu.dma_semaphore, #tpu.memory_space<semaphore_mem>>) src(%dma_wait3A_229 : memref<71x128xi32, #tpu.memory_space<hbm>>) dst(%dma_wait3A_227 : memref<71x128xi32, #tpu.memory_space<vmem>>)
    } else {
    }
    %eq3A_58 = arith.constant 1 : i32
    %eq3A_59 = arith.cmpi eq, %arg0, %eq3A_58 : i32
    %eq3A_60 = arith.constant 15 : i32
    %eq3A_61 = arith.cmpi eq, %arg1, %eq3A_60 : i32
    %and3A_62 = arith.andi %eq3A_59, %eq3A_61 : i1
    %convert_element_type3A_63 = arith.extui %and3A_62 : i1 to i32
    %cond3A_64 = arith.constant 0 : i32
    %cond3A_65 = arith.cmpi ne, %convert_element_type3A_63, %cond3A_64 : i32
    scf.if %cond3A_65 {
      %dma_wait3A_210 = arith.constant 0 : i32
      %dma_wait3A_211 = arith.constant 0 : i32
      %dma_wait3A_212 = tpu.memref_slice %arg7[%dma_wait3A_210, %dma_wait3A_211] : memref<86x128xi32, #tpu.memory_space<vmem>> -> memref<59x128xi32, #tpu.memory_space<vmem>>
      %dma_wait3A_213 = arith.constant 0 : i32
      %dma_wait3A_214 = tpu.memref_slice %arg3[%select_n3A_13, %dma_wait3A_213] : memref<2500x128xi32, #tpu.memory_space<hbm>> -> memref<59x128xi32, #tpu.memory_space<hbm>>
      %dma_wait3A_215 = arith.constant 0 : i32
      %dma_wait3A_216 = arith.constant 0 : i32
      %dma_wait3A_217 = tpu.memref_slice %arg7[%dma_wait3A_215, %dma_wait3A_216] : memref<86x128xi32, #tpu.memory_space<vmem>> -> memref<59x128xi32, #tpu.memory_space<vmem>>
      %dma_wait3A_218 = arith.constant 0 : i32
      %dma_wait3A_219 = tpu.memref_slice %arg3[%select_n3A_13, %dma_wait3A_218] : memref<2500x128xi32, #tpu.memory_space<hbm>> -> memref<59x128xi32, #tpu.memory_space<hbm>>
      tpu.wait_dma2 semaphore(%arg11 : memref<!tpu.dma_semaphore, #tpu.memory_space<semaphore_mem>>) src(%dma_wait3A_219 : memref<59x128xi32, #tpu.memory_space<hbm>>) dst(%dma_wait3A_217 : memref<59x128xi32, #tpu.memory_space<vmem>>)
      %dma_wait3A_220 = arith.constant 0 : i32
      %dma_wait3A_221 = arith.constant 0 : i32
      %dma_wait3A_222 = tpu.memref_slice %arg8[%dma_wait3A_220, %dma_wait3A_221] : memref<86x128xi32, #tpu.memory_space<vmem>> -> memref<59x128xi32, #tpu.memory_space<vmem>>
      %dma_wait3A_223 = arith.constant 0 : i32
      %dma_wait3A_224 = tpu.memref_slice %arg4[%select_n3A_13, %dma_wait3A_223] : memref<2500x128xi32, #tpu.memory_space<hbm>> -> memref<59x128xi32, #tpu.memory_space<hbm>>
      %dma_wait3A_225 = arith.constant 0 : i32
      %dma_wait3A_226 = arith.constant 0 : i32
      %dma_wait3A_227 = tpu.memref_slice %arg8[%dma_wait3A_225, %dma_wait3A_226] : memref<86x128xi32, #tpu.memory_space<vmem>> -> memref<59x128xi32, #tpu.memory_space<vmem>>
      %dma_wait3A_228 = arith.constant 0 : i32
      %dma_wait3A_229 = tpu.memref_slice %arg4[%select_n3A_13, %dma_wait3A_228] : memref<2500x128xi32, #tpu.memory_space<hbm>> -> memref<59x128xi32, #tpu.memory_space<hbm>>
      tpu.wait_dma2 semaphore(%arg11 : memref<!tpu.dma_semaphore, #tpu.memory_space<semaphore_mem>>) src(%dma_wait3A_229 : memref<59x128xi32, #tpu.memory_space<hbm>>) dst(%dma_wait3A_227 : memref<59x128xi32, #tpu.memory_space<vmem>>)
    } else {
    }
    %barrier3A = arith.constant 0 : index
    tpu.barrier barrier_id(%barrier3A)
    %dma_start3A_66 = arith.constant 0 : i32
    %dma_start3A_67 = arith.constant 0 : i32
    %dma_start3A_68 = arith.constant 0 : i32
    %dma_start3A_69 = arith.constant 0 : i32
    %dma_start3A_70 = tpu.memref_slice %arg9[%dma_start3A_67, %dma_start3A_68, %dma_start3A_69] : memref<20x128x32xf32, #tpu.memory_space<vmem>> -> memref<1x128x32xf32, #tpu.memory_space<vmem>>
    %dma_start3A_71 = tpu.memref_squeeze %dma_start3A_70 : memref<1x128x32xf32, #tpu.memory_space<vmem>> -> memref<128x32xf32, #tpu.memory_space<vmem>>
    %dma_start3A_72 = arith.constant 0 : i32
    %dma_start3A_73 = tpu.memref_slice %arg7[%dma_start3A_66, %dma_start3A_72] : memref<86x128xi32, #tpu.memory_space<vmem>> -> memref<1x128xi32, #tpu.memory_space<vmem>>
    %dma_start3A_74 = tpu.memref_squeeze %dma_start3A_73 : memref<1x128xi32, #tpu.memory_space<vmem>> -> memref<128xi32, #tpu.memory_space<vmem>>
    %dma_start3A_75 = arith.constant 0 : i32
    %dma_start3A_76 = arith.constant 0 : i32
    %dma_start3A_77 = tpu.memref_slice %arg2[%dma_start3A_75, %dma_start3A_76] : memref<10240x32xf32, #tpu.memory_space<hbm>> -> memref<10240x32xf32, #tpu.memory_space<hbm>>
    tpu.enqueue_indirect_dma source(%dma_start3A_77 : memref<10240x32xf32, #tpu.memory_space<hbm>>) target(%dma_start3A_71 : memref<128x32xf32, #tpu.memory_space<vmem>>) offsets(%dma_start3A_74 : memref<128xi32, #tpu.memory_space<vmem>>) semaphore(%arg11 : memref<!tpu.dma_semaphore, #tpu.memory_space<semaphore_mem>>)
    %dma_start3A_78 = arith.constant 1 : i32
    %dma_start3A_79 = arith.constant 1 : i32
    %dma_start3A_80 = arith.constant 0 : i32
    %dma_start3A_81 = arith.constant 0 : i32
    %dma_start3A_82 = tpu.memref_slice %arg9[%dma_start3A_79, %dma_start3A_80, %dma_start3A_81] : memref<20x128x32xf32, #tpu.memory_space<vmem>> -> memref<1x128x32xf32, #tpu.memory_space<vmem>>
    %dma_start3A_83 = tpu.memref_squeeze %dma_start3A_82 : memref<1x128x32xf32, #tpu.memory_space<vmem>> -> memref<128x32xf32, #tpu.memory_space<vmem>>
    %dma_start3A_84 = arith.constant 0 : i32
    %dma_start3A_85 = tpu.memref_slice %arg7[%dma_start3A_78, %dma_start3A_84] : memref<86x128xi32, #tpu.memory_space<vmem>> -> memref<1x128xi32, #tpu.memory_space<vmem>>
    %dma_start3A_86 = tpu.memref_squeeze %dma_start3A_85 : memref<1x128xi32, #tpu.memory_space<vmem>> -> memref<128xi32, #tpu.memory_space<vmem>>
    %dma_start3A_87 = arith.constant 0 : i32
    %dma_start3A_88 = arith.constant 0 : i32
    %dma_start3A_89 = tpu.memref_slice %arg2[%dma_start3A_87, %dma_start3A_88] : memref<10240x32xf32, #tpu.memory_space<hbm>> -> memref<10240x32xf32, #tpu.memory_space<hbm>>
    tpu.enqueue_indirect_dma source(%dma_start3A_89 : memref<10240x32xf32, #tpu.memory_space<hbm>>) target(%dma_start3A_83 : memref<128x32xf32, #tpu.memory_space<vmem>>) offsets(%dma_start3A_86 : memref<128xi32, #tpu.memory_space<vmem>>) semaphore(%arg11 : memref<!tpu.dma_semaphore, #tpu.memory_space<semaphore_mem>>)
    %dma_start3A_90 = arith.constant 2 : i32
    %dma_start3A_91 = arith.constant 2 : i32
    %dma_start3A_92 = arith.constant 0 : i32
    %dma_start3A_93 = arith.constant 0 : i32
    %dma_start3A_94 = tpu.memref_slice %arg9[%dma_start3A_91, %dma_start3A_92, %dma_start3A_93] : memref<20x128x32xf32, #tpu.memory_space<vmem>> -> memref<1x128x32xf32, #tpu.memory_space<vmem>>
    %dma_start3A_95 = tpu.memref_squeeze %dma_start3A_94 : memref<1x128x32xf32, #tpu.memory_space<vmem>> -> memref<128x32xf32, #tpu.memory_space<vmem>>
    %dma_start3A_96 = arith.constant 0 : i32
    %dma_start3A_97 = tpu.memref_slice %arg7[%dma_start3A_90, %dma_start3A_96] : memref<86x128xi32, #tpu.memory_space<vmem>> -> memref<1x128xi32, #tpu.memory_space<vmem>>
    %dma_start3A_98 = tpu.memref_squeeze %dma_start3A_97 : memref<1x128xi32, #tpu.memory_space<vmem>> -> memref<128xi32, #tpu.memory_space<vmem>>
    %dma_start3A_99 = arith.constant 0 : i32
    %dma_start3A_100 = arith.constant 0 : i32
    %dma_start3A_101 = tpu.memref_slice %arg2[%dma_start3A_99, %dma_start3A_100] : memref<10240x32xf32, #tpu.memory_space<hbm>> -> memref<10240x32xf32, #tpu.memory_space<hbm>>
    tpu.enqueue_indirect_dma source(%dma_start3A_101 : memref<10240x32xf32, #tpu.memory_space<hbm>>) target(%dma_start3A_95 : memref<128x32xf32, #tpu.memory_space<vmem>>) offsets(%dma_start3A_98 : memref<128xi32, #tpu.memory_space<vmem>>) semaphore(%arg11 : memref<!tpu.dma_semaphore, #tpu.memory_space<semaphore_mem>>)
    %dma_start3A_102 = arith.constant 3 : i32
    %dma_start3A_103 = arith.constant 3 : i32
    %dma_start3A_104 = arith.constant 0 : i32
    %dma_start3A_105 = arith.constant 0 : i32
    %dma_start3A_106 = tpu.memref_slice %arg9[%dma_start3A_103, %dma_start3A_104, %dma_start3A_105] : memref<20x128x32xf32, #tpu.memory_space<vmem>> -> memref<1x128x32xf32, #tpu.memory_space<vmem>>
    %dma_start3A_107 = tpu.memref_squeeze %dma_start3A_106 : memref<1x128x32xf32, #tpu.memory_space<vmem>> -> memref<128x32xf32, #tpu.memory_space<vmem>>
    %dma_start3A_108 = arith.constant 0 : i32
    %dma_start3A_109 = tpu.memref_slice %arg7[%dma_start3A_102, %dma_start3A_108] : memref<86x128xi32, #tpu.memory_space<vmem>> -> memref<1x128xi32, #tpu.memory_space<vmem>>
    %dma_start3A_110 = tpu.memref_squeeze %dma_start3A_109 : memref<1x128xi32, #tpu.memory_space<vmem>> -> memref<128xi32, #tpu.memory_space<vmem>>
    %dma_start3A_111 = arith.constant 0 : i32
    %dma_start3A_112 = arith.constant 0 : i32
    %dma_start3A_113 = tpu.memref_slice %arg2[%dma_start3A_111, %dma_start3A_112] : memref<10240x32xf32, #tpu.memory_space<hbm>> -> memref<10240x32xf32, #tpu.memory_space<hbm>>
    tpu.enqueue_indirect_dma source(%dma_start3A_113 : memref<10240x32xf32, #tpu.memory_space<hbm>>) target(%dma_start3A_107 : memref<128x32xf32, #tpu.memory_space<vmem>>) offsets(%dma_start3A_110 : memref<128xi32, #tpu.memory_space<vmem>>) semaphore(%arg11 : memref<!tpu.dma_semaphore, #tpu.memory_space<semaphore_mem>>)
    %dma_start3A_114 = arith.constant 4 : i32
    %dma_start3A_115 = arith.constant 4 : i32
    %dma_start3A_116 = arith.constant 0 : i32
    %dma_start3A_117 = arith.constant 0 : i32
    %dma_start3A_118 = tpu.memref_slice %arg9[%dma_start3A_115, %dma_start3A_116, %dma_start3A_117] : memref<20x128x32xf32, #tpu.memory_space<vmem>> -> memref<1x128x32xf32, #tpu.memory_space<vmem>>
    %dma_start3A_119 = tpu.memref_squeeze %dma_start3A_118 : memref<1x128x32xf32, #tpu.memory_space<vmem>> -> memref<128x32xf32, #tpu.memory_space<vmem>>
    %dma_start3A_120 = arith.constant 0 : i32
    %dma_start3A_121 = tpu.memref_slice %arg7[%dma_start3A_114, %dma_start3A_120] : memref<86x128xi32, #tpu.memory_space<vmem>> -> memref<1x128xi32, #tpu.memory_space<vmem>>
    %dma_start3A_122 = tpu.memref_squeeze %dma_start3A_121 : memref<1x128xi32, #tpu.memory_space<vmem>> -> memref<128xi32, #tpu.memory_space<vmem>>
    %dma_start3A_123 = arith.constant 0 : i32
    %dma_start3A_124 = arith.constant 0 : i32
    %dma_start3A_125 = tpu.memref_slice %arg2[%dma_start3A_123, %dma_start3A_124] : memref<10240x32xf32, #tpu.memory_space<hbm>> -> memref<10240x32xf32, #tpu.memory_space<hbm>>
    tpu.enqueue_indirect_dma source(%dma_start3A_125 : memref<10240x32xf32, #tpu.memory_space<hbm>>) target(%dma_start3A_119 : memref<128x32xf32, #tpu.memory_space<vmem>>) offsets(%dma_start3A_122 : memref<128xi32, #tpu.memory_space<vmem>>) semaphore(%arg11 : memref<!tpu.dma_semaphore, #tpu.memory_space<semaphore_mem>>)
    %dma_start3A_126 = arith.constant 5 : i32
    %dma_start3A_127 = arith.constant 5 : i32
    %dma_start3A_128 = arith.constant 0 : i32
    %dma_start3A_129 = arith.constant 0 : i32
    %dma_start3A_130 = tpu.memref_slice %arg9[%dma_start3A_127, %dma_start3A_128, %dma_start3A_129] : memref<20x128x32xf32, #tpu.memory_space<vmem>> -> memref<1x128x32xf32, #tpu.memory_space<vmem>>
    %dma_start3A_131 = tpu.memref_squeeze %dma_start3A_130 : memref<1x128x32xf32, #tpu.memory_space<vmem>> -> memref<128x32xf32, #tpu.memory_space<vmem>>
    %dma_start3A_132 = arith.constant 0 : i32
    %dma_start3A_133 = tpu.memref_slice %arg7[%dma_start3A_126, %dma_start3A_132] : memref<86x128xi32, #tpu.memory_space<vmem>> -> memref<1x128xi32, #tpu.memory_space<vmem>>
    %dma_start3A_134 = tpu.memref_squeeze %dma_start3A_133 : memref<1x128xi32, #tpu.memory_space<vmem>> -> memref<128xi32, #tpu.memory_space<vmem>>
    %dma_start3A_135 = arith.constant 0 : i32
    %dma_start3A_136 = arith.constant 0 : i32
    %dma_start3A_137 = tpu.memref_slice %arg2[%dma_start3A_135, %dma_start3A_136] : memref<10240x32xf32, #tpu.memory_space<hbm>> -> memref<10240x32xf32, #tpu.memory_space<hbm>>
    tpu.enqueue_indirect_dma source(%dma_start3A_137 : memref<10240x32xf32, #tpu.memory_space<hbm>>) target(%dma_start3A_131 : memref<128x32xf32, #tpu.memory_space<vmem>>) offsets(%dma_start3A_134 : memref<128xi32, #tpu.memory_space<vmem>>) semaphore(%arg11 : memref<!tpu.dma_semaphore, #tpu.memory_space<semaphore_mem>>)
    %dma_start3A_138 = arith.constant 6 : i32
    %dma_start3A_139 = arith.constant 6 : i32
    %dma_start3A_140 = arith.constant 0 : i32
    %dma_start3A_141 = arith.constant 0 : i32
    %dma_start3A_142 = tpu.memref_slice %arg9[%dma_start3A_139, %dma_start3A_140, %dma_start3A_141] : memref<20x128x32xf32, #tpu.memory_space<vmem>> -> memref<1x128x32xf32, #tpu.memory_space<vmem>>
    %dma_start3A_143 = tpu.memref_squeeze %dma_start3A_142 : memref<1x128x32xf32, #tpu.memory_space<vmem>> -> memref<128x32xf32, #tpu.memory_space<vmem>>
    %dma_start3A_144 = arith.constant 0 : i32
    %dma_start3A_145 = tpu.memref_slice %arg7[%dma_start3A_138, %dma_start3A_144] : memref<86x128xi32, #tpu.memory_space<vmem>> -> memref<1x128xi32, #tpu.memory_space<vmem>>
    %dma_start3A_146 = tpu.memref_squeeze %dma_start3A_145 : memref<1x128xi32, #tpu.memory_space<vmem>> -> memref<128xi32, #tpu.memory_space<vmem>>
    %dma_start3A_147 = arith.constant 0 : i32
    %dma_start3A_148 = arith.constant 0 : i32
    %dma_start3A_149 = tpu.memref_slice %arg2[%dma_start3A_147, %dma_start3A_148] : memref<10240x32xf32, #tpu.memory_space<hbm>> -> memref<10240x32xf32, #tpu.memory_space<hbm>>
    tpu.enqueue_indirect_dma source(%dma_start3A_149 : memref<10240x32xf32, #tpu.memory_space<hbm>>) target(%dma_start3A_143 : memref<128x32xf32, #tpu.memory_space<vmem>>) offsets(%dma_start3A_146 : memref<128xi32, #tpu.memory_space<vmem>>) semaphore(%arg11 : memref<!tpu.dma_semaphore, #tpu.memory_space<semaphore_mem>>)
    %dma_start3A_150 = arith.constant 7 : i32
    %dma_start3A_151 = arith.constant 7 : i32
    %dma_start3A_152 = arith.constant 0 : i32
    %dma_start3A_153 = arith.constant 0 : i32
    %dma_start3A_154 = tpu.memref_slice %arg9[%dma_start3A_151, %dma_start3A_152, %dma_start3A_153] : memref<20x128x32xf32, #tpu.memory_space<vmem>> -> memref<1x128x32xf32, #tpu.memory_space<vmem>>
    %dma_start3A_155 = tpu.memref_squeeze %dma_start3A_154 : memref<1x128x32xf32, #tpu.memory_space<vmem>> -> memref<128x32xf32, #tpu.memory_space<vmem>>
    %dma_start3A_156 = arith.constant 0 : i32
    %dma_start3A_157 = tpu.memref_slice %arg7[%dma_start3A_150, %dma_start3A_156] : memref<86x128xi32, #tpu.memory_space<vmem>> -> memref<1x128xi32, #tpu.memory_space<vmem>>
    %dma_start3A_158 = tpu.memref_squeeze %dma_start3A_157 : memref<1x128xi32, #tpu.memory_space<vmem>> -> memref<128xi32, #tpu.memory_space<vmem>>
    %dma_start3A_159 = arith.constant 0 : i32
    %dma_start3A_160 = arith.constant 0 : i32
    %dma_start3A_161 = tpu.memref_slice %arg2[%dma_start3A_159, %dma_start3A_160] : memref<10240x32xf32, #tpu.memory_space<hbm>> -> memref<10240x32xf32, #tpu.memory_space<hbm>>
    tpu.enqueue_indirect_dma source(%dma_start3A_161 : memref<10240x32xf32, #tpu.memory_space<hbm>>) target(%dma_start3A_155 : memref<128x32xf32, #tpu.memory_space<vmem>>) offsets(%dma_start3A_158 : memref<128xi32, #tpu.memory_space<vmem>>) semaphore(%arg11 : memref<!tpu.dma_semaphore, #tpu.memory_space<semaphore_mem>>)
    %dma_start3A_162 = arith.constant 8 : i32
    %dma_start3A_163 = arith.constant 8 : i32
    %dma_start3A_164 = arith.constant 0 : i32
    %dma_start3A_165 = arith.constant 0 : i32
    %dma_start3A_166 = tpu.memref_slice %arg9[%dma_start3A_163, %dma_start3A_164, %dma_start3A_165] : memref<20x128x32xf32, #tpu.memory_space<vmem>> -> memref<1x128x32xf32, #tpu.memory_space<vmem>>
    %dma_start3A_167 = tpu.memref_squeeze %dma_start3A_166 : memref<1x128x32xf32, #tpu.memory_space<vmem>> -> memref<128x32xf32, #tpu.memory_space<vmem>>
    %dma_start3A_168 = arith.constant 0 : i32
    %dma_start3A_169 = tpu.memref_slice %arg7[%dma_start3A_162, %dma_start3A_168] : memref<86x128xi32, #tpu.memory_space<vmem>> -> memref<1x128xi32, #tpu.memory_space<vmem>>
    %dma_start3A_170 = tpu.memref_squeeze %dma_start3A_169 : memref<1x128xi32, #tpu.memory_space<vmem>> -> memref<128xi32, #tpu.memory_space<vmem>>
    %dma_start3A_171 = arith.constant 0 : i32
    %dma_start3A_172 = arith.constant 0 : i32
    %dma_start3A_173 = tpu.memref_slice %arg2[%dma_start3A_171, %dma_start3A_172] : memref<10240x32xf32, #tpu.memory_space<hbm>> -> memref<10240x32xf32, #tpu.memory_space<hbm>>
    tpu.enqueue_indirect_dma source(%dma_start3A_173 : memref<10240x32xf32, #tpu.memory_space<hbm>>) target(%dma_start3A_167 : memref<128x32xf32, #tpu.memory_space<vmem>>) offsets(%dma_start3A_170 : memref<128xi32, #tpu.memory_space<vmem>>) semaphore(%arg11 : memref<!tpu.dma_semaphore, #tpu.memory_space<semaphore_mem>>)
    %dma_start3A_174 = arith.constant 9 : i32
    %dma_start3A_175 = arith.constant 9 : i32
    %dma_start3A_176 = arith.constant 0 : i32
    %dma_start3A_177 = arith.constant 0 : i32
    %dma_start3A_178 = tpu.memref_slice %arg9[%dma_start3A_175, %dma_start3A_176, %dma_start3A_177] : memref<20x128x32xf32, #tpu.memory_space<vmem>> -> memref<1x128x32xf32, #tpu.memory_space<vmem>>
    %dma_start3A_179 = tpu.memref_squeeze %dma_start3A_178 : memref<1x128x32xf32, #tpu.memory_space<vmem>> -> memref<128x32xf32, #tpu.memory_space<vmem>>
    %dma_start3A_180 = arith.constant 0 : i32
    %dma_start3A_181 = tpu.memref_slice %arg7[%dma_start3A_174, %dma_start3A_180] : memref<86x128xi32, #tpu.memory_space<vmem>> -> memref<1x128xi32, #tpu.memory_space<vmem>>
    %dma_start3A_182 = tpu.memref_squeeze %dma_start3A_181 : memref<1x128xi32, #tpu.memory_space<vmem>> -> memref<128xi32, #tpu.memory_space<vmem>>
    %dma_start3A_183 = arith.constant 0 : i32
    %dma_start3A_184 = arith.constant 0 : i32
    %dma_start3A_185 = tpu.memref_slice %arg2[%dma_start3A_183, %dma_start3A_184] : memref<10240x32xf32, #tpu.memory_space<hbm>> -> memref<10240x32xf32, #tpu.memory_space<hbm>>
    tpu.enqueue_indirect_dma source(%dma_start3A_185 : memref<10240x32xf32, #tpu.memory_space<hbm>>) target(%dma_start3A_179 : memref<128x32xf32, #tpu.memory_space<vmem>>) offsets(%dma_start3A_182 : memref<128xi32, #tpu.memory_space<vmem>>) semaphore(%arg11 : memref<!tpu.dma_semaphore, #tpu.memory_space<semaphore_mem>>)
    %while3A = arith.constant 0 : i32
    %while3A_186 = arith.constant 0 : i32
    %while3A_187 = arith.subi %select_n3A_6, %while3A_186 : i32
    %while3A_188 = arith.addi %while3A_186, %while3A_187 : i32
    %while3A_189 = arith.constant 1 : i32
    %while3A_190 = arith.divsi %while3A_187, %while3A_189 : i32
    %while3A_191 = arith.muli %while3A_190, %while3A_189 : i32
    %while3A_192 = arith.addi %while3A_186, %while3A_191 : i32
    %while3A_193 = arith.constant 1 : i32
    scf.for %while3A_210 = %while3A_186 to %while3A_192 step %while3A_193  : i32 {
      %rem3A = arith.constant 20 : i32
      %rem3A_211 = arith.remsi %while3A_210, %rem3A : i32
      %dma_wait3A_212 = arith.constant 0 : i32
      %dma_wait3A_213 = arith.constant 0 : i32
      %dma_wait3A_214 = tpu.memref_slice %arg9[%rem3A_211, %dma_wait3A_212, %dma_wait3A_213] : memref<20x128x32xf32, #tpu.memory_space<vmem>> -> memref<1x128x32xf32, #tpu.memory_space<vmem>>
      %dma_wait3A_215 = tpu.memref_squeeze %dma_wait3A_214 : memref<1x128x32xf32, #tpu.memory_space<vmem>> -> memref<128x32xf32, #tpu.memory_space<vmem>>
      %dma_wait3A_216 = arith.constant 0 : i32
      %dma_wait3A_217 = tpu.memref_slice %arg7[%while3A_210, %dma_wait3A_216] : memref<86x128xi32, #tpu.memory_space<vmem>> -> memref<1x128xi32, #tpu.memory_space<vmem>>
      %dma_wait3A_218 = tpu.memref_squeeze %dma_wait3A_217 : memref<1x128xi32, #tpu.memory_space<vmem>> -> memref<128xi32, #tpu.memory_space<vmem>>
      %dma_wait3A_219 = arith.constant 0 : i32
      %dma_wait3A_220 = arith.constant 0 : i32
      %dma_wait3A_221 = tpu.memref_slice %arg2[%dma_wait3A_219, %dma_wait3A_220] : memref<10240x32xf32, #tpu.memory_space<hbm>> -> memref<10240x32xf32, #tpu.memory_space<hbm>>
      tpu.wait_indirect_dma semaphore(%arg11 : memref<!tpu.dma_semaphore, #tpu.memory_space<semaphore_mem>>) src(%dma_wait3A_221 : memref<10240x32xf32, #tpu.memory_space<hbm>>) dst(%dma_wait3A_215 : memref<128x32xf32, #tpu.memory_space<vmem>>)
      %dma_start3A_222 = arith.constant 0 : i32
      %dma_start3A_223 = arith.constant 0 : i32
      %dma_start3A_224 = tpu.memref_slice %arg9[%rem3A_211, %dma_start3A_222, %dma_start3A_223] : memref<20x128x32xf32, #tpu.memory_space<vmem>> -> memref<1x128x32xf32, #tpu.memory_space<vmem>>
      %dma_start3A_225 = tpu.memref_squeeze %dma_start3A_224 : memref<1x128x32xf32, #tpu.memory_space<vmem>> -> memref<128x32xf32, #tpu.memory_space<vmem>>
      %dma_start3A_226 = arith.constant 0 : i32
      %dma_start3A_227 = tpu.memref_slice %arg8[%while3A_210, %dma_start3A_226] : memref<86x128xi32, #tpu.memory_space<vmem>> -> memref<1x128xi32, #tpu.memory_space<vmem>>
      %dma_start3A_228 = tpu.memref_squeeze %dma_start3A_227 : memref<1x128xi32, #tpu.memory_space<vmem>> -> memref<128xi32, #tpu.memory_space<vmem>>
      %dma_start3A_229 = arith.constant 0 : i32
      %dma_start3A_230 = arith.constant 0 : i32
      %dma_start3A_231 = tpu.memref_slice %arg10[%dma_start3A_229, %dma_start3A_230] : memref<10240x32xf32, #tpu.memory_space<vmem_shared>> -> memref<10240x32xf32, #tpu.memory_space<vmem_shared>>
      tpu.enqueue_indirect_dma source(%dma_start3A_225 : memref<128x32xf32, #tpu.memory_space<vmem>>) target(%dma_start3A_231 : memref<10240x32xf32, #tpu.memory_space<vmem_shared>>) offsets(%dma_start3A_228 : memref<128xi32, #tpu.memory_space<vmem>>) semaphore(%arg12 : memref<!tpu.dma_semaphore, #tpu.memory_space<semaphore_mem>>) {add = true}
      %ge3A = arith.constant 10 : i32
      %ge3A_232 = arith.cmpi sge, %while3A_210, %ge3A : i32
      %convert_element_type3A_233 = arith.extui %ge3A_232 : i1 to i32
      %cond3A_234 = arith.constant 0 : i32
      %cond3A_235 = arith.cmpi ne, %convert_element_type3A_233, %cond3A_234 : i32
      scf.if %cond3A_235 {
        %sub3A_242 = arith.constant 10 : i32
        %sub3A_243 = arith.subi %while3A_210, %sub3A_242 : i32
        %rem3A_244 = arith.constant 20 : i32
        %rem3A_245 = arith.remsi %sub3A_243, %rem3A_244 : i32
        %sub3A_246 = arith.constant 10 : i32
        %sub3A_247 = arith.subi %while3A_210, %sub3A_246 : i32
        %dma_wait3A_248 = arith.constant 0 : i32
        %dma_wait3A_249 = arith.constant 0 : i32
        %dma_wait3A_250 = tpu.memref_slice %arg9[%rem3A_245, %dma_wait3A_248, %dma_wait3A_249] : memref<20x128x32xf32, #tpu.memory_space<vmem>> -> memref<1x128x32xf32, #tpu.memory_space<vmem>>
        %dma_wait3A_251 = tpu.memref_squeeze %dma_wait3A_250 : memref<1x128x32xf32, #tpu.memory_space<vmem>> -> memref<128x32xf32, #tpu.memory_space<vmem>>
        %dma_wait3A_252 = arith.constant 0 : i32
        %dma_wait3A_253 = tpu.memref_slice %arg8[%sub3A_247, %dma_wait3A_252] : memref<86x128xi32, #tpu.memory_space<vmem>> -> memref<1x128xi32, #tpu.memory_space<vmem>>
        %dma_wait3A_254 = tpu.memref_squeeze %dma_wait3A_253 : memref<1x128xi32, #tpu.memory_space<vmem>> -> memref<128xi32, #tpu.memory_space<vmem>>
        %dma_wait3A_255 = arith.constant 0 : i32
        %dma_wait3A_256 = arith.constant 0 : i32
        %dma_wait3A_257 = tpu.memref_slice %arg10[%dma_wait3A_255, %dma_wait3A_256] : memref<10240x32xf32, #tpu.memory_space<vmem_shared>> -> memref<10240x32xf32, #tpu.memory_space<vmem_shared>>
        tpu.wait_indirect_dma semaphore(%arg12 : memref<!tpu.dma_semaphore, #tpu.memory_space<semaphore_mem>>) src(%dma_wait3A_251 : memref<128x32xf32, #tpu.memory_space<vmem>>) dst(%dma_wait3A_257 : memref<10240x32xf32, #tpu.memory_space<vmem_shared>>)
      } else {
      }
      %add3A_236 = arith.constant 10 : i32
      %add3A_237 = arith.addi %while3A_210, %add3A_236 : i32
      %lt3A_238 = arith.cmpi slt, %add3A_237, %select_n3A_6 : i32
      %convert_element_type3A_239 = arith.extui %lt3A_238 : i1 to i32
      %cond3A_240 = arith.constant 0 : i32
      %cond3A_241 = arith.cmpi ne, %convert_element_type3A_239, %cond3A_240 : i32
      scf.if %cond3A_241 {
        %add3A_242 = arith.constant 10 : i32
        %add3A_243 = arith.addi %while3A_210, %add3A_242 : i32
        %rem3A_244 = arith.constant 20 : i32
        %rem3A_245 = arith.remsi %add3A_243, %rem3A_244 : i32
        %add3A_246 = arith.constant 10 : i32
        %add3A_247 = arith.addi %while3A_210, %add3A_246 : i32
        %dma_start3A_248 = arith.constant 0 : i32
        %dma_start3A_249 = arith.constant 0 : i32
        %dma_start3A_250 = tpu.memref_slice %arg9[%rem3A_245, %dma_start3A_248, %dma_start3A_249] : memref<20x128x32xf32, #tpu.memory_space<vmem>> -> memref<1x128x32xf32, #tpu.memory_space<vmem>>
        %dma_start3A_251 = tpu.memref_squeeze %dma_start3A_250 : memref<1x128x32xf32, #tpu.memory_space<vmem>> -> memref<128x32xf32, #tpu.memory_space<vmem>>
        %dma_start3A_252 = arith.constant 0 : i32
        %dma_start3A_253 = tpu.memref_slice %arg7[%add3A_247, %dma_start3A_252] : memref<86x128xi32, #tpu.memory_space<vmem>> -> memref<1x128xi32, #tpu.memory_space<vmem>>
        %dma_start3A_254 = tpu.memref_squeeze %dma_start3A_253 : memref<1x128xi32, #tpu.memory_space<vmem>> -> memref<128xi32, #tpu.memory_space<vmem>>
        %dma_start3A_255 = arith.constant 0 : i32
        %dma_start3A_256 = arith.constant 0 : i32
        %dma_start3A_257 = tpu.memref_slice %arg2[%dma_start3A_255, %dma_start3A_256] : memref<10240x32xf32, #tpu.memory_space<hbm>> -> memref<10240x32xf32, #tpu.memory_space<hbm>>
        tpu.enqueue_indirect_dma source(%dma_start3A_257 : memref<10240x32xf32, #tpu.memory_space<hbm>>) target(%dma_start3A_251 : memref<128x32xf32, #tpu.memory_space<vmem>>) offsets(%dma_start3A_254 : memref<128xi32, #tpu.memory_space<vmem>>) semaphore(%arg11 : memref<!tpu.dma_semaphore, #tpu.memory_space<semaphore_mem>>)
      } else {
      }
    }
    %while3A_194 = arith.constant 1 : i32
    scf.for %while3A_210 = %while3A_192 to %while3A_188 step %while3A_194  : i32 {
      %rem3A = arith.constant 20 : i32
      %rem3A_211 = arith.remsi %while3A_210, %rem3A : i32
      %dma_wait3A_212 = arith.constant 0 : i32
      %dma_wait3A_213 = arith.constant 0 : i32
      %dma_wait3A_214 = tpu.memref_slice %arg9[%rem3A_211, %dma_wait3A_212, %dma_wait3A_213] : memref<20x128x32xf32, #tpu.memory_space<vmem>> -> memref<1x128x32xf32, #tpu.memory_space<vmem>>
      %dma_wait3A_215 = tpu.memref_squeeze %dma_wait3A_214 : memref<1x128x32xf32, #tpu.memory_space<vmem>> -> memref<128x32xf32, #tpu.memory_space<vmem>>
      %dma_wait3A_216 = arith.constant 0 : i32
      %dma_wait3A_217 = tpu.memref_slice %arg7[%while3A_210, %dma_wait3A_216] : memref<86x128xi32, #tpu.memory_space<vmem>> -> memref<1x128xi32, #tpu.memory_space<vmem>>
      %dma_wait3A_218 = tpu.memref_squeeze %dma_wait3A_217 : memref<1x128xi32, #tpu.memory_space<vmem>> -> memref<128xi32, #tpu.memory_space<vmem>>
      %dma_wait3A_219 = arith.constant 0 : i32
      %dma_wait3A_220 = arith.constant 0 : i32
      %dma_wait3A_221 = tpu.memref_slice %arg2[%dma_wait3A_219, %dma_wait3A_220] : memref<10240x32xf32, #tpu.memory_space<hbm>> -> memref<10240x32xf32, #tpu.memory_space<hbm>>
      tpu.wait_indirect_dma semaphore(%arg11 : memref<!tpu.dma_semaphore, #tpu.memory_space<semaphore_mem>>) src(%dma_wait3A_221 : memref<10240x32xf32, #tpu.memory_space<hbm>>) dst(%dma_wait3A_215 : memref<128x32xf32, #tpu.memory_space<vmem>>)
      %dma_start3A_222 = arith.constant 0 : i32
      %dma_start3A_223 = arith.constant 0 : i32
      %dma_start3A_224 = tpu.memref_slice %arg9[%rem3A_211, %dma_start3A_222, %dma_start3A_223] : memref<20x128x32xf32, #tpu.memory_space<vmem>> -> memref<1x128x32xf32, #tpu.memory_space<vmem>>
      %dma_start3A_225 = tpu.memref_squeeze %dma_start3A_224 : memref<1x128x32xf32, #tpu.memory_space<vmem>> -> memref<128x32xf32, #tpu.memory_space<vmem>>
      %dma_start3A_226 = arith.constant 0 : i32
      %dma_start3A_227 = tpu.memref_slice %arg8[%while3A_210, %dma_start3A_226] : memref<86x128xi32, #tpu.memory_space<vmem>> -> memref<1x128xi32, #tpu.memory_space<vmem>>
      %dma_start3A_228 = tpu.memref_squeeze %dma_start3A_227 : memref<1x128xi32, #tpu.memory_space<vmem>> -> memref<128xi32, #tpu.memory_space<vmem>>
      %dma_start3A_229 = arith.constant 0 : i32
      %dma_start3A_230 = arith.constant 0 : i32
      %dma_start3A_231 = tpu.memref_slice %arg10[%dma_start3A_229, %dma_start3A_230] : memref<10240x32xf32, #tpu.memory_space<vmem_shared>> -> memref<10240x32xf32, #tpu.memory_space<vmem_shared>>
      tpu.enqueue_indirect_dma source(%dma_start3A_225 : memref<128x32xf32, #tpu.memory_space<vmem>>) target(%dma_start3A_231 : memref<10240x32xf32, #tpu.memory_space<vmem_shared>>) offsets(%dma_start3A_228 : memref<128xi32, #tpu.memory_space<vmem>>) semaphore(%arg12 : memref<!tpu.dma_semaphore, #tpu.memory_space<semaphore_mem>>) {add = true}
      %ge3A = arith.constant 10 : i32
      %ge3A_232 = arith.cmpi sge, %while3A_210, %ge3A : i32
      %convert_element_type3A_233 = arith.extui %ge3A_232 : i1 to i32
      %cond3A_234 = arith.constant 0 : i32
      %cond3A_235 = arith.cmpi ne, %convert_element_type3A_233, %cond3A_234 : i32
      scf.if %cond3A_235 {
        %sub3A_242 = arith.constant 10 : i32
        %sub3A_243 = arith.subi %while3A_210, %sub3A_242 : i32
        %rem3A_244 = arith.constant 20 : i32
        %rem3A_245 = arith.remsi %sub3A_243, %rem3A_244 : i32
        %sub3A_246 = arith.constant 10 : i32
        %sub3A_247 = arith.subi %while3A_210, %sub3A_246 : i32
        %dma_wait3A_248 = arith.constant 0 : i32
        %dma_wait3A_249 = arith.constant 0 : i32
        %dma_wait3A_250 = tpu.memref_slice %arg9[%rem3A_245, %dma_wait3A_248, %dma_wait3A_249] : memref<20x128x32xf32, #tpu.memory_space<vmem>> -> memref<1x128x32xf32, #tpu.memory_space<vmem>>
        %dma_wait3A_251 = tpu.memref_squeeze %dma_wait3A_250 : memref<1x128x32xf32, #tpu.memory_space<vmem>> -> memref<128x32xf32, #tpu.memory_space<vmem>>
        %dma_wait3A_252 = arith.constant 0 : i32
        %dma_wait3A_253 = tpu.memref_slice %arg8[%sub3A_247, %dma_wait3A_252] : memref<86x128xi32, #tpu.memory_space<vmem>> -> memref<1x128xi32, #tpu.memory_space<vmem>>
        %dma_wait3A_254 = tpu.memref_squeeze %dma_wait3A_253 : memref<1x128xi32, #tpu.memory_space<vmem>> -> memref<128xi32, #tpu.memory_space<vmem>>
        %dma_wait3A_255 = arith.constant 0 : i32
        %dma_wait3A_256 = arith.constant 0 : i32
        %dma_wait3A_257 = tpu.memref_slice %arg10[%dma_wait3A_255, %dma_wait3A_256] : memref<10240x32xf32, #tpu.memory_space<vmem_shared>> -> memref<10240x32xf32, #tpu.memory_space<vmem_shared>>
        tpu.wait_indirect_dma semaphore(%arg12 : memref<!tpu.dma_semaphore, #tpu.memory_space<semaphore_mem>>) src(%dma_wait3A_251 : memref<128x32xf32, #tpu.memory_space<vmem>>) dst(%dma_wait3A_257 : memref<10240x32xf32, #tpu.memory_space<vmem_shared>>)
      } else {
      }
      %add3A_236 = arith.constant 10 : i32
      %add3A_237 = arith.addi %while3A_210, %add3A_236 : i32
      %lt3A_238 = arith.cmpi slt, %add3A_237, %select_n3A_6 : i32
      %convert_element_type3A_239 = arith.extui %lt3A_238 : i1 to i32
      %cond3A_240 = arith.constant 0 : i32
      %cond3A_241 = arith.cmpi ne, %convert_element_type3A_239, %cond3A_240 : i32
      scf.if %cond3A_241 {
        %add3A_242 = arith.constant 10 : i32
        %add3A_243 = arith.addi %while3A_210, %add3A_242 : i32
        %rem3A_244 = arith.constant 20 : i32
        %rem3A_245 = arith.remsi %add3A_243, %rem3A_244 : i32
        %add3A_246 = arith.constant 10 : i32
        %add3A_247 = arith.addi %while3A_210, %add3A_246 : i32
        %dma_start3A_248 = arith.constant 0 : i32
        %dma_start3A_249 = arith.constant 0 : i32
        %dma_start3A_250 = tpu.memref_slice %arg9[%rem3A_245, %dma_start3A_248, %dma_start3A_249] : memref<20x128x32xf32, #tpu.memory_space<vmem>> -> memref<1x128x32xf32, #tpu.memory_space<vmem>>
        %dma_start3A_251 = tpu.memref_squeeze %dma_start3A_250 : memref<1x128x32xf32, #tpu.memory_space<vmem>> -> memref<128x32xf32, #tpu.memory_space<vmem>>
        %dma_start3A_252 = arith.constant 0 : i32
        %dma_start3A_253 = tpu.memref_slice %arg7[%add3A_247, %dma_start3A_252] : memref<86x128xi32, #tpu.memory_space<vmem>> -> memref<1x128xi32, #tpu.memory_space<vmem>>
        %dma_start3A_254 = tpu.memref_squeeze %dma_start3A_253 : memref<1x128xi32, #tpu.memory_space<vmem>> -> memref<128xi32, #tpu.memory_space<vmem>>
        %dma_start3A_255 = arith.constant 0 : i32
        %dma_start3A_256 = arith.constant 0 : i32
        %dma_start3A_257 = tpu.memref_slice %arg2[%dma_start3A_255, %dma_start3A_256] : memref<10240x32xf32, #tpu.memory_space<hbm>> -> memref<10240x32xf32, #tpu.memory_space<hbm>>
        tpu.enqueue_indirect_dma source(%dma_start3A_257 : memref<10240x32xf32, #tpu.memory_space<hbm>>) target(%dma_start3A_251 : memref<128x32xf32, #tpu.memory_space<vmem>>) offsets(%dma_start3A_254 : memref<128xi32, #tpu.memory_space<vmem>>) semaphore(%arg11 : memref<!tpu.dma_semaphore, #tpu.memory_space<semaphore_mem>>)
      } else {
      }
    }
    %sub3A = arith.constant 10 : i32
    %sub3A_195 = arith.subi %select_n3A_6, %sub3A : i32
    %while3A_196 = arith.constant 0 : i32
    %while3A_197 = arith.subi %select_n3A_6, %sub3A_195 : i32
    %while3A_198 = arith.addi %sub3A_195, %while3A_197 : i32
    %while3A_199 = arith.constant 1 : i32
    %while3A_200 = arith.divsi %while3A_197, %while3A_199 : i32
    %while3A_201 = arith.muli %while3A_200, %while3A_199 : i32
    %while3A_202 = arith.addi %sub3A_195, %while3A_201 : i32
    %while3A_203 = arith.constant 1 : i32
    scf.for %while3A_210 = %sub3A_195 to %while3A_202 step %while3A_203  : i32 {
      %rem3A = arith.constant 20 : i32
      %rem3A_211 = arith.remsi %while3A_210, %rem3A : i32
      %dma_wait3A_212 = arith.constant 0 : i32
      %dma_wait3A_213 = arith.constant 0 : i32
      %dma_wait3A_214 = tpu.memref_slice %arg9[%rem3A_211, %dma_wait3A_212, %dma_wait3A_213] : memref<20x128x32xf32, #tpu.memory_space<vmem>> -> memref<1x128x32xf32, #tpu.memory_space<vmem>>
      %dma_wait3A_215 = tpu.memref_squeeze %dma_wait3A_214 : memref<1x128x32xf32, #tpu.memory_space<vmem>> -> memref<128x32xf32, #tpu.memory_space<vmem>>
      %dma_wait3A_216 = arith.constant 0 : i32
      %dma_wait3A_217 = tpu.memref_slice %arg8[%while3A_210, %dma_wait3A_216] : memref<86x128xi32, #tpu.memory_space<vmem>> -> memref<1x128xi32, #tpu.memory_space<vmem>>
      %dma_wait3A_218 = tpu.memref_squeeze %dma_wait3A_217 : memref<1x128xi32, #tpu.memory_space<vmem>> -> memref<128xi32, #tpu.memory_space<vmem>>
      %dma_wait3A_219 = arith.constant 0 : i32
      %dma_wait3A_220 = arith.constant 0 : i32
      %dma_wait3A_221 = tpu.memref_slice %arg10[%dma_wait3A_219, %dma_wait3A_220] : memref<10240x32xf32, #tpu.memory_space<vmem_shared>> -> memref<10240x32xf32, #tpu.memory_space<vmem_shared>>
      tpu.wait_indirect_dma semaphore(%arg12 : memref<!tpu.dma_semaphore, #tpu.memory_space<semaphore_mem>>) src(%dma_wait3A_215 : memref<128x32xf32, #tpu.memory_space<vmem>>) dst(%dma_wait3A_221 : memref<10240x32xf32, #tpu.memory_space<vmem_shared>>)
    }
    %while3A_204 = arith.constant 1 : i32
    scf.for %while3A_210 = %while3A_202 to %while3A_198 step %while3A_204  : i32 {
      %rem3A = arith.constant 20 : i32
      %rem3A_211 = arith.remsi %while3A_210, %rem3A : i32
      %dma_wait3A_212 = arith.constant 0 : i32
      %dma_wait3A_213 = arith.constant 0 : i32
      %dma_wait3A_214 = tpu.memref_slice %arg9[%rem3A_211, %dma_wait3A_212, %dma_wait3A_213] : memref<20x128x32xf32, #tpu.memory_space<vmem>> -> memref<1x128x32xf32, #tpu.memory_space<vmem>>
      %dma_wait3A_215 = tpu.memref_squeeze %dma_wait3A_214 : memref<1x128x32xf32, #tpu.memory_space<vmem>> -> memref<128x32xf32, #tpu.memory_space<vmem>>
      %dma_wait3A_216 = arith.constant 0 : i32
      %dma_wait3A_217 = tpu.memref_slice %arg8[%while3A_210, %dma_wait3A_216] : memref<86x128xi32, #tpu.memory_space<vmem>> -> memref<1x128xi32, #tpu.memory_space<vmem>>
      %dma_wait3A_218 = tpu.memref_squeeze %dma_wait3A_217 : memref<1x128xi32, #tpu.memory_space<vmem>> -> memref<128xi32, #tpu.memory_space<vmem>>
      %dma_wait3A_219 = arith.constant 0 : i32
      %dma_wait3A_220 = arith.constant 0 : i32
      %dma_wait3A_221 = tpu.memref_slice %arg10[%dma_wait3A_219, %dma_wait3A_220] : memref<10240x32xf32, #tpu.memory_space<vmem_shared>> -> memref<10240x32xf32, #tpu.memory_space<vmem_shared>>
      tpu.wait_indirect_dma semaphore(%arg12 : memref<!tpu.dma_semaphore, #tpu.memory_space<semaphore_mem>>) src(%dma_wait3A_215 : memref<128x32xf32, #tpu.memory_space<vmem>>) dst(%dma_wait3A_221 : memref<10240x32xf32, #tpu.memory_space<vmem_shared>>)
    }
    %barrier3A_205 = arith.constant 0 : index
    tpu.barrier barrier_id(%barrier3A_205)
    %mul3A_206 = arith.constant 640 : i32
    %mul3A_207 = arith.muli %arg1, %mul3A_206 : i32
    %mul3A_208 = arith.constant 640 : i32
    %mul3A_209 = arith.muli %arg1, %mul3A_208 : i32
    "tpu.region"() ({
      %run_scoped3A = tpu.sem_alloc : memref<!tpu.dma_semaphore, #tpu.memory_space<semaphore_mem>>
      %dma_start3A_210 = arith.constant 0 : i32
      %dma_start3A_211 = tpu.memref_slice %arg6[%arg0, %mul3A_209, %dma_start3A_210] : memref<2x10240x32xf32, #tpu.memory_space<hbm>> -> memref<1x640x32xf32, #tpu.memory_space<hbm>>
      %dma_start3A_212 = tpu.memref_squeeze %dma_start3A_211 : memref<1x640x32xf32, #tpu.memory_space<hbm>> -> memref<640x32xf32, #tpu.memory_space<hbm>>
      %dma_start3A_213 = arith.constant 0 : i32
      %dma_start3A_214 = tpu.memref_slice %arg10[%mul3A_207, %dma_start3A_213] : memref<10240x32xf32, #tpu.memory_space<vmem_shared>> -> memref<640x32xf32, #tpu.memory_space<vmem_shared>>
      tpu.enqueue_dma source(%dma_start3A_214 : memref<640x32xf32, #tpu.memory_space<vmem_shared>>) target(%dma_start3A_212 : memref<640x32xf32, #tpu.memory_space<hbm>>) target_semaphore(%run_scoped3A : memref<!tpu.dma_semaphore, #tpu.memory_space<semaphore_mem>>)
      %dma_wait3A_215 = arith.constant 0 : i32
      %dma_wait3A_216 = tpu.memref_slice %arg6[%arg0, %mul3A_209, %dma_wait3A_215] : memref<2x10240x32xf32, #tpu.memory_space<hbm>> -> memref<1x640x32xf32, #tpu.memory_space<hbm>>
      %dma_wait3A_217 = tpu.memref_squeeze %dma_wait3A_216 : memref<1x640x32xf32, #tpu.memory_space<hbm>> -> memref<640x32xf32, #tpu.memory_space<hbm>>
      %dma_wait3A_218 = arith.constant 0 : i32
      %dma_wait3A_219 = tpu.memref_slice %arg10[%mul3A_207, %dma_wait3A_218] : memref<10240x32xf32, #tpu.memory_space<vmem_shared>> -> memref<640x32xf32, #tpu.memory_space<vmem_shared>>
      tpu.wait_dma2 semaphore(%run_scoped3A : memref<!tpu.dma_semaphore, #tpu.memory_space<semaphore_mem>>) src(%dma_wait3A_219 : memref<640x32xf32, #tpu.memory_space<vmem_shared>>) dst(%dma_wait3A_217 : memref<640x32xf32, #tpu.memory_space<hbm>>)
      tpu.yield
    }) : () -> ()
    return
  }
}

#map = affine_map<(d0, d1) -> (0, 0)>
#map1 = affine_map<(d0, d1) -> (0, 0, 0)>
module attributes {stable_mosaic.version = 14 : i64} {
  func.func @_sc_segment_sum(%arg0: i32, %arg1: i32, %arg2: memref<10240x32xf32, #tpu.memory_space<hbm>>, %arg3: memref<2500x128xi32, #tpu.memory_space<hbm>>, %arg4: memref<2500x128xi32, #tpu.memory_space<hbm>>, %arg5: memref<10240x32xf32, #tpu.memory_space<hbm>>, %arg6: memref<2x10240x32xf32, #tpu.memory_space<hbm>>, %arg7: memref<86x128xi32, #tpu.memory_space<vmem>>, %arg8: memref<86x128xi32, #tpu.memory_space<vmem>>, %arg9: memref<20x128x32xf32, #tpu.memory_space<vmem>>, %arg10: memref<10240x32xf32, #tpu.memory_space<vmem_shared>>, %arg11: memref<!tpu.dma_semaphore, #tpu.memory_space<semaphore_mem>>, %arg12: memref<!tpu.dma_semaphore, #tpu.memory_space<semaphore_mem>>) attributes {dimension_semantics = [#tpu.dimension_semantics<core_parallel>, #tpu.dimension_semantics<subcore_parallel>], iteration_bounds = array<i64: 2, 16>, scalar_prefetch = 0 : i64, scratch_operands = 6 : i64, tpu.core_type = #tpu.core_type<sc_vector_subcore>, window_params = [{transform_indices = #map}, {transform_indices = #map}, {transform_indices = #map}, {transform_indices = #map}, {transform_indices = #map1}]} {
    %eq3A = arith.constant 0 : i32
    %eq3A_0 = arith.cmpi eq, %arg0, %eq3A : i32
    %eq3A_1 = arith.constant 15 : i32
    %eq3A_2 = arith.cmpi eq, %arg1, %eq3A_1 : i32
    %select_n3A = arith.constant 71 : i32
    %select_n3A_3 = arith.constant 59 : i32
    %select_n3A_4 = arith.select %eq3A_2, %select_n3A_3, %select_n3A : i32
    %select_n3A_5 = arith.constant 86 : i32
    %select_n3A_6 = arith.select %eq3A_0, %select_n3A_5, %select_n3A_4 : i32
    %eq3A_7 = arith.constant 0 : i32
    %eq3A_8 = arith.cmpi eq, %arg0, %eq3A_7 : i32
    %mul3A = arith.constant 86 : i32
    %mul3A_9 = arith.muli %arg1, %mul3A : i32
    %mul3A_10 = arith.constant 71 : i32
    %mul3A_11 = arith.muli %arg1, %mul3A_10 : i32
    %add3A = arith.constant 1376 : i32
    %add3A_12 = arith.addi %add3A, %mul3A_11 : i32
    %select_n3A_13 = arith.select %eq3A_8, %mul3A_9, %add3A_12 : i32
    %mul3A_14 = arith.constant 640 : i32
    %mul3A_15 = arith.muli %arg1, %mul3A_14 : i32
    %mul3A_16 = arith.constant 640 : i32
    %mul3A_17 = arith.muli %arg1, %mul3A_16 : i32
    %dma_start3A = arith.constant 0 : i32
    %dma_start3A_18 = tpu.memref_slice %arg10[%mul3A_17, %dma_start3A] : memref<10240x32xf32, #tpu.memory_space<vmem_shared>> -> memref<640x32xf32, #tpu.memory_space<vmem_shared>>
    %dma_start3A_19 = arith.constant 0 : i32
    %dma_start3A_20 = tpu.memref_slice %arg5[%mul3A_15, %dma_start3A_19] : memref<10240x32xf32, #tpu.memory_space<hbm>> -> memref<640x32xf32, #tpu.memory_space<hbm>>
    tpu.enqueue_dma source(%dma_start3A_20 : memref<640x32xf32, #tpu.memory_space<hbm>>) target(%dma_start3A_18 : memref<640x32xf32, #tpu.memory_space<vmem_shared>>) target_semaphore(%arg12 : memref<!tpu.dma_semaphore, #tpu.memory_space<semaphore_mem>>)
    %eq3A_21 = arith.constant 0 : i32
    %eq3A_22 = arith.cmpi eq, %arg0, %eq3A_21 : i32
    %convert_element_type3A = arith.extui %eq3A_22 : i1 to i32
    %cond3A = arith.constant 0 : i32
    %cond3A_23 = arith.cmpi ne, %convert_element_type3A, %cond3A : i32
    scf.if %cond3A_23 {
      %dma_start3A_210 = arith.constant 0 : i32
      %dma_start3A_211 = arith.constant 0 : i32
      %dma_start3A_212 = tpu.memref_slice %arg7[%dma_start3A_210, %dma_start3A_211] : memref<86x128xi32, #tpu.memory_space<vmem>> -> memref<86x128xi32, #tpu.memory_space<vmem>>
      %dma_start3A_213 = arith.constant 0 : i32
      %dma_start3A_214 = tpu.memref_slice %arg3[%select_n3A_13, %dma_start3A_213] : memref<2500x128xi32, #tpu.memory_space<hbm>> -> memref<86x128xi32, #tpu.memory_space<hbm>>
      %dma_start3A_215 = arith.constant 0 : i32
      %dma_start3A_216 = arith.constant 0 : i32
      %dma_start3A_217 = tpu.memref_slice %arg7[%dma_start3A_215, %dma_start3A_216] : memref<86x128xi32, #tpu.memory_space<vmem>> -> memref<86x128xi32, #tpu.memory_space<vmem>>
      %dma_start3A_218 = arith.constant 0 : i32
      %dma_start3A_219 = tpu.memref_slice %arg3[%select_n3A_13, %dma_start3A_218] : memref<2500x128xi32, #tpu.memory_space<hbm>> -> memref<86x128xi32, #tpu.memory_space<hbm>>
      tpu.enqueue_dma source(%dma_start3A_219 : memref<86x128xi32, #tpu.memory_space<hbm>>) target(%dma_start3A_217 : memref<86x128xi32, #tpu.memory_space<vmem>>) target_semaphore(%arg11 : memref<!tpu.dma_semaphore, #tpu.memory_space<semaphore_mem>>)
      %dma_start3A_220 = arith.constant 0 : i32
      %dma_start3A_221 = arith.constant 0 : i32
      %dma_start3A_222 = tpu.memref_slice %arg8[%dma_start3A_220, %dma_start3A_221] : memref<86x128xi32, #tpu.memory_space<vmem>> -> memref<86x128xi32, #tpu.memory_space<vmem>>
      %dma_start3A_223 = arith.constant 0 : i32
      %dma_start3A_224 = tpu.memref_slice %arg4[%select_n3A_13, %dma_start3A_223] : memref<2500x128xi32, #tpu.memory_space<hbm>> -> memref<86x128xi32, #tpu.memory_space<hbm>>
      %dma_start3A_225 = arith.constant 0 : i32
      %dma_start3A_226 = arith.constant 0 : i32
      %dma_start3A_227 = tpu.memref_slice %arg8[%dma_start3A_225, %dma_start3A_226] : memref<86x128xi32, #tpu.memory_space<vmem>> -> memref<86x128xi32, #tpu.memory_space<vmem>>
      %dma_start3A_228 = arith.constant 0 : i32
      %dma_start3A_229 = tpu.memref_slice %arg4[%select_n3A_13, %dma_start3A_228] : memref<2500x128xi32, #tpu.memory_space<hbm>> -> memref<86x128xi32, #tpu.memory_space<hbm>>
      tpu.enqueue_dma source(%dma_start3A_229 : memref<86x128xi32, #tpu.memory_space<hbm>>) target(%dma_start3A_227 : memref<86x128xi32, #tpu.memory_space<vmem>>) target_semaphore(%arg11 : memref<!tpu.dma_semaphore, #tpu.memory_space<semaphore_mem>>)
    } else {
    }
    %eq3A_24 = arith.constant 1 : i32
    %eq3A_25 = arith.cmpi eq, %arg0, %eq3A_24 : i32
    %lt3A = arith.constant 15 : i32
    %lt3A_26 = arith.cmpi slt, %arg1, %lt3A : i32
    %and3A = arith.andi %eq3A_25, %lt3A_26 : i1
    %convert_element_type3A_27 = arith.extui %and3A : i1 to i32
    %cond3A_28 = arith.constant 0 : i32
    %cond3A_29 = arith.cmpi ne, %convert_element_type3A_27, %cond3A_28 : i32
    scf.if %cond3A_29 {
      %dma_start3A_210 = arith.constant 0 : i32
      %dma_start3A_211 = arith.constant 0 : i32
      %dma_start3A_212 = tpu.memref_slice %arg7[%dma_start3A_210, %dma_start3A_211] : memref<86x128xi32, #tpu.memory_space<vmem>> -> memref<71x128xi32, #tpu.memory_space<vmem>>
      %dma_start3A_213 = arith.constant 0 : i32
      %dma_start3A_214 = tpu.memref_slice %arg3[%select_n3A_13, %dma_start3A_213] : memref<2500x128xi32, #tpu.memory_space<hbm>> -> memref<71x128xi32, #tpu.memory_space<hbm>>
      %dma_start3A_215 = arith.constant 0 : i32
      %dma_start3A_216 = arith.constant 0 : i32
      %dma_start3A_217 = tpu.memref_slice %arg7[%dma_start3A_215, %dma_start3A_216] : memref<86x128xi32, #tpu.memory_space<vmem>> -> memref<71x128xi32, #tpu.memory_space<vmem>>
      %dma_start3A_218 = arith.constant 0 : i32
      %dma_start3A_219 = tpu.memref_slice %arg3[%select_n3A_13, %dma_start3A_218] : memref<2500x128xi32, #tpu.memory_space<hbm>> -> memref<71x128xi32, #tpu.memory_space<hbm>>
      tpu.enqueue_dma source(%dma_start3A_219 : memref<71x128xi32, #tpu.memory_space<hbm>>) target(%dma_start3A_217 : memref<71x128xi32, #tpu.memory_space<vmem>>) target_semaphore(%arg11 : memref<!tpu.dma_semaphore, #tpu.memory_space<semaphore_mem>>)
      %dma_start3A_220 = arith.constant 0 : i32
      %dma_start3A_221 = arith.constant 0 : i32
      %dma_start3A_222 = tpu.memref_slice %arg8[%dma_start3A_220, %dma_start3A_221] : memref<86x128xi32, #tpu.memory_space<vmem>> -> memref<71x128xi32, #tpu.memory_space<vmem>>
      %dma_start3A_223 = arith.constant 0 : i32
      %dma_start3A_224 = tpu.memref_slice %arg4[%select_n3A_13, %dma_start3A_223] : memref<2500x128xi32, #tpu.memory_space<hbm>> -> memref<71x128xi32, #tpu.memory_space<hbm>>
      %dma_start3A_225 = arith.constant 0 : i32
      %dma_start3A_226 = arith.constant 0 : i32
      %dma_start3A_227 = tpu.memref_slice %arg8[%dma_start3A_225, %dma_start3A_226] : memref<86x128xi32, #tpu.memory_space<vmem>> -> memref<71x128xi32, #tpu.memory_space<vmem>>
      %dma_start3A_228 = arith.constant 0 : i32
      %dma_start3A_229 = tpu.memref_slice %arg4[%select_n3A_13, %dma_start3A_228] : memref<2500x128xi32, #tpu.memory_space<hbm>> -> memref<71x128xi32, #tpu.memory_space<hbm>>
      tpu.enqueue_dma source(%dma_start3A_229 : memref<71x128xi32, #tpu.memory_space<hbm>>) target(%dma_start3A_227 : memref<71x128xi32, #tpu.memory_space<vmem>>) target_semaphore(%arg11 : memref<!tpu.dma_semaphore, #tpu.memory_space<semaphore_mem>>)
    } else {
    }
    %eq3A_30 = arith.constant 1 : i32
    %eq3A_31 = arith.cmpi eq, %arg0, %eq3A_30 : i32
    %eq3A_32 = arith.constant 15 : i32
    %eq3A_33 = arith.cmpi eq, %arg1, %eq3A_32 : i32
    %and3A_34 = arith.andi %eq3A_31, %eq3A_33 : i1
    %convert_element_type3A_35 = arith.extui %and3A_34 : i1 to i32
    %cond3A_36 = arith.constant 0 : i32
    %cond3A_37 = arith.cmpi ne, %convert_element_type3A_35, %cond3A_36 : i32
    scf.if %cond3A_37 {
      %dma_start3A_210 = arith.constant 0 : i32
      %dma_start3A_211 = arith.constant 0 : i32
      %dma_start3A_212 = tpu.memref_slice %arg7[%dma_start3A_210, %dma_start3A_211] : memref<86x128xi32, #tpu.memory_space<vmem>> -> memref<59x128xi32, #tpu.memory_space<vmem>>
      %dma_start3A_213 = arith.constant 0 : i32
      %dma_start3A_214 = tpu.memref_slice %arg3[%select_n3A_13, %dma_start3A_213] : memref<2500x128xi32, #tpu.memory_space<hbm>> -> memref<59x128xi32, #tpu.memory_space<hbm>>
      %dma_start3A_215 = arith.constant 0 : i32
      %dma_start3A_216 = arith.constant 0 : i32
      %dma_start3A_217 = tpu.memref_slice %arg7[%dma_start3A_215, %dma_start3A_216] : memref<86x128xi32, #tpu.memory_space<vmem>> -> memref<59x128xi32, #tpu.memory_space<vmem>>
      %dma_start3A_218 = arith.constant 0 : i32
      %dma_start3A_219 = tpu.memref_slice %arg3[%select_n3A_13, %dma_start3A_218] : memref<2500x128xi32, #tpu.memory_space<hbm>> -> memref<59x128xi32, #tpu.memory_space<hbm>>
      tpu.enqueue_dma source(%dma_start3A_219 : memref<59x128xi32, #tpu.memory_space<hbm>>) target(%dma_start3A_217 : memref<59x128xi32, #tpu.memory_space<vmem>>) target_semaphore(%arg11 : memref<!tpu.dma_semaphore, #tpu.memory_space<semaphore_mem>>)
      %dma_start3A_220 = arith.constant 0 : i32
      %dma_start3A_221 = arith.constant 0 : i32
      %dma_start3A_222 = tpu.memref_slice %arg8[%dma_start3A_220, %dma_start3A_221] : memref<86x128xi32, #tpu.memory_space<vmem>> -> memref<59x128xi32, #tpu.memory_space<vmem>>
      %dma_start3A_223 = arith.constant 0 : i32
      %dma_start3A_224 = tpu.memref_slice %arg4[%select_n3A_13, %dma_start3A_223] : memref<2500x128xi32, #tpu.memory_space<hbm>> -> memref<59x128xi32, #tpu.memory_space<hbm>>
      %dma_start3A_225 = arith.constant 0 : i32
      %dma_start3A_226 = arith.constant 0 : i32
      %dma_start3A_227 = tpu.memref_slice %arg8[%dma_start3A_225, %dma_start3A_226] : memref<86x128xi32, #tpu.memory_space<vmem>> -> memref<59x128xi32, #tpu.memory_space<vmem>>
      %dma_start3A_228 = arith.constant 0 : i32
      %dma_start3A_229 = tpu.memref_slice %arg4[%select_n3A_13, %dma_start3A_228] : memref<2500x128xi32, #tpu.memory_space<hbm>> -> memref<59x128xi32, #tpu.memory_space<hbm>>
      tpu.enqueue_dma source(%dma_start3A_229 : memref<59x128xi32, #tpu.memory_space<hbm>>) target(%dma_start3A_227 : memref<59x128xi32, #tpu.memory_space<vmem>>) target_semaphore(%arg11 : memref<!tpu.dma_semaphore, #tpu.memory_space<semaphore_mem>>)
    } else {
    }
    %mul3A_38 = arith.constant 640 : i32
    %mul3A_39 = arith.muli %arg1, %mul3A_38 : i32
    %mul3A_40 = arith.constant 640 : i32
    %mul3A_41 = arith.muli %arg1, %mul3A_40 : i32
    %dma_wait3A = arith.constant 0 : i32
    %dma_wait3A_42 = tpu.memref_slice %arg10[%mul3A_41, %dma_wait3A] : memref<10240x32xf32, #tpu.memory_space<vmem_shared>> -> memref<640x32xf32, #tpu.memory_space<vmem_shared>>
    %dma_wait3A_43 = arith.constant 0 : i32
    %dma_wait3A_44 = tpu.memref_slice %arg5[%mul3A_39, %dma_wait3A_43] : memref<10240x32xf32, #tpu.memory_space<hbm>> -> memref<640x32xf32, #tpu.memory_space<hbm>>
    tpu.wait_dma2 semaphore(%arg12 : memref<!tpu.dma_semaphore, #tpu.memory_space<semaphore_mem>>) src(%dma_wait3A_44 : memref<640x32xf32, #tpu.memory_space<hbm>>) dst(%dma_wait3A_42 : memref<640x32xf32, #tpu.memory_space<vmem_shared>>)
    %eq3A_45 = arith.constant 0 : i32
    %eq3A_46 = arith.cmpi eq, %arg0, %eq3A_45 : i32
    %convert_element_type3A_47 = arith.extui %eq3A_46 : i1 to i32
    %cond3A_48 = arith.constant 0 : i32
    %cond3A_49 = arith.cmpi ne, %convert_element_type3A_47, %cond3A_48 : i32
    scf.if %cond3A_49 {
      %dma_wait3A_210 = arith.constant 0 : i32
      %dma_wait3A_211 = arith.constant 0 : i32
      %dma_wait3A_212 = tpu.memref_slice %arg7[%dma_wait3A_210, %dma_wait3A_211] : memref<86x128xi32, #tpu.memory_space<vmem>> -> memref<86x128xi32, #tpu.memory_space<vmem>>
      %dma_wait3A_213 = arith.constant 0 : i32
      %dma_wait3A_214 = tpu.memref_slice %arg3[%select_n3A_13, %dma_wait3A_213] : memref<2500x128xi32, #tpu.memory_space<hbm>> -> memref<86x128xi32, #tpu.memory_space<hbm>>
      %dma_wait3A_215 = arith.constant 0 : i32
      %dma_wait3A_216 = arith.constant 0 : i32
      %dma_wait3A_217 = tpu.memref_slice %arg7[%dma_wait3A_215, %dma_wait3A_216] : memref<86x128xi32, #tpu.memory_space<vmem>> -> memref<86x128xi32, #tpu.memory_space<vmem>>
      %dma_wait3A_218 = arith.constant 0 : i32
      %dma_wait3A_219 = tpu.memref_slice %arg3[%select_n3A_13, %dma_wait3A_218] : memref<2500x128xi32, #tpu.memory_space<hbm>> -> memref<86x128xi32, #tpu.memory_space<hbm>>
      tpu.wait_dma2 semaphore(%arg11 : memref<!tpu.dma_semaphore, #tpu.memory_space<semaphore_mem>>) src(%dma_wait3A_219 : memref<86x128xi32, #tpu.memory_space<hbm>>) dst(%dma_wait3A_217 : memref<86x128xi32, #tpu.memory_space<vmem>>)
      %dma_wait3A_220 = arith.constant 0 : i32
      %dma_wait3A_221 = arith.constant 0 : i32
      %dma_wait3A_222 = tpu.memref_slice %arg8[%dma_wait3A_220, %dma_wait3A_221] : memref<86x128xi32, #tpu.memory_space<vmem>> -> memref<86x128xi32, #tpu.memory_space<vmem>>
      %dma_wait3A_223 = arith.constant 0 : i32
      %dma_wait3A_224 = tpu.memref_slice %arg4[%select_n3A_13, %dma_wait3A_223] : memref<2500x128xi32, #tpu.memory_space<hbm>> -> memref<86x128xi32, #tpu.memory_space<hbm>>
      %dma_wait3A_225 = arith.constant 0 : i32
      %dma_wait3A_226 = arith.constant 0 : i32
      %dma_wait3A_227 = tpu.memref_slice %arg8[%dma_wait3A_225, %dma_wait3A_226] : memref<86x128xi32, #tpu.memory_space<vmem>> -> memref<86x128xi32, #tpu.memory_space<vmem>>
      %dma_wait3A_228 = arith.constant 0 : i32
      %dma_wait3A_229 = tpu.memref_slice %arg4[%select_n3A_13, %dma_wait3A_228] : memref<2500x128xi32, #tpu.memory_space<hbm>> -> memref<86x128xi32, #tpu.memory_space<hbm>>
      tpu.wait_dma2 semaphore(%arg11 : memref<!tpu.dma_semaphore, #tpu.memory_space<semaphore_mem>>) src(%dma_wait3A_229 : memref<86x128xi32, #tpu.memory_space<hbm>>) dst(%dma_wait3A_227 : memref<86x128xi32, #tpu.memory_space<vmem>>)
    } else {
    }
    %eq3A_50 = arith.constant 1 : i32
    %eq3A_51 = arith.cmpi eq, %arg0, %eq3A_50 : i32
    %lt3A_52 = arith.constant 15 : i32
    %lt3A_53 = arith.cmpi slt, %arg1, %lt3A_52 : i32
    %and3A_54 = arith.andi %eq3A_51, %lt3A_53 : i1
    %convert_element_type3A_55 = arith.extui %and3A_54 : i1 to i32
    %cond3A_56 = arith.constant 0 : i32
    %cond3A_57 = arith.cmpi ne, %convert_element_type3A_55, %cond3A_56 : i32
    scf.if %cond3A_57 {
      %dma_wait3A_210 = arith.constant 0 : i32
      %dma_wait3A_211 = arith.constant 0 : i32
      %dma_wait3A_212 = tpu.memref_slice %arg7[%dma_wait3A_210, %dma_wait3A_211] : memref<86x128xi32, #tpu.memory_space<vmem>> -> memref<71x128xi32, #tpu.memory_space<vmem>>
      %dma_wait3A_213 = arith.constant 0 : i32
      %dma_wait3A_214 = tpu.memref_slice %arg3[%select_n3A_13, %dma_wait3A_213] : memref<2500x128xi32, #tpu.memory_space<hbm>> -> memref<71x128xi32, #tpu.memory_space<hbm>>
      %dma_wait3A_215 = arith.constant 0 : i32
      %dma_wait3A_216 = arith.constant 0 : i32
      %dma_wait3A_217 = tpu.memref_slice %arg7[%dma_wait3A_215, %dma_wait3A_216] : memref<86x128xi32, #tpu.memory_space<vmem>> -> memref<71x128xi32, #tpu.memory_space<vmem>>
      %dma_wait3A_218 = arith.constant 0 : i32
      %dma_wait3A_219 = tpu.memref_slice %arg3[%select_n3A_13, %dma_wait3A_218] : memref<2500x128xi32, #tpu.memory_space<hbm>> -> memref<71x128xi32, #tpu.memory_space<hbm>>
      tpu.wait_dma2 semaphore(%arg11 : memref<!tpu.dma_semaphore, #tpu.memory_space<semaphore_mem>>) src(%dma_wait3A_219 : memref<71x128xi32, #tpu.memory_space<hbm>>) dst(%dma_wait3A_217 : memref<71x128xi32, #tpu.memory_space<vmem>>)
      %dma_wait3A_220 = arith.constant 0 : i32
      %dma_wait3A_221 = arith.constant 0 : i32
      %dma_wait3A_222 = tpu.memref_slice %arg8[%dma_wait3A_220, %dma_wait3A_221] : memref<86x128xi32, #tpu.memory_space<vmem>> -> memref<71x128xi32, #tpu.memory_space<vmem>>
      %dma_wait3A_223 = arith.constant 0 : i32
      %dma_wait3A_224 = tpu.memref_slice %arg4[%select_n3A_13, %dma_wait3A_223] : memref<2500x128xi32, #tpu.memory_space<hbm>> -> memref<71x128xi32, #tpu.memory_space<hbm>>
      %dma_wait3A_225 = arith.constant 0 : i32
      %dma_wait3A_226 = arith.constant 0 : i32
      %dma_wait3A_227 = tpu.memref_slice %arg8[%dma_wait3A_225, %dma_wait3A_226] : memref<86x128xi32, #tpu.memory_space<vmem>> -> memref<71x128xi32, #tpu.memory_space<vmem>>
      %dma_wait3A_228 = arith.constant 0 : i32
      %dma_wait3A_229 = tpu.memref_slice %arg4[%select_n3A_13, %dma_wait3A_228] : memref<2500x128xi32, #tpu.memory_space<hbm>> -> memref<71x128xi32, #tpu.memory_space<hbm>>
      tpu.wait_dma2 semaphore(%arg11 : memref<!tpu.dma_semaphore, #tpu.memory_space<semaphore_mem>>) src(%dma_wait3A_229 : memref<71x128xi32, #tpu.memory_space<hbm>>) dst(%dma_wait3A_227 : memref<71x128xi32, #tpu.memory_space<vmem>>)
    } else {
    }
    %eq3A_58 = arith.constant 1 : i32
    %eq3A_59 = arith.cmpi eq, %arg0, %eq3A_58 : i32
    %eq3A_60 = arith.constant 15 : i32
    %eq3A_61 = arith.cmpi eq, %arg1, %eq3A_60 : i32
    %and3A_62 = arith.andi %eq3A_59, %eq3A_61 : i1
    %convert_element_type3A_63 = arith.extui %and3A_62 : i1 to i32
    %cond3A_64 = arith.constant 0 : i32
    %cond3A_65 = arith.cmpi ne, %convert_element_type3A_63, %cond3A_64 : i32
    scf.if %cond3A_65 {
      %dma_wait3A_210 = arith.constant 0 : i32
      %dma_wait3A_211 = arith.constant 0 : i32
      %dma_wait3A_212 = tpu.memref_slice %arg7[%dma_wait3A_210, %dma_wait3A_211] : memref<86x128xi32, #tpu.memory_space<vmem>> -> memref<59x128xi32, #tpu.memory_space<vmem>>
      %dma_wait3A_213 = arith.constant 0 : i32
      %dma_wait3A_214 = tpu.memref_slice %arg3[%select_n3A_13, %dma_wait3A_213] : memref<2500x128xi32, #tpu.memory_space<hbm>> -> memref<59x128xi32, #tpu.memory_space<hbm>>
      %dma_wait3A_215 = arith.constant 0 : i32
      %dma_wait3A_216 = arith.constant 0 : i32
      %dma_wait3A_217 = tpu.memref_slice %arg7[%dma_wait3A_215, %dma_wait3A_216] : memref<86x128xi32, #tpu.memory_space<vmem>> -> memref<59x128xi32, #tpu.memory_space<vmem>>
      %dma_wait3A_218 = arith.constant 0 : i32
      %dma_wait3A_219 = tpu.memref_slice %arg3[%select_n3A_13, %dma_wait3A_218] : memref<2500x128xi32, #tpu.memory_space<hbm>> -> memref<59x128xi32, #tpu.memory_space<hbm>>
      tpu.wait_dma2 semaphore(%arg11 : memref<!tpu.dma_semaphore, #tpu.memory_space<semaphore_mem>>) src(%dma_wait3A_219 : memref<59x128xi32, #tpu.memory_space<hbm>>) dst(%dma_wait3A_217 : memref<59x128xi32, #tpu.memory_space<vmem>>)
      %dma_wait3A_220 = arith.constant 0 : i32
      %dma_wait3A_221 = arith.constant 0 : i32
      %dma_wait3A_222 = tpu.memref_slice %arg8[%dma_wait3A_220, %dma_wait3A_221] : memref<86x128xi32, #tpu.memory_space<vmem>> -> memref<59x128xi32, #tpu.memory_space<vmem>>
      %dma_wait3A_223 = arith.constant 0 : i32
      %dma_wait3A_224 = tpu.memref_slice %arg4[%select_n3A_13, %dma_wait3A_223] : memref<2500x128xi32, #tpu.memory_space<hbm>> -> memref<59x128xi32, #tpu.memory_space<hbm>>
      %dma_wait3A_225 = arith.constant 0 : i32
      %dma_wait3A_226 = arith.constant 0 : i32
      %dma_wait3A_227 = tpu.memref_slice %arg8[%dma_wait3A_225, %dma_wait3A_226] : memref<86x128xi32, #tpu.memory_space<vmem>> -> memref<59x128xi32, #tpu.memory_space<vmem>>
      %dma_wait3A_228 = arith.constant 0 : i32
      %dma_wait3A_229 = tpu.memref_slice %arg4[%select_n3A_13, %dma_wait3A_228] : memref<2500x128xi32, #tpu.memory_space<hbm>> -> memref<59x128xi32, #tpu.memory_space<hbm>>
      tpu.wait_dma2 semaphore(%arg11 : memref<!tpu.dma_semaphore, #tpu.memory_space<semaphore_mem>>) src(%dma_wait3A_229 : memref<59x128xi32, #tpu.memory_space<hbm>>) dst(%dma_wait3A_227 : memref<59x128xi32, #tpu.memory_space<vmem>>)
    } else {
    }
    %barrier3A = arith.constant 0 : index
    tpu.barrier barrier_id(%barrier3A)
    %dma_start3A_66 = arith.constant 0 : i32
    %dma_start3A_67 = arith.constant 0 : i32
    %dma_start3A_68 = arith.constant 0 : i32
    %dma_start3A_69 = arith.constant 0 : i32
    %dma_start3A_70 = tpu.memref_slice %arg9[%dma_start3A_67, %dma_start3A_68, %dma_start3A_69] : memref<20x128x32xf32, #tpu.memory_space<vmem>> -> memref<1x128x32xf32, #tpu.memory_space<vmem>>
    %dma_start3A_71 = tpu.memref_squeeze %dma_start3A_70 : memref<1x128x32xf32, #tpu.memory_space<vmem>> -> memref<128x32xf32, #tpu.memory_space<vmem>>
    %dma_start3A_72 = arith.constant 0 : i32
    %dma_start3A_73 = tpu.memref_slice %arg7[%dma_start3A_66, %dma_start3A_72] : memref<86x128xi32, #tpu.memory_space<vmem>> -> memref<1x128xi32, #tpu.memory_space<vmem>>
    %dma_start3A_74 = tpu.memref_squeeze %dma_start3A_73 : memref<1x128xi32, #tpu.memory_space<vmem>> -> memref<128xi32, #tpu.memory_space<vmem>>
    %dma_start3A_75 = arith.constant 0 : i32
    %dma_start3A_76 = arith.constant 0 : i32
    %dma_start3A_77 = tpu.memref_slice %arg2[%dma_start3A_75, %dma_start3A_76] : memref<10240x32xf32, #tpu.memory_space<hbm>> -> memref<10240x32xf32, #tpu.memory_space<hbm>>
    tpu.enqueue_indirect_dma source(%dma_start3A_77 : memref<10240x32xf32, #tpu.memory_space<hbm>>) target(%dma_start3A_71 : memref<128x32xf32, #tpu.memory_space<vmem>>) offsets(%dma_start3A_74 : memref<128xi32, #tpu.memory_space<vmem>>) semaphore(%arg11 : memref<!tpu.dma_semaphore, #tpu.memory_space<semaphore_mem>>)
    %dma_start3A_78 = arith.constant 1 : i32
    %dma_start3A_79 = arith.constant 1 : i32
    %dma_start3A_80 = arith.constant 0 : i32
    %dma_start3A_81 = arith.constant 0 : i32
    %dma_start3A_82 = tpu.memref_slice %arg9[%dma_start3A_79, %dma_start3A_80, %dma_start3A_81] : memref<20x128x32xf32, #tpu.memory_space<vmem>> -> memref<1x128x32xf32, #tpu.memory_space<vmem>>
    %dma_start3A_83 = tpu.memref_squeeze %dma_start3A_82 : memref<1x128x32xf32, #tpu.memory_space<vmem>> -> memref<128x32xf32, #tpu.memory_space<vmem>>
    %dma_start3A_84 = arith.constant 0 : i32
    %dma_start3A_85 = tpu.memref_slice %arg7[%dma_start3A_78, %dma_start3A_84] : memref<86x128xi32, #tpu.memory_space<vmem>> -> memref<1x128xi32, #tpu.memory_space<vmem>>
    %dma_start3A_86 = tpu.memref_squeeze %dma_start3A_85 : memref<1x128xi32, #tpu.memory_space<vmem>> -> memref<128xi32, #tpu.memory_space<vmem>>
    %dma_start3A_87 = arith.constant 0 : i32
    %dma_start3A_88 = arith.constant 0 : i32
    %dma_start3A_89 = tpu.memref_slice %arg2[%dma_start3A_87, %dma_start3A_88] : memref<10240x32xf32, #tpu.memory_space<hbm>> -> memref<10240x32xf32, #tpu.memory_space<hbm>>
    tpu.enqueue_indirect_dma source(%dma_start3A_89 : memref<10240x32xf32, #tpu.memory_space<hbm>>) target(%dma_start3A_83 : memref<128x32xf32, #tpu.memory_space<vmem>>) offsets(%dma_start3A_86 : memref<128xi32, #tpu.memory_space<vmem>>) semaphore(%arg11 : memref<!tpu.dma_semaphore, #tpu.memory_space<semaphore_mem>>)
    %dma_start3A_90 = arith.constant 2 : i32
    %dma_start3A_91 = arith.constant 2 : i32
    %dma_start3A_92 = arith.constant 0 : i32
    %dma_start3A_93 = arith.constant 0 : i32
    %dma_start3A_94 = tpu.memref_slice %arg9[%dma_start3A_91, %dma_start3A_92, %dma_start3A_93] : memref<20x128x32xf32, #tpu.memory_space<vmem>> -> memref<1x128x32xf32, #tpu.memory_space<vmem>>
    %dma_start3A_95 = tpu.memref_squeeze %dma_start3A_94 : memref<1x128x32xf32, #tpu.memory_space<vmem>> -> memref<128x32xf32, #tpu.memory_space<vmem>>
    %dma_start3A_96 = arith.constant 0 : i32
    %dma_start3A_97 = tpu.memref_slice %arg7[%dma_start3A_90, %dma_start3A_96] : memref<86x128xi32, #tpu.memory_space<vmem>> -> memref<1x128xi32, #tpu.memory_space<vmem>>
    %dma_start3A_98 = tpu.memref_squeeze %dma_start3A_97 : memref<1x128xi32, #tpu.memory_space<vmem>> -> memref<128xi32, #tpu.memory_space<vmem>>
    %dma_start3A_99 = arith.constant 0 : i32
    %dma_start3A_100 = arith.constant 0 : i32
    %dma_start3A_101 = tpu.memref_slice %arg2[%dma_start3A_99, %dma_start3A_100] : memref<10240x32xf32, #tpu.memory_space<hbm>> -> memref<10240x32xf32, #tpu.memory_space<hbm>>
    tpu.enqueue_indirect_dma source(%dma_start3A_101 : memref<10240x32xf32, #tpu.memory_space<hbm>>) target(%dma_start3A_95 : memref<128x32xf32, #tpu.memory_space<vmem>>) offsets(%dma_start3A_98 : memref<128xi32, #tpu.memory_space<vmem>>) semaphore(%arg11 : memref<!tpu.dma_semaphore, #tpu.memory_space<semaphore_mem>>)
    %dma_start3A_102 = arith.constant 3 : i32
    %dma_start3A_103 = arith.constant 3 : i32
    %dma_start3A_104 = arith.constant 0 : i32
    %dma_start3A_105 = arith.constant 0 : i32
    %dma_start3A_106 = tpu.memref_slice %arg9[%dma_start3A_103, %dma_start3A_104, %dma_start3A_105] : memref<20x128x32xf32, #tpu.memory_space<vmem>> -> memref<1x128x32xf32, #tpu.memory_space<vmem>>
    %dma_start3A_107 = tpu.memref_squeeze %dma_start3A_106 : memref<1x128x32xf32, #tpu.memory_space<vmem>> -> memref<128x32xf32, #tpu.memory_space<vmem>>
    %dma_start3A_108 = arith.constant 0 : i32
    %dma_start3A_109 = tpu.memref_slice %arg7[%dma_start3A_102, %dma_start3A_108] : memref<86x128xi32, #tpu.memory_space<vmem>> -> memref<1x128xi32, #tpu.memory_space<vmem>>
    %dma_start3A_110 = tpu.memref_squeeze %dma_start3A_109 : memref<1x128xi32, #tpu.memory_space<vmem>> -> memref<128xi32, #tpu.memory_space<vmem>>
    %dma_start3A_111 = arith.constant 0 : i32
    %dma_start3A_112 = arith.constant 0 : i32
    %dma_start3A_113 = tpu.memref_slice %arg2[%dma_start3A_111, %dma_start3A_112] : memref<10240x32xf32, #tpu.memory_space<hbm>> -> memref<10240x32xf32, #tpu.memory_space<hbm>>
    tpu.enqueue_indirect_dma source(%dma_start3A_113 : memref<10240x32xf32, #tpu.memory_space<hbm>>) target(%dma_start3A_107 : memref<128x32xf32, #tpu.memory_space<vmem>>) offsets(%dma_start3A_110 : memref<128xi32, #tpu.memory_space<vmem>>) semaphore(%arg11 : memref<!tpu.dma_semaphore, #tpu.memory_space<semaphore_mem>>)
    %dma_start3A_114 = arith.constant 4 : i32
    %dma_start3A_115 = arith.constant 4 : i32
    %dma_start3A_116 = arith.constant 0 : i32
    %dma_start3A_117 = arith.constant 0 : i32
    %dma_start3A_118 = tpu.memref_slice %arg9[%dma_start3A_115, %dma_start3A_116, %dma_start3A_117] : memref<20x128x32xf32, #tpu.memory_space<vmem>> -> memref<1x128x32xf32, #tpu.memory_space<vmem>>
    %dma_start3A_119 = tpu.memref_squeeze %dma_start3A_118 : memref<1x128x32xf32, #tpu.memory_space<vmem>> -> memref<128x32xf32, #tpu.memory_space<vmem>>
    %dma_start3A_120 = arith.constant 0 : i32
    %dma_start3A_121 = tpu.memref_slice %arg7[%dma_start3A_114, %dma_start3A_120] : memref<86x128xi32, #tpu.memory_space<vmem>> -> memref<1x128xi32, #tpu.memory_space<vmem>>
    %dma_start3A_122 = tpu.memref_squeeze %dma_start3A_121 : memref<1x128xi32, #tpu.memory_space<vmem>> -> memref<128xi32, #tpu.memory_space<vmem>>
    %dma_start3A_123 = arith.constant 0 : i32
    %dma_start3A_124 = arith.constant 0 : i32
    %dma_start3A_125 = tpu.memref_slice %arg2[%dma_start3A_123, %dma_start3A_124] : memref<10240x32xf32, #tpu.memory_space<hbm>> -> memref<10240x32xf32, #tpu.memory_space<hbm>>
    tpu.enqueue_indirect_dma source(%dma_start3A_125 : memref<10240x32xf32, #tpu.memory_space<hbm>>) target(%dma_start3A_119 : memref<128x32xf32, #tpu.memory_space<vmem>>) offsets(%dma_start3A_122 : memref<128xi32, #tpu.memory_space<vmem>>) semaphore(%arg11 : memref<!tpu.dma_semaphore, #tpu.memory_space<semaphore_mem>>)
    %dma_start3A_126 = arith.constant 5 : i32
    %dma_start3A_127 = arith.constant 5 : i32
    %dma_start3A_128 = arith.constant 0 : i32
    %dma_start3A_129 = arith.constant 0 : i32
    %dma_start3A_130 = tpu.memref_slice %arg9[%dma_start3A_127, %dma_start3A_128, %dma_start3A_129] : memref<20x128x32xf32, #tpu.memory_space<vmem>> -> memref<1x128x32xf32, #tpu.memory_space<vmem>>
    %dma_start3A_131 = tpu.memref_squeeze %dma_start3A_130 : memref<1x128x32xf32, #tpu.memory_space<vmem>> -> memref<128x32xf32, #tpu.memory_space<vmem>>
    %dma_start3A_132 = arith.constant 0 : i32
    %dma_start3A_133 = tpu.memref_slice %arg7[%dma_start3A_126, %dma_start3A_132] : memref<86x128xi32, #tpu.memory_space<vmem>> -> memref<1x128xi32, #tpu.memory_space<vmem>>
    %dma_start3A_134 = tpu.memref_squeeze %dma_start3A_133 : memref<1x128xi32, #tpu.memory_space<vmem>> -> memref<128xi32, #tpu.memory_space<vmem>>
    %dma_start3A_135 = arith.constant 0 : i32
    %dma_start3A_136 = arith.constant 0 : i32
    %dma_start3A_137 = tpu.memref_slice %arg2[%dma_start3A_135, %dma_start3A_136] : memref<10240x32xf32, #tpu.memory_space<hbm>> -> memref<10240x32xf32, #tpu.memory_space<hbm>>
    tpu.enqueue_indirect_dma source(%dma_start3A_137 : memref<10240x32xf32, #tpu.memory_space<hbm>>) target(%dma_start3A_131 : memref<128x32xf32, #tpu.memory_space<vmem>>) offsets(%dma_start3A_134 : memref<128xi32, #tpu.memory_space<vmem>>) semaphore(%arg11 : memref<!tpu.dma_semaphore, #tpu.memory_space<semaphore_mem>>)
    %dma_start3A_138 = arith.constant 6 : i32
    %dma_start3A_139 = arith.constant 6 : i32
    %dma_start3A_140 = arith.constant 0 : i32
    %dma_start3A_141 = arith.constant 0 : i32
    %dma_start3A_142 = tpu.memref_slice %arg9[%dma_start3A_139, %dma_start3A_140, %dma_start3A_141] : memref<20x128x32xf32, #tpu.memory_space<vmem>> -> memref<1x128x32xf32, #tpu.memory_space<vmem>>
    %dma_start3A_143 = tpu.memref_squeeze %dma_start3A_142 : memref<1x128x32xf32, #tpu.memory_space<vmem>> -> memref<128x32xf32, #tpu.memory_space<vmem>>
    %dma_start3A_144 = arith.constant 0 : i32
    %dma_start3A_145 = tpu.memref_slice %arg7[%dma_start3A_138, %dma_start3A_144] : memref<86x128xi32, #tpu.memory_space<vmem>> -> memref<1x128xi32, #tpu.memory_space<vmem>>
    %dma_start3A_146 = tpu.memref_squeeze %dma_start3A_145 : memref<1x128xi32, #tpu.memory_space<vmem>> -> memref<128xi32, #tpu.memory_space<vmem>>
    %dma_start3A_147 = arith.constant 0 : i32
    %dma_start3A_148 = arith.constant 0 : i32
    %dma_start3A_149 = tpu.memref_slice %arg2[%dma_start3A_147, %dma_start3A_148] : memref<10240x32xf32, #tpu.memory_space<hbm>> -> memref<10240x32xf32, #tpu.memory_space<hbm>>
    tpu.enqueue_indirect_dma source(%dma_start3A_149 : memref<10240x32xf32, #tpu.memory_space<hbm>>) target(%dma_start3A_143 : memref<128x32xf32, #tpu.memory_space<vmem>>) offsets(%dma_start3A_146 : memref<128xi32, #tpu.memory_space<vmem>>) semaphore(%arg11 : memref<!tpu.dma_semaphore, #tpu.memory_space<semaphore_mem>>)
    %dma_start3A_150 = arith.constant 7 : i32
    %dma_start3A_151 = arith.constant 7 : i32
    %dma_start3A_152 = arith.constant 0 : i32
    %dma_start3A_153 = arith.constant 0 : i32
    %dma_start3A_154 = tpu.memref_slice %arg9[%dma_start3A_151, %dma_start3A_152, %dma_start3A_153] : memref<20x128x32xf32, #tpu.memory_space<vmem>> -> memref<1x128x32xf32, #tpu.memory_space<vmem>>
    %dma_start3A_155 = tpu.memref_squeeze %dma_start3A_154 : memref<1x128x32xf32, #tpu.memory_space<vmem>> -> memref<128x32xf32, #tpu.memory_space<vmem>>
    %dma_start3A_156 = arith.constant 0 : i32
    %dma_start3A_157 = tpu.memref_slice %arg7[%dma_start3A_150, %dma_start3A_156] : memref<86x128xi32, #tpu.memory_space<vmem>> -> memref<1x128xi32, #tpu.memory_space<vmem>>
    %dma_start3A_158 = tpu.memref_squeeze %dma_start3A_157 : memref<1x128xi32, #tpu.memory_space<vmem>> -> memref<128xi32, #tpu.memory_space<vmem>>
    %dma_start3A_159 = arith.constant 0 : i32
    %dma_start3A_160 = arith.constant 0 : i32
    %dma_start3A_161 = tpu.memref_slice %arg2[%dma_start3A_159, %dma_start3A_160] : memref<10240x32xf32, #tpu.memory_space<hbm>> -> memref<10240x32xf32, #tpu.memory_space<hbm>>
    tpu.enqueue_indirect_dma source(%dma_start3A_161 : memref<10240x32xf32, #tpu.memory_space<hbm>>) target(%dma_start3A_155 : memref<128x32xf32, #tpu.memory_space<vmem>>) offsets(%dma_start3A_158 : memref<128xi32, #tpu.memory_space<vmem>>) semaphore(%arg11 : memref<!tpu.dma_semaphore, #tpu.memory_space<semaphore_mem>>)
    %dma_start3A_162 = arith.constant 8 : i32
    %dma_start3A_163 = arith.constant 8 : i32
    %dma_start3A_164 = arith.constant 0 : i32
    %dma_start3A_165 = arith.constant 0 : i32
    %dma_start3A_166 = tpu.memref_slice %arg9[%dma_start3A_163, %dma_start3A_164, %dma_start3A_165] : memref<20x128x32xf32, #tpu.memory_space<vmem>> -> memref<1x128x32xf32, #tpu.memory_space<vmem>>
    %dma_start3A_167 = tpu.memref_squeeze %dma_start3A_166 : memref<1x128x32xf32, #tpu.memory_space<vmem>> -> memref<128x32xf32, #tpu.memory_space<vmem>>
    %dma_start3A_168 = arith.constant 0 : i32
    %dma_start3A_169 = tpu.memref_slice %arg7[%dma_start3A_162, %dma_start3A_168] : memref<86x128xi32, #tpu.memory_space<vmem>> -> memref<1x128xi32, #tpu.memory_space<vmem>>
    %dma_start3A_170 = tpu.memref_squeeze %dma_start3A_169 : memref<1x128xi32, #tpu.memory_space<vmem>> -> memref<128xi32, #tpu.memory_space<vmem>>
    %dma_start3A_171 = arith.constant 0 : i32
    %dma_start3A_172 = arith.constant 0 : i32
    %dma_start3A_173 = tpu.memref_slice %arg2[%dma_start3A_171, %dma_start3A_172] : memref<10240x32xf32, #tpu.memory_space<hbm>> -> memref<10240x32xf32, #tpu.memory_space<hbm>>
    tpu.enqueue_indirect_dma source(%dma_start3A_173 : memref<10240x32xf32, #tpu.memory_space<hbm>>) target(%dma_start3A_167 : memref<128x32xf32, #tpu.memory_space<vmem>>) offsets(%dma_start3A_170 : memref<128xi32, #tpu.memory_space<vmem>>) semaphore(%arg11 : memref<!tpu.dma_semaphore, #tpu.memory_space<semaphore_mem>>)
    %dma_start3A_174 = arith.constant 9 : i32
    %dma_start3A_175 = arith.constant 9 : i32
    %dma_start3A_176 = arith.constant 0 : i32
    %dma_start3A_177 = arith.constant 0 : i32
    %dma_start3A_178 = tpu.memref_slice %arg9[%dma_start3A_175, %dma_start3A_176, %dma_start3A_177] : memref<20x128x32xf32, #tpu.memory_space<vmem>> -> memref<1x128x32xf32, #tpu.memory_space<vmem>>
    %dma_start3A_179 = tpu.memref_squeeze %dma_start3A_178 : memref<1x128x32xf32, #tpu.memory_space<vmem>> -> memref<128x32xf32, #tpu.memory_space<vmem>>
    %dma_start3A_180 = arith.constant 0 : i32
    %dma_start3A_181 = tpu.memref_slice %arg7[%dma_start3A_174, %dma_start3A_180] : memref<86x128xi32, #tpu.memory_space<vmem>> -> memref<1x128xi32, #tpu.memory_space<vmem>>
    %dma_start3A_182 = tpu.memref_squeeze %dma_start3A_181 : memref<1x128xi32, #tpu.memory_space<vmem>> -> memref<128xi32, #tpu.memory_space<vmem>>
    %dma_start3A_183 = arith.constant 0 : i32
    %dma_start3A_184 = arith.constant 0 : i32
    %dma_start3A_185 = tpu.memref_slice %arg2[%dma_start3A_183, %dma_start3A_184] : memref<10240x32xf32, #tpu.memory_space<hbm>> -> memref<10240x32xf32, #tpu.memory_space<hbm>>
    tpu.enqueue_indirect_dma source(%dma_start3A_185 : memref<10240x32xf32, #tpu.memory_space<hbm>>) target(%dma_start3A_179 : memref<128x32xf32, #tpu.memory_space<vmem>>) offsets(%dma_start3A_182 : memref<128xi32, #tpu.memory_space<vmem>>) semaphore(%arg11 : memref<!tpu.dma_semaphore, #tpu.memory_space<semaphore_mem>>)
    %while3A = arith.constant 0 : i32
    %while3A_186 = arith.constant 0 : i32
    %while3A_187 = arith.subi %select_n3A_6, %while3A_186 : i32
    %while3A_188 = arith.addi %while3A_186, %while3A_187 : i32
    %while3A_189 = arith.constant 1 : i32
    %while3A_190 = arith.divsi %while3A_187, %while3A_189 : i32
    %while3A_191 = arith.muli %while3A_190, %while3A_189 : i32
    %while3A_192 = arith.addi %while3A_186, %while3A_191 : i32
    %while3A_193 = arith.constant 1 : i32
    scf.for %while3A_210 = %while3A_186 to %while3A_192 step %while3A_193  : i32 {
      %rem3A = arith.constant 20 : i32
      %rem3A_211 = arith.remsi %while3A_210, %rem3A : i32
      %dma_wait3A_212 = arith.constant 0 : i32
      %dma_wait3A_213 = arith.constant 0 : i32
      %dma_wait3A_214 = tpu.memref_slice %arg9[%rem3A_211, %dma_wait3A_212, %dma_wait3A_213] : memref<20x128x32xf32, #tpu.memory_space<vmem>> -> memref<1x128x32xf32, #tpu.memory_space<vmem>>
      %dma_wait3A_215 = tpu.memref_squeeze %dma_wait3A_214 : memref<1x128x32xf32, #tpu.memory_space<vmem>> -> memref<128x32xf32, #tpu.memory_space<vmem>>
      %dma_wait3A_216 = arith.constant 0 : i32
      %dma_wait3A_217 = tpu.memref_slice %arg7[%while3A_210, %dma_wait3A_216] : memref<86x128xi32, #tpu.memory_space<vmem>> -> memref<1x128xi32, #tpu.memory_space<vmem>>
      %dma_wait3A_218 = tpu.memref_squeeze %dma_wait3A_217 : memref<1x128xi32, #tpu.memory_space<vmem>> -> memref<128xi32, #tpu.memory_space<vmem>>
      %dma_wait3A_219 = arith.constant 0 : i32
      %dma_wait3A_220 = arith.constant 0 : i32
      %dma_wait3A_221 = tpu.memref_slice %arg2[%dma_wait3A_219, %dma_wait3A_220] : memref<10240x32xf32, #tpu.memory_space<hbm>> -> memref<10240x32xf32, #tpu.memory_space<hbm>>
      tpu.wait_indirect_dma semaphore(%arg11 : memref<!tpu.dma_semaphore, #tpu.memory_space<semaphore_mem>>) src(%dma_wait3A_221 : memref<10240x32xf32, #tpu.memory_space<hbm>>) dst(%dma_wait3A_215 : memref<128x32xf32, #tpu.memory_space<vmem>>)
      %dma_start3A_222 = arith.constant 0 : i32
      %dma_start3A_223 = arith.constant 0 : i32
      %dma_start3A_224 = tpu.memref_slice %arg9[%rem3A_211, %dma_start3A_222, %dma_start3A_223] : memref<20x128x32xf32, #tpu.memory_space<vmem>> -> memref<1x128x32xf32, #tpu.memory_space<vmem>>
      %dma_start3A_225 = tpu.memref_squeeze %dma_start3A_224 : memref<1x128x32xf32, #tpu.memory_space<vmem>> -> memref<128x32xf32, #tpu.memory_space<vmem>>
      %dma_start3A_226 = arith.constant 0 : i32
      %dma_start3A_227 = tpu.memref_slice %arg8[%while3A_210, %dma_start3A_226] : memref<86x128xi32, #tpu.memory_space<vmem>> -> memref<1x128xi32, #tpu.memory_space<vmem>>
      %dma_start3A_228 = tpu.memref_squeeze %dma_start3A_227 : memref<1x128xi32, #tpu.memory_space<vmem>> -> memref<128xi32, #tpu.memory_space<vmem>>
      %dma_start3A_229 = arith.constant 0 : i32
      %dma_start3A_230 = arith.constant 0 : i32
      %dma_start3A_231 = tpu.memref_slice %arg10[%dma_start3A_229, %dma_start3A_230] : memref<10240x32xf32, #tpu.memory_space<vmem_shared>> -> memref<10240x32xf32, #tpu.memory_space<vmem_shared>>
      tpu.enqueue_indirect_dma source(%dma_start3A_225 : memref<128x32xf32, #tpu.memory_space<vmem>>) target(%dma_start3A_231 : memref<10240x32xf32, #tpu.memory_space<vmem_shared>>) offsets(%dma_start3A_228 : memref<128xi32, #tpu.memory_space<vmem>>) semaphore(%arg12 : memref<!tpu.dma_semaphore, #tpu.memory_space<semaphore_mem>>) {add = true}
      %ge3A = arith.constant 10 : i32
      %ge3A_232 = arith.cmpi sge, %while3A_210, %ge3A : i32
      %convert_element_type3A_233 = arith.extui %ge3A_232 : i1 to i32
      %cond3A_234 = arith.constant 0 : i32
      %cond3A_235 = arith.cmpi ne, %convert_element_type3A_233, %cond3A_234 : i32
      scf.if %cond3A_235 {
        %sub3A_242 = arith.constant 10 : i32
        %sub3A_243 = arith.subi %while3A_210, %sub3A_242 : i32
        %rem3A_244 = arith.constant 20 : i32
        %rem3A_245 = arith.remsi %sub3A_243, %rem3A_244 : i32
        %sub3A_246 = arith.constant 10 : i32
        %sub3A_247 = arith.subi %while3A_210, %sub3A_246 : i32
        %dma_wait3A_248 = arith.constant 0 : i32
        %dma_wait3A_249 = arith.constant 0 : i32
        %dma_wait3A_250 = tpu.memref_slice %arg9[%rem3A_245, %dma_wait3A_248, %dma_wait3A_249] : memref<20x128x32xf32, #tpu.memory_space<vmem>> -> memref<1x128x32xf32, #tpu.memory_space<vmem>>
        %dma_wait3A_251 = tpu.memref_squeeze %dma_wait3A_250 : memref<1x128x32xf32, #tpu.memory_space<vmem>> -> memref<128x32xf32, #tpu.memory_space<vmem>>
        %dma_wait3A_252 = arith.constant 0 : i32
        %dma_wait3A_253 = tpu.memref_slice %arg8[%sub3A_247, %dma_wait3A_252] : memref<86x128xi32, #tpu.memory_space<vmem>> -> memref<1x128xi32, #tpu.memory_space<vmem>>
        %dma_wait3A_254 = tpu.memref_squeeze %dma_wait3A_253 : memref<1x128xi32, #tpu.memory_space<vmem>> -> memref<128xi32, #tpu.memory_space<vmem>>
        %dma_wait3A_255 = arith.constant 0 : i32
        %dma_wait3A_256 = arith.constant 0 : i32
        %dma_wait3A_257 = tpu.memref_slice %arg10[%dma_wait3A_255, %dma_wait3A_256] : memref<10240x32xf32, #tpu.memory_space<vmem_shared>> -> memref<10240x32xf32, #tpu.memory_space<vmem_shared>>
        tpu.wait_indirect_dma semaphore(%arg12 : memref<!tpu.dma_semaphore, #tpu.memory_space<semaphore_mem>>) src(%dma_wait3A_251 : memref<128x32xf32, #tpu.memory_space<vmem>>) dst(%dma_wait3A_257 : memref<10240x32xf32, #tpu.memory_space<vmem_shared>>)
      } else {
      }
      %add3A_236 = arith.constant 10 : i32
      %add3A_237 = arith.addi %while3A_210, %add3A_236 : i32
      %lt3A_238 = arith.cmpi slt, %add3A_237, %select_n3A_6 : i32
      %convert_element_type3A_239 = arith.extui %lt3A_238 : i1 to i32
      %cond3A_240 = arith.constant 0 : i32
      %cond3A_241 = arith.cmpi ne, %convert_element_type3A_239, %cond3A_240 : i32
      scf.if %cond3A_241 {
        %add3A_242 = arith.constant 10 : i32
        %add3A_243 = arith.addi %while3A_210, %add3A_242 : i32
        %rem3A_244 = arith.constant 20 : i32
        %rem3A_245 = arith.remsi %add3A_243, %rem3A_244 : i32
        %add3A_246 = arith.constant 10 : i32
        %add3A_247 = arith.addi %while3A_210, %add3A_246 : i32
        %dma_start3A_248 = arith.constant 0 : i32
        %dma_start3A_249 = arith.constant 0 : i32
        %dma_start3A_250 = tpu.memref_slice %arg9[%rem3A_245, %dma_start3A_248, %dma_start3A_249] : memref<20x128x32xf32, #tpu.memory_space<vmem>> -> memref<1x128x32xf32, #tpu.memory_space<vmem>>
        %dma_start3A_251 = tpu.memref_squeeze %dma_start3A_250 : memref<1x128x32xf32, #tpu.memory_space<vmem>> -> memref<128x32xf32, #tpu.memory_space<vmem>>
        %dma_start3A_252 = arith.constant 0 : i32
        %dma_start3A_253 = tpu.memref_slice %arg7[%add3A_247, %dma_start3A_252] : memref<86x128xi32, #tpu.memory_space<vmem>> -> memref<1x128xi32, #tpu.memory_space<vmem>>
        %dma_start3A_254 = tpu.memref_squeeze %dma_start3A_253 : memref<1x128xi32, #tpu.memory_space<vmem>> -> memref<128xi32, #tpu.memory_space<vmem>>
        %dma_start3A_255 = arith.constant 0 : i32
        %dma_start3A_256 = arith.constant 0 : i32
        %dma_start3A_257 = tpu.memref_slice %arg2[%dma_start3A_255, %dma_start3A_256] : memref<10240x32xf32, #tpu.memory_space<hbm>> -> memref<10240x32xf32, #tpu.memory_space<hbm>>
        tpu.enqueue_indirect_dma source(%dma_start3A_257 : memref<10240x32xf32, #tpu.memory_space<hbm>>) target(%dma_start3A_251 : memref<128x32xf32, #tpu.memory_space<vmem>>) offsets(%dma_start3A_254 : memref<128xi32, #tpu.memory_space<vmem>>) semaphore(%arg11 : memref<!tpu.dma_semaphore, #tpu.memory_space<semaphore_mem>>)
      } else {
      }
    }
    %while3A_194 = arith.constant 1 : i32
    scf.for %while3A_210 = %while3A_192 to %while3A_188 step %while3A_194  : i32 {
      %rem3A = arith.constant 20 : i32
      %rem3A_211 = arith.remsi %while3A_210, %rem3A : i32
      %dma_wait3A_212 = arith.constant 0 : i32
      %dma_wait3A_213 = arith.constant 0 : i32
      %dma_wait3A_214 = tpu.memref_slice %arg9[%rem3A_211, %dma_wait3A_212, %dma_wait3A_213] : memref<20x128x32xf32, #tpu.memory_space<vmem>> -> memref<1x128x32xf32, #tpu.memory_space<vmem>>
      %dma_wait3A_215 = tpu.memref_squeeze %dma_wait3A_214 : memref<1x128x32xf32, #tpu.memory_space<vmem>> -> memref<128x32xf32, #tpu.memory_space<vmem>>
      %dma_wait3A_216 = arith.constant 0 : i32
      %dma_wait3A_217 = tpu.memref_slice %arg7[%while3A_210, %dma_wait3A_216] : memref<86x128xi32, #tpu.memory_space<vmem>> -> memref<1x128xi32, #tpu.memory_space<vmem>>
      %dma_wait3A_218 = tpu.memref_squeeze %dma_wait3A_217 : memref<1x128xi32, #tpu.memory_space<vmem>> -> memref<128xi32, #tpu.memory_space<vmem>>
      %dma_wait3A_219 = arith.constant 0 : i32
      %dma_wait3A_220 = arith.constant 0 : i32
      %dma_wait3A_221 = tpu.memref_slice %arg2[%dma_wait3A_219, %dma_wait3A_220] : memref<10240x32xf32, #tpu.memory_space<hbm>> -> memref<10240x32xf32, #tpu.memory_space<hbm>>
      tpu.wait_indirect_dma semaphore(%arg11 : memref<!tpu.dma_semaphore, #tpu.memory_space<semaphore_mem>>) src(%dma_wait3A_221 : memref<10240x32xf32, #tpu.memory_space<hbm>>) dst(%dma_wait3A_215 : memref<128x32xf32, #tpu.memory_space<vmem>>)
      %dma_start3A_222 = arith.constant 0 : i32
      %dma_start3A_223 = arith.constant 0 : i32
      %dma_start3A_224 = tpu.memref_slice %arg9[%rem3A_211, %dma_start3A_222, %dma_start3A_223] : memref<20x128x32xf32, #tpu.memory_space<vmem>> -> memref<1x128x32xf32, #tpu.memory_space<vmem>>
      %dma_start3A_225 = tpu.memref_squeeze %dma_start3A_224 : memref<1x128x32xf32, #tpu.memory_space<vmem>> -> memref<128x32xf32, #tpu.memory_space<vmem>>
      %dma_start3A_226 = arith.constant 0 : i32
      %dma_start3A_227 = tpu.memref_slice %arg8[%while3A_210, %dma_start3A_226] : memref<86x128xi32, #tpu.memory_space<vmem>> -> memref<1x128xi32, #tpu.memory_space<vmem>>
      %dma_start3A_228 = tpu.memref_squeeze %dma_start3A_227 : memref<1x128xi32, #tpu.memory_space<vmem>> -> memref<128xi32, #tpu.memory_space<vmem>>
      %dma_start3A_229 = arith.constant 0 : i32
      %dma_start3A_230 = arith.constant 0 : i32
      %dma_start3A_231 = tpu.memref_slice %arg10[%dma_start3A_229, %dma_start3A_230] : memref<10240x32xf32, #tpu.memory_space<vmem_shared>> -> memref<10240x32xf32, #tpu.memory_space<vmem_shared>>
      tpu.enqueue_indirect_dma source(%dma_start3A_225 : memref<128x32xf32, #tpu.memory_space<vmem>>) target(%dma_start3A_231 : memref<10240x32xf32, #tpu.memory_space<vmem_shared>>) offsets(%dma_start3A_228 : memref<128xi32, #tpu.memory_space<vmem>>) semaphore(%arg12 : memref<!tpu.dma_semaphore, #tpu.memory_space<semaphore_mem>>) {add = true}
      %ge3A = arith.constant 10 : i32
      %ge3A_232 = arith.cmpi sge, %while3A_210, %ge3A : i32
      %convert_element_type3A_233 = arith.extui %ge3A_232 : i1 to i32
      %cond3A_234 = arith.constant 0 : i32
      %cond3A_235 = arith.cmpi ne, %convert_element_type3A_233, %cond3A_234 : i32
      scf.if %cond3A_235 {
        %sub3A_242 = arith.constant 10 : i32
        %sub3A_243 = arith.subi %while3A_210, %sub3A_242 : i32
        %rem3A_244 = arith.constant 20 : i32
        %rem3A_245 = arith.remsi %sub3A_243, %rem3A_244 : i32
        %sub3A_246 = arith.constant 10 : i32
        %sub3A_247 = arith.subi %while3A_210, %sub3A_246 : i32
        %dma_wait3A_248 = arith.constant 0 : i32
        %dma_wait3A_249 = arith.constant 0 : i32
        %dma_wait3A_250 = tpu.memref_slice %arg9[%rem3A_245, %dma_wait3A_248, %dma_wait3A_249] : memref<20x128x32xf32, #tpu.memory_space<vmem>> -> memref<1x128x32xf32, #tpu.memory_space<vmem>>
        %dma_wait3A_251 = tpu.memref_squeeze %dma_wait3A_250 : memref<1x128x32xf32, #tpu.memory_space<vmem>> -> memref<128x32xf32, #tpu.memory_space<vmem>>
        %dma_wait3A_252 = arith.constant 0 : i32
        %dma_wait3A_253 = tpu.memref_slice %arg8[%sub3A_247, %dma_wait3A_252] : memref<86x128xi32, #tpu.memory_space<vmem>> -> memref<1x128xi32, #tpu.memory_space<vmem>>
        %dma_wait3A_254 = tpu.memref_squeeze %dma_wait3A_253 : memref<1x128xi32, #tpu.memory_space<vmem>> -> memref<128xi32, #tpu.memory_space<vmem>>
        %dma_wait3A_255 = arith.constant 0 : i32
        %dma_wait3A_256 = arith.constant 0 : i32
        %dma_wait3A_257 = tpu.memref_slice %arg10[%dma_wait3A_255, %dma_wait3A_256] : memref<10240x32xf32, #tpu.memory_space<vmem_shared>> -> memref<10240x32xf32, #tpu.memory_space<vmem_shared>>
        tpu.wait_indirect_dma semaphore(%arg12 : memref<!tpu.dma_semaphore, #tpu.memory_space<semaphore_mem>>) src(%dma_wait3A_251 : memref<128x32xf32, #tpu.memory_space<vmem>>) dst(%dma_wait3A_257 : memref<10240x32xf32, #tpu.memory_space<vmem_shared>>)
      } else {
      }
      %add3A_236 = arith.constant 10 : i32
      %add3A_237 = arith.addi %while3A_210, %add3A_236 : i32
      %lt3A_238 = arith.cmpi slt, %add3A_237, %select_n3A_6 : i32
      %convert_element_type3A_239 = arith.extui %lt3A_238 : i1 to i32
      %cond3A_240 = arith.constant 0 : i32
      %cond3A_241 = arith.cmpi ne, %convert_element_type3A_239, %cond3A_240 : i32
      scf.if %cond3A_241 {
        %add3A_242 = arith.constant 10 : i32
        %add3A_243 = arith.addi %while3A_210, %add3A_242 : i32
        %rem3A_244 = arith.constant 20 : i32
        %rem3A_245 = arith.remsi %add3A_243, %rem3A_244 : i32
        %add3A_246 = arith.constant 10 : i32
        %add3A_247 = arith.addi %while3A_210, %add3A_246 : i32
        %dma_start3A_248 = arith.constant 0 : i32
        %dma_start3A_249 = arith.constant 0 : i32
        %dma_start3A_250 = tpu.memref_slice %arg9[%rem3A_245, %dma_start3A_248, %dma_start3A_249] : memref<20x128x32xf32, #tpu.memory_space<vmem>> -> memref<1x128x32xf32, #tpu.memory_space<vmem>>
        %dma_start3A_251 = tpu.memref_squeeze %dma_start3A_250 : memref<1x128x32xf32, #tpu.memory_space<vmem>> -> memref<128x32xf32, #tpu.memory_space<vmem>>
        %dma_start3A_252 = arith.constant 0 : i32
        %dma_start3A_253 = tpu.memref_slice %arg7[%add3A_247, %dma_start3A_252] : memref<86x128xi32, #tpu.memory_space<vmem>> -> memref<1x128xi32, #tpu.memory_space<vmem>>
        %dma_start3A_254 = tpu.memref_squeeze %dma_start3A_253 : memref<1x128xi32, #tpu.memory_space<vmem>> -> memref<128xi32, #tpu.memory_space<vmem>>
        %dma_start3A_255 = arith.constant 0 : i32
        %dma_start3A_256 = arith.constant 0 : i32
        %dma_start3A_257 = tpu.memref_slice %arg2[%dma_start3A_255, %dma_start3A_256] : memref<10240x32xf32, #tpu.memory_space<hbm>> -> memref<10240x32xf32, #tpu.memory_space<hbm>>
        tpu.enqueue_indirect_dma source(%dma_start3A_257 : memref<10240x32xf32, #tpu.memory_space<hbm>>) target(%dma_start3A_251 : memref<128x32xf32, #tpu.memory_space<vmem>>) offsets(%dma_start3A_254 : memref<128xi32, #tpu.memory_space<vmem>>) semaphore(%arg11 : memref<!tpu.dma_semaphore, #tpu.memory_space<semaphore_mem>>)
      } else {
      }
    }
    %sub3A = arith.constant 10 : i32
    %sub3A_195 = arith.subi %select_n3A_6, %sub3A : i32
    %while3A_196 = arith.constant 0 : i32
    %while3A_197 = arith.subi %select_n3A_6, %sub3A_195 : i32
    %while3A_198 = arith.addi %sub3A_195, %while3A_197 : i32
    %while3A_199 = arith.constant 1 : i32
    %while3A_200 = arith.divsi %while3A_197, %while3A_199 : i32
    %while3A_201 = arith.muli %while3A_200, %while3A_199 : i32
    %while3A_202 = arith.addi %sub3A_195, %while3A_201 : i32
    %while3A_203 = arith.constant 1 : i32
    scf.for %while3A_210 = %sub3A_195 to %while3A_202 step %while3A_203  : i32 {
      %rem3A = arith.constant 20 : i32
      %rem3A_211 = arith.remsi %while3A_210, %rem3A : i32
      %dma_wait3A_212 = arith.constant 0 : i32
      %dma_wait3A_213 = arith.constant 0 : i32
      %dma_wait3A_214 = tpu.memref_slice %arg9[%rem3A_211, %dma_wait3A_212, %dma_wait3A_213] : memref<20x128x32xf32, #tpu.memory_space<vmem>> -> memref<1x128x32xf32, #tpu.memory_space<vmem>>
      %dma_wait3A_215 = tpu.memref_squeeze %dma_wait3A_214 : memref<1x128x32xf32, #tpu.memory_space<vmem>> -> memref<128x32xf32, #tpu.memory_space<vmem>>
      %dma_wait3A_216 = arith.constant 0 : i32
      %dma_wait3A_217 = tpu.memref_slice %arg8[%while3A_210, %dma_wait3A_216] : memref<86x128xi32, #tpu.memory_space<vmem>> -> memref<1x128xi32, #tpu.memory_space<vmem>>
      %dma_wait3A_218 = tpu.memref_squeeze %dma_wait3A_217 : memref<1x128xi32, #tpu.memory_space<vmem>> -> memref<128xi32, #tpu.memory_space<vmem>>
      %dma_wait3A_219 = arith.constant 0 : i32
      %dma_wait3A_220 = arith.constant 0 : i32
      %dma_wait3A_221 = tpu.memref_slice %arg10[%dma_wait3A_219, %dma_wait3A_220] : memref<10240x32xf32, #tpu.memory_space<vmem_shared>> -> memref<10240x32xf32, #tpu.memory_space<vmem_shared>>
      tpu.wait_indirect_dma semaphore(%arg12 : memref<!tpu.dma_semaphore, #tpu.memory_space<semaphore_mem>>) src(%dma_wait3A_215 : memref<128x32xf32, #tpu.memory_space<vmem>>) dst(%dma_wait3A_221 : memref<10240x32xf32, #tpu.memory_space<vmem_shared>>)
    }
    %while3A_204 = arith.constant 1 : i32
    scf.for %while3A_210 = %while3A_202 to %while3A_198 step %while3A_204  : i32 {
      %rem3A = arith.constant 20 : i32
      %rem3A_211 = arith.remsi %while3A_210, %rem3A : i32
      %dma_wait3A_212 = arith.constant 0 : i32
      %dma_wait3A_213 = arith.constant 0 : i32
      %dma_wait3A_214 = tpu.memref_slice %arg9[%rem3A_211, %dma_wait3A_212, %dma_wait3A_213] : memref<20x128x32xf32, #tpu.memory_space<vmem>> -> memref<1x128x32xf32, #tpu.memory_space<vmem>>
      %dma_wait3A_215 = tpu.memref_squeeze %dma_wait3A_214 : memref<1x128x32xf32, #tpu.memory_space<vmem>> -> memref<128x32xf32, #tpu.memory_space<vmem>>
      %dma_wait3A_216 = arith.constant 0 : i32
      %dma_wait3A_217 = tpu.memref_slice %arg8[%while3A_210, %dma_wait3A_216] : memref<86x128xi32, #tpu.memory_space<vmem>> -> memref<1x128xi32, #tpu.memory_space<vmem>>
      %dma_wait3A_218 = tpu.memref_squeeze %dma_wait3A_217 : memref<1x128xi32, #tpu.memory_space<vmem>> -> memref<128xi32, #tpu.memory_space<vmem>>
      %dma_wait3A_219 = arith.constant 0 : i32
      %dma_wait3A_220 = arith.constant 0 : i32
      %dma_wait3A_221 = tpu.memref_slice %arg10[%dma_wait3A_219, %dma_wait3A_220] : memref<10240x32xf32, #tpu.memory_space<vmem_shared>> -> memref<10240x32xf32, #tpu.memory_space<vmem_shared>>
      tpu.wait_indirect_dma semaphore(%arg12 : memref<!tpu.dma_semaphore, #tpu.memory_space<semaphore_mem>>) src(%dma_wait3A_215 : memref<128x32xf32, #tpu.memory_space<vmem>>) dst(%dma_wait3A_221 : memref<10240x32xf32, #tpu.memory_space<vmem_shared>>)
    }
    %barrier3A_205 = arith.constant 0 : index
    tpu.barrier barrier_id(%barrier3A_205)
    %mul3A_206 = arith.constant 640 : i32
    %mul3A_207 = arith.muli %arg1, %mul3A_206 : i32
    %mul3A_208 = arith.constant 640 : i32
    %mul3A_209 = arith.muli %arg1, %mul3A_208 : i32
    "tpu.region"() ({
      %run_scoped3A = tpu.sem_alloc : memref<!tpu.dma_semaphore, #tpu.memory_space<semaphore_mem>>
      %dma_start3A_210 = arith.constant 0 : i32
      %dma_start3A_211 = tpu.memref_slice %arg6[%arg0, %mul3A_209, %dma_start3A_210] : memref<2x10240x32xf32, #tpu.memory_space<hbm>> -> memref<1x640x32xf32, #tpu.memory_space<hbm>>
      %dma_start3A_212 = tpu.memref_squeeze %dma_start3A_211 : memref<1x640x32xf32, #tpu.memory_space<hbm>> -> memref<640x32xf32, #tpu.memory_space<hbm>>
      %dma_start3A_213 = arith.constant 0 : i32
      %dma_start3A_214 = tpu.memref_slice %arg10[%mul3A_207, %dma_start3A_213] : memref<10240x32xf32, #tpu.memory_space<vmem_shared>> -> memref<640x32xf32, #tpu.memory_space<vmem_shared>>
      tpu.enqueue_dma source(%dma_start3A_214 : memref<640x32xf32, #tpu.memory_space<vmem_shared>>) target(%dma_start3A_212 : memref<640x32xf32, #tpu.memory_space<hbm>>) target_semaphore(%run_scoped3A : memref<!tpu.dma_semaphore, #tpu.memory_space<semaphore_mem>>)
      %dma_wait3A_215 = arith.constant 0 : i32
      %dma_wait3A_216 = tpu.memref_slice %arg6[%arg0, %mul3A_209, %dma_wait3A_215] : memref<2x10240x32xf32, #tpu.memory_space<hbm>> -> memref<1x640x32xf32, #tpu.memory_space<hbm>>
      %dma_wait3A_217 = tpu.memref_squeeze %dma_wait3A_216 : memref<1x640x32xf32, #tpu.memory_space<hbm>> -> memref<640x32xf32, #tpu.memory_space<hbm>>
      %dma_wait3A_218 = arith.constant 0 : i32
      %dma_wait3A_219 = tpu.memref_slice %arg10[%mul3A_207, %dma_wait3A_218] : memref<10240x32xf32, #tpu.memory_space<vmem_shared>> -> memref<640x32xf32, #tpu.memory_space<vmem_shared>>
      tpu.wait_dma2 semaphore(%run_scoped3A : memref<!tpu.dma_semaphore, #tpu.memory_space<semaphore_mem>>) src(%dma_wait3A_219 : memref<640x32xf32, #tpu.memory_space<vmem_shared>>) dst(%dma_wait3A_217 : memref<640x32xf32, #tpu.memory_space<hbm>>)
      tpu.yield
    }) : () -> ()
    return
  }
}

module attributes {stable_mosaic.version = 14 : i64} {
  func.func @_mm2_body(%arg0: i32, %arg1: memref<1000x128xf32, #tpu.memory_space<vmem>>, %arg2: memref<128x32xf32, #tpu.memory_space<vmem>>, %arg3: memref<128x32xf32, #tpu.memory_space<vmem>>, %arg4: memref<1000x32xf32, #tpu.memory_space<vmem>>, %arg5: memref<1000x32xf32, #tpu.memory_space<vmem>>) attributes {dimension_semantics = [#tpu.dimension_semantics<arbitrary>], iteration_bounds = array<i64: 10>, scalar_prefetch = 0 : i64, scratch_operands = 0 : i64, tpu.core_type = #tpu.core_type<tc>, window_params = [{transform_indices = @transform_0, window_bounds = array<i64: 1000, 128>}, {pipeline_mode = #tpu.pipeline_mode<synchronous>, transform_indices = @transform_1, window_bounds = array<i64: 128, 32>}, {pipeline_mode = #tpu.pipeline_mode<synchronous>, transform_indices = @transform_2, window_bounds = array<i64: 128, 32>}, {transform_indices = @transform_3, window_bounds = array<i64: 1000, 32>}, {transform_indices = @transform_4, window_bounds = array<i64: 1000, 32>}]} {
    %get3A = arith.constant 0 : index
    %get3A_0 = arith.constant 0 : index
    %get3A_1 = vector.load %arg1[%get3A, %get3A_0] : memref<1000x128xf32, #tpu.memory_space<vmem>>, vector<1000x128xf32>
    %get3A_2 = arith.constant 0 : index
    %get3A_3 = arith.constant 0 : index
    %get3A_4 = vector.load %arg2[%get3A_2, %get3A_3] : memref<128x32xf32, #tpu.memory_space<vmem>>, vector<128x32xf32>
    %dot_general3A = arith.constant dense<0.000000e+00> : vector<1000x32xf32>
    %dot_general3A_5 = tpu.matmul %get3A_1, %get3A_4, %dot_general3A {dimension_numbers = #tpu.dot_dimension_numbers<[1], [0], [0], [1], [0, 0, 1, 1], [], []>, transpose_lhs_hint = false} : vector<1000x128xf32>, vector<128x32xf32>, vector<1000x32xf32> -> vector<1000x32xf32>
    %swap3A = arith.constant 0 : index
    %swap3A_6 = arith.constant 0 : index
    %swap3A_7 = vector.load %arg4[%swap3A, %swap3A_6] : memref<1000x32xf32, #tpu.memory_space<vmem>>, vector<1000x32xf32>
    tpu.vector_store %arg4[%swap3A, %swap3A_6], %dot_general3A_5 {strides = array<i32>} : memref<1000x32xf32, #tpu.memory_space<vmem>>, vector<1000x32xf32>,
    %get3A_8 = arith.constant 0 : index
    %get3A_9 = arith.constant 0 : index
    %get3A_10 = vector.load %arg3[%get3A_8, %get3A_9] : memref<128x32xf32, #tpu.memory_space<vmem>>, vector<128x32xf32>
    %dot_general3A_11 = arith.constant dense<0.000000e+00> : vector<1000x32xf32>
    %dot_general3A_12 = tpu.matmul %get3A_1, %get3A_10, %dot_general3A_11 {dimension_numbers = #tpu.dot_dimension_numbers<[1], [0], [0], [1], [0, 0, 1, 1], [], []>, transpose_lhs_hint = false} : vector<1000x128xf32>, vector<128x32xf32>, vector<1000x32xf32> -> vector<1000x32xf32>
    %swap3A_13 = arith.constant 0 : index
    %swap3A_14 = arith.constant 0 : index
    %swap3A_15 = vector.load %arg5[%swap3A_13, %swap3A_14] : memref<1000x32xf32, #tpu.memory_space<vmem>>, vector<1000x32xf32>
    tpu.vector_store %arg5[%swap3A_13, %swap3A_14], %dot_general3A_12 {strides = array<i32>} : memref<1000x32xf32, #tpu.memory_space<vmem>>, vector<1000x32xf32>,
    return
  }
  func.func @transform_0(%arg0: i32) -> (i32, i32) {
    %c0_i32 = arith.constant 0 : i32
    %c0_i32_0 = arith.constant 0 : i32
    return %arg0, %c0_i32 : i32, i32
  }
  func.func @transform_1(%arg0: i32) -> (i32, i32) {
    %c0_i32 = arith.constant 0 : i32
    %c0_i32_0 = arith.constant 0 : i32
    %c0_i32_1 = arith.constant 0 : i32
    return %c0_i32, %c0_i32_0 : i32, i32
  }
  func.func @transform_2(%arg0: i32) -> (i32, i32) {
    %c0_i32 = arith.constant 0 : i32
    %c0_i32_0 = arith.constant 0 : i32
    %c0_i32_1 = arith.constant 0 : i32
    return %c0_i32, %c0_i32_0 : i32, i32
  }
  func.func @transform_3(%arg0: i32) -> (i32, i32) {
    %c0_i32 = arith.constant 0 : i32
    %c0_i32_0 = arith.constant 0 : i32
    return %arg0, %c0_i32 : i32, i32
  }
  func.func @transform_4(%arg0: i32) -> (i32, i32) {
    %c0_i32 = arith.constant 0 : i32
    %c0_i32_0 = arith.constant 0 : i32
    return %arg0, %c0_i32 : i32, i32
  }
}

module attributes {stable_mosaic.version = 14 : i64} {
  func.func @_layer_body(%arg0: i32, %arg1: memref<2x2560x32xf32, #tpu.memory_space<vmem>>, %arg2: memref<2560x32xf32, #tpu.memory_space<vmem>>, %arg3: memref<1x32xf32, #tpu.memory_space<vmem>>, %arg4: memref<32x32xf32, #tpu.memory_space<vmem>>, %arg5: memref<32x32xf32, #tpu.memory_space<vmem>>, %arg6: memref<2560x32xf32, #tpu.memory_space<vmem>>, %arg7: memref<2560x32xf32, #tpu.memory_space<vmem>>, %arg8: memref<2560x32xf32, #tpu.memory_space<vmem>>) attributes {dimension_semantics = [#tpu.dimension_semantics<arbitrary>], iteration_bounds = array<i64: 4>, scalar_prefetch = 0 : i64, scratch_operands = 0 : i64, tpu.core_type = #tpu.core_type<tc>, window_params = [{transform_indices = @transform_0, window_bounds = array<i64: 2, 2560, 32>}, {transform_indices = @transform_1, window_bounds = array<i64: 2560, 32>}, {pipeline_mode = #tpu.pipeline_mode<synchronous>, transform_indices = @transform_2, window_bounds = array<i64: 1, 32>}, {pipeline_mode = #tpu.pipeline_mode<synchronous>, transform_indices = @transform_3, window_bounds = array<i64: 32, 32>}, {pipeline_mode = #tpu.pipeline_mode<synchronous>, transform_indices = @transform_4, window_bounds = array<i64: 32, 32>}, {transform_indices = @transform_5, window_bounds = array<i64: 2560, 32>}, {transform_indices = @transform_6, window_bounds = array<i64: 2560, 32>}, {transform_indices = @transform_7, window_bounds = array<i64: 2560, 32>}]} {
    %get3A = arith.constant 0 : index
    %get3A_0 = arith.constant 0 : index
    %get3A_1 = arith.constant 0 : index
    %get3A_2 = vector.load %arg1[%get3A, %get3A_0, %get3A_1] : memref<2x2560x32xf32, #tpu.memory_space<vmem>>, vector<1x2560x32xf32>
    %get3A_3 = vector.shape_cast %get3A_2 : vector<1x2560x32xf32> to vector<2560x32xf32>
    %get3A_4 = arith.constant 1 : index
    %get3A_5 = arith.constant 0 : index
    %get3A_6 = arith.constant 0 : index
    %get3A_7 = vector.load %arg1[%get3A_4, %get3A_5, %get3A_6] : memref<2x2560x32xf32, #tpu.memory_space<vmem>>, vector<1x2560x32xf32>
    %get3A_8 = vector.shape_cast %get3A_7 : vector<1x2560x32xf32> to vector<2560x32xf32>
    %add3A = arith.addf %get3A_3, %get3A_8 : vector<2560x32xf32>
    %get3A_9 = arith.constant 0 : index
    %get3A_10 = arith.constant 0 : index
    %get3A_11 = vector.load %arg2[%get3A_9, %get3A_10] : memref<2560x32xf32, #tpu.memory_space<vmem>>, vector<2560x32xf32>
    %add3A_12 = arith.addf %add3A, %get3A_11 : vector<2560x32xf32>
    %get3A_13 = arith.constant 0 : index
    %get3A_14 = arith.constant 0 : index
    %get3A_15 = vector.load %arg3[%get3A_13, %get3A_14] : memref<1x32xf32, #tpu.memory_space<vmem>>, vector<1x32xf32>
    %add3A_16 = vector.broadcast %get3A_15 : vector<1x32xf32> to vector<2560x32xf32>
    %add3A_17 = arith.addf %add3A_12, %add3A_16 : vector<2560x32xf32>
    %max3A = arith.constant 0.000000e+00 : f32
    %max3A_18 = vector.broadcast %max3A : f32 to vector<2560x32xf32>
    %max3A_19 = arith.maximumf %add3A_17, %max3A_18 : vector<2560x32xf32>
    %swap3A = arith.constant 0 : index
    %swap3A_20 = arith.constant 0 : index
    %swap3A_21 = vector.load %arg6[%swap3A, %swap3A_20] : memref<2560x32xf32, #tpu.memory_space<vmem>>, vector<2560x32xf32>
    tpu.vector_store %arg6[%swap3A, %swap3A_20], %max3A_19 {strides = array<i32>} : memref<2560x32xf32, #tpu.memory_space<vmem>>, vector<2560x32xf32>,
    %get3A_22 = arith.constant 0 : index
    %get3A_23 = arith.constant 0 : index
    %get3A_24 = vector.load %arg4[%get3A_22, %get3A_23] : memref<32x32xf32, #tpu.memory_space<vmem>>, vector<32x32xf32>
    %dot_general3A = arith.constant dense<0.000000e+00> : vector<2560x32xf32>
    %dot_general3A_25 = tpu.matmul %max3A_19, %get3A_24, %dot_general3A {dimension_numbers = #tpu.dot_dimension_numbers<[1], [0], [0], [1], [0, 0, 1, 1], [], []>, transpose_lhs_hint = false} : vector<2560x32xf32>, vector<32x32xf32>, vector<2560x32xf32> -> vector<2560x32xf32>
    %swap3A_26 = arith.constant 0 : index
    %swap3A_27 = arith.constant 0 : index
    %swap3A_28 = vector.load %arg7[%swap3A_26, %swap3A_27] : memref<2560x32xf32, #tpu.memory_space<vmem>>, vector<2560x32xf32>
    tpu.vector_store %arg7[%swap3A_26, %swap3A_27], %dot_general3A_25 {strides = array<i32>} : memref<2560x32xf32, #tpu.memory_space<vmem>>, vector<2560x32xf32>,
    %get3A_29 = arith.constant 0 : index
    %get3A_30 = arith.constant 0 : index
    %get3A_31 = vector.load %arg5[%get3A_29, %get3A_30] : memref<32x32xf32, #tpu.memory_space<vmem>>, vector<32x32xf32>
    %dot_general3A_32 = arith.constant dense<0.000000e+00> : vector<2560x32xf32>
    %dot_general3A_33 = tpu.matmul %max3A_19, %get3A_31, %dot_general3A_32 {dimension_numbers = #tpu.dot_dimension_numbers<[1], [0], [0], [1], [0, 0, 1, 1], [], []>, transpose_lhs_hint = false} : vector<2560x32xf32>, vector<32x32xf32>, vector<2560x32xf32> -> vector<2560x32xf32>
    %swap3A_34 = arith.constant 0 : index
    %swap3A_35 = arith.constant 0 : index
    %swap3A_36 = vector.load %arg8[%swap3A_34, %swap3A_35] : memref<2560x32xf32, #tpu.memory_space<vmem>>, vector<2560x32xf32>
    tpu.vector_store %arg8[%swap3A_34, %swap3A_35], %dot_general3A_33 {strides = array<i32>} : memref<2560x32xf32, #tpu.memory_space<vmem>>, vector<2560x32xf32>,
    return
  }
  func.func @transform_0(%arg0: i32) -> (i32, i32, i32) {
    %c0_i32 = arith.constant 0 : i32
    %c0_i32_0 = arith.constant 0 : i32
    %c0_i32_1 = arith.constant 0 : i32
    return %c0_i32, %arg0, %c0_i32_0 : i32, i32, i32
  }
  func.func @transform_1(%arg0: i32) -> (i32, i32) {
    %c0_i32 = arith.constant 0 : i32
    %c0_i32_0 = arith.constant 0 : i32
    return %arg0, %c0_i32 : i32, i32
  }
  func.func @transform_2(%arg0: i32) -> (i32, i32) {
    %c0_i32 = arith.constant 0 : i32
    %c0_i32_0 = arith.constant 0 : i32
    %c0_i32_1 = arith.constant 0 : i32
    return %c0_i32, %c0_i32_0 : i32, i32
  }
  func.func @transform_3(%arg0: i32) -> (i32, i32) {
    %c0_i32 = arith.constant 0 : i32
    %c0_i32_0 = arith.constant 0 : i32
    %c0_i32_1 = arith.constant 0 : i32
    return %c0_i32, %c0_i32_0 : i32, i32
  }
  func.func @transform_4(%arg0: i32) -> (i32, i32) {
    %c0_i32 = arith.constant 0 : i32
    %c0_i32_0 = arith.constant 0 : i32
    %c0_i32_1 = arith.constant 0 : i32
    return %c0_i32, %c0_i32_0 : i32, i32
  }
  func.func @transform_5(%arg0: i32) -> (i32, i32) {
    %c0_i32 = arith.constant 0 : i32
    %c0_i32_0 = arith.constant 0 : i32
    return %arg0, %c0_i32 : i32, i32
  }
  func.func @transform_6(%arg0: i32) -> (i32, i32) {
    %c0_i32 = arith.constant 0 : i32
    %c0_i32_0 = arith.constant 0 : i32
    return %arg0, %c0_i32 : i32, i32
  }
  func.func @transform_7(%arg0: i32) -> (i32, i32) {
    %c0_i32 = arith.constant 0 : i32
    %c0_i32_0 = arith.constant 0 : i32
    return %arg0, %c0_i32 : i32, i32
  }
}

module attributes {stable_mosaic.version = 14 : i64} {
  func.func @_final_body(%arg0: i32, %arg1: memref<2x2560x32xf32, #tpu.memory_space<vmem>>, %arg2: memref<2560x32xf32, #tpu.memory_space<vmem>>, %arg3: memref<1x32xf32, #tpu.memory_space<vmem>>, %arg4: memref<2560x32xf32, #tpu.memory_space<vmem>>, %arg5: memref<2560x32xf32, #tpu.memory_space<vmem>>, %arg6: memref<32x16xf32, #tpu.memory_space<vmem>>, %arg7: memref<32x16xf32, #tpu.memory_space<vmem>>, %arg8: memref<32x16xf32, #tpu.memory_space<vmem>>, %arg9: memref<1x16xf32, #tpu.memory_space<vmem>>, %arg10: memref<2560x16xf32, #tpu.memory_space<vmem>>) attributes {dimension_semantics = [#tpu.dimension_semantics<arbitrary>], iteration_bounds = array<i64: 4>, scalar_prefetch = 0 : i64, scratch_operands = 0 : i64, tpu.core_type = #tpu.core_type<tc>, window_params = [{transform_indices = @transform_0, window_bounds = array<i64: 2, 2560, 32>}, {transform_indices = @transform_1, window_bounds = array<i64: 2560, 32>}, {pipeline_mode = #tpu.pipeline_mode<synchronous>, transform_indices = @transform_2, window_bounds = array<i64: 1, 32>}, {transform_indices = @transform_3, window_bounds = array<i64: 2560, 32>}, {transform_indices = @transform_4, window_bounds = array<i64: 2560, 32>}, {pipeline_mode = #tpu.pipeline_mode<synchronous>, transform_indices = @transform_5, window_bounds = array<i64: 32, 16>}, {pipeline_mode = #tpu.pipeline_mode<synchronous>, transform_indices = @transform_6, window_bounds = array<i64: 32, 16>}, {pipeline_mode = #tpu.pipeline_mode<synchronous>, transform_indices = @transform_7, window_bounds = array<i64: 32, 16>}, {pipeline_mode = #tpu.pipeline_mode<synchronous>, transform_indices = @transform_8, window_bounds = array<i64: 1, 16>}, {transform_indices = @transform_9, window_bounds = array<i64: 2560, 16>}]} {
    %get3A = arith.constant 0 : index
    %get3A_0 = arith.constant 0 : index
    %get3A_1 = arith.constant 0 : index
    %get3A_2 = vector.load %arg1[%get3A, %get3A_0, %get3A_1] : memref<2x2560x32xf32, #tpu.memory_space<vmem>>, vector<1x2560x32xf32>
    %get3A_3 = vector.shape_cast %get3A_2 : vector<1x2560x32xf32> to vector<2560x32xf32>
    %get3A_4 = arith.constant 1 : index
    %get3A_5 = arith.constant 0 : index
    %get3A_6 = arith.constant 0 : index
    %get3A_7 = vector.load %arg1[%get3A_4, %get3A_5, %get3A_6] : memref<2x2560x32xf32, #tpu.memory_space<vmem>>, vector<1x2560x32xf32>
    %get3A_8 = vector.shape_cast %get3A_7 : vector<1x2560x32xf32> to vector<2560x32xf32>
    %add3A = arith.addf %get3A_3, %get3A_8 : vector<2560x32xf32>
    %get3A_9 = arith.constant 0 : index
    %get3A_10 = arith.constant 0 : index
    %get3A_11 = vector.load %arg2[%get3A_9, %get3A_10] : memref<2560x32xf32, #tpu.memory_space<vmem>>, vector<2560x32xf32>
    %add3A_12 = arith.addf %add3A, %get3A_11 : vector<2560x32xf32>
    %get3A_13 = arith.constant 0 : index
    %get3A_14 = arith.constant 0 : index
    %get3A_15 = vector.load %arg3[%get3A_13, %get3A_14] : memref<1x32xf32, #tpu.memory_space<vmem>>, vector<1x32xf32>
    %add3A_16 = vector.broadcast %get3A_15 : vector<1x32xf32> to vector<2560x32xf32>
    %add3A_17 = arith.addf %add3A_12, %add3A_16 : vector<2560x32xf32>
    %max3A = arith.constant 0.000000e+00 : f32
    %max3A_18 = vector.broadcast %max3A : f32 to vector<2560x32xf32>
    %max3A_19 = arith.maximumf %add3A_17, %max3A_18 : vector<2560x32xf32>
    %get3A_20 = arith.constant 0 : index
    %get3A_21 = arith.constant 0 : index
    %get3A_22 = vector.load %arg4[%get3A_20, %get3A_21] : memref<2560x32xf32, #tpu.memory_space<vmem>>, vector<2560x32xf32>
    %get3A_23 = arith.constant 0 : index
    %get3A_24 = arith.constant 0 : index
    %get3A_25 = vector.load %arg6[%get3A_23, %get3A_24] : memref<32x16xf32, #tpu.memory_space<vmem>>, vector<32x16xf32>
    %dot_general3A = arith.constant dense<0.000000e+00> : vector<2560x16xf32>
    %dot_general3A_26 = tpu.matmul %get3A_22, %get3A_25, %dot_general3A {dimension_numbers = #tpu.dot_dimension_numbers<[1], [0], [0], [1], [0, 0, 1, 1], [], []>, transpose_lhs_hint = false} : vector<2560x32xf32>, vector<32x16xf32>, vector<2560x16xf32> -> vector<2560x16xf32>
    %get3A_27 = arith.constant 0 : index
    %get3A_28 = arith.constant 0 : index
    %get3A_29 = vector.load %arg5[%get3A_27, %get3A_28] : memref<2560x32xf32, #tpu.memory_space<vmem>>, vector<2560x32xf32>
    %get3A_30 = arith.constant 0 : index
    %get3A_31 = arith.constant 0 : index
    %get3A_32 = vector.load %arg7[%get3A_30, %get3A_31] : memref<32x16xf32, #tpu.memory_space<vmem>>, vector<32x16xf32>
    %dot_general3A_33 = arith.constant dense<0.000000e+00> : vector<2560x16xf32>
    %dot_general3A_34 = tpu.matmul %get3A_29, %get3A_32, %dot_general3A_33 {dimension_numbers = #tpu.dot_dimension_numbers<[1], [0], [0], [1], [0, 0, 1, 1], [], []>, transpose_lhs_hint = false} : vector<2560x32xf32>, vector<32x16xf32>, vector<2560x16xf32> -> vector<2560x16xf32>
    %add3A_35 = arith.addf %dot_general3A_26, %dot_general3A_34 : vector<2560x16xf32>
    %get3A_36 = arith.constant 0 : index
    %get3A_37 = arith.constant 0 : index
    %get3A_38 = vector.load %arg8[%get3A_36, %get3A_37] : memref<32x16xf32, #tpu.memory_space<vmem>>, vector<32x16xf32>
    %dot_general3A_39 = arith.constant dense<0.000000e+00> : vector<2560x16xf32>
    %dot_general3A_40 = tpu.matmul %max3A_19, %get3A_38, %dot_general3A_39 {dimension_numbers = #tpu.dot_dimension_numbers<[1], [0], [0], [1], [0, 0, 1, 1], [], []>, transpose_lhs_hint = false} : vector<2560x32xf32>, vector<32x16xf32>, vector<2560x16xf32> -> vector<2560x16xf32>
    %add3A_41 = arith.addf %add3A_35, %dot_general3A_40 : vector<2560x16xf32>
    %get3A_42 = arith.constant 0 : index
    %get3A_43 = arith.constant 0 : index
    %get3A_44 = vector.load %arg9[%get3A_42, %get3A_43] : memref<1x16xf32, #tpu.memory_space<vmem>>, vector<1x16xf32>
    %add3A_45 = vector.broadcast %get3A_44 : vector<1x16xf32> to vector<2560x16xf32>
    %add3A_46 = arith.addf %add3A_41, %add3A_45 : vector<2560x16xf32>
    %swap3A = arith.constant 0 : index
    %swap3A_47 = arith.constant 0 : index
    %swap3A_48 = vector.load %arg10[%swap3A, %swap3A_47] : memref<2560x16xf32, #tpu.memory_space<vmem>>, vector<2560x16xf32>
    tpu.vector_store %arg10[%swap3A, %swap3A_47], %add3A_46 {strides = array<i32>} : memref<2560x16xf32, #tpu.memory_space<vmem>>, vector<2560x16xf32>,
    return
  }
  func.func @transform_0(%arg0: i32) -> (i32, i32, i32) {
    %c0_i32 = arith.constant 0 : i32
    %c0_i32_0 = arith.constant 0 : i32
    %c0_i32_1 = arith.constant 0 : i32
    return %c0_i32, %arg0, %c0_i32_0 : i32, i32, i32
  }
  func.func @transform_1(%arg0: i32) -> (i32, i32) {
    %c0_i32 = arith.constant 0 : i32
    %c0_i32_0 = arith.constant 0 : i32
    return %arg0, %c0_i32 : i32, i32
  }
  func.func @transform_2(%arg0: i32) -> (i32, i32) {
    %c0_i32 = arith.constant 0 : i32
    %c0_i32_0 = arith.constant 0 : i32
    %c0_i32_1 = arith.constant 0 : i32
    return %c0_i32, %c0_i32_0 : i32, i32
  }
  func.func @transform_3(%arg0: i32) -> (i32, i32) {
    %c0_i32 = arith.constant 0 : i32
    %c0_i32_0 = arith.constant 0 : i32
    return %arg0, %c0_i32 : i32, i32
  }
  func.func @transform_4(%arg0: i32) -> (i32, i32) {
    %c0_i32 = arith.constant 0 : i32
    %c0_i32_0 = arith.constant 0 : i32
    return %arg0, %c0_i32 : i32, i32
  }
  func.func @transform_5(%arg0: i32) -> (i32, i32) {
    %c0_i32 = arith.constant 0 : i32
    %c0_i32_0 = arith.constant 0 : i32
    %c0_i32_1 = arith.constant 0 : i32
    return %c0_i32, %c0_i32_0 : i32, i32
  }
  func.func @transform_6(%arg0: i32) -> (i32, i32) {
    %c0_i32 = arith.constant 0 : i32
    %c0_i32_0 = arith.constant 0 : i32
    %c0_i32_1 = arith.constant 0 : i32
    return %c0_i32, %c0_i32_0 : i32, i32
  }
  func.func @transform_7(%arg0: i32) -> (i32, i32) {
    %c0_i32 = arith.constant 0 : i32
    %c0_i32_0 = arith.constant 0 : i32
    %c0_i32_1 = arith.constant 0 : i32
    return %c0_i32, %c0_i32_0 : i32, i32
  }
  func.func @transform_8(%arg0: i32) -> (i32, i32) {
    %c0_i32 = arith.constant 0 : i32
    %c0_i32_0 = arith.constant 0 : i32
    %c0_i32_1 = arith.constant 0 : i32
    return %c0_i32, %c0_i32_0 : i32, i32
  }
  func.func @transform_9(%arg0: i32) -> (i32, i32) {
    %c0_i32 = arith.constant 0 : i32
    %c0_i32_0 = arith.constant 0 : i32
    return %arg0, %c0_i32 : i32, i32
  }
}

</mosaic_0001>

<sc_bundles>
// kernel: kernel.12.cloned.1.call-start
scs
__scs_entry_jumppad:
0x0: {  	(pc) =	sbr.rel $0x88, $3  }
0x1: {  	(tag) =	ssettag $0x0;
	lr =	simm.s32 $0x1  }
0x2: {  	[smem:$0x3F94] =	sst lr;
	_ =	strace $0xD0000000  }
0x3: {  	_ = 	snop  }
0x4: {  	_ = 	snop  }
0x5: {  	_ = 	snop  }
0x6: {  	_ = 	snop  }
0x7: {  	_ = 	snop  }
__scs_overlays_trampoline_lowered:
0x8: {  	[smem:$0x3FA3] =	sst s0  }
0x9: {  	[smem:$0x3FA4] =	sst s1  }
0xa: {  	[smem:$0x3FA5] =	sst s2  }
0xb: {  	[smem:$0x3FA6] =	sst s3  }
0xc: {  	[smem:$0x3FA7] =	sst s4  }
0xd: {  	[smem:$0x3FA8] =	sst s5  }
0xe: {  	[smem:$0x3FA9] =	sst s6  }
0xf: {  	[smem:$0x3FAA] =	sst s7  }
0x10: {  	[smem:$0x3FAB] =	sst s8  }
0x11: {  	[smem:$0x3FAC] =	sst s9;
	s0 =	simm.s32 @!p0 $0x0  }
0x12: {  	s1 =	sld [smem:$0x3F92];
	s0 =	simm.s32 @p0 $0x1  }
0x13: {  	[smem:$0x3FAD] =	sst s0;
	s0 =	simm.s32 @!p1 $0x0  }
0x14: {  	s2 =	sld [smem:$0x3F91];
	s0 =	simm.s32 @p1 $0x1  }
0x15: {  	[smem:$0x3FAE] =	sst s0;
	s0 =	simm.s32 @!p2 $0x0  }
0x16: {  	s3 =	sld [smem:$0x3FDB];
	s0 =	simm.s32 @p2 $0x1  }
0x17: {  	s4 =	simm.s32 $0x1BF5;
	[smem:$0x3FB0] =	sst s0  }
0x18: {  	s0 =	sld [smem:$0x3F93];
	_ =	swait.ge [sflag:s4], $0x0  }
0x19: {  	s7 =	sld [smem:$0x3F94]  }
0x1a: {  	s8 =	sadd.s32 $0xFFFFE003, lr  }
0x1b: {  	s9 =	sadd.s32 $0xFFFFFEF7, lr;
	s5 =	simm.s32 $0xFFFFFFFF;
	p2 =	slt.u32 s8, $0xFFFFF086  }
0x1c: {  	p1 =	slt.u32 s9, $0xF7A;
	s5 =	simm.s32 @!p2 $0x0  }
0x1d: {  	s5 =	simm.s32 @p1 $0x1;
	p0 =	seq.s32 s7, s2  }
0x1e: {  	s7 =	smul.u32 @!p0 $0xF7A, s2;
	p2 =	seq.s32 @!p0 s5, $0x0  }
0x1f: {  	s9 =	smul.u32 $0xF7A, s1;
	s8 =	simm.s32 @!p0 $0x1BF5;
	p2 =	por !p2, p0  }
0x20: {  	[sflag:s8] =	ssyncset.s32 @!p0 $0xFFFFF086;
	s6 =	sadd.s32 @!p0 s3, s7;
	s7 =	simm.s32 @!p0 $0x108  }
0x21: {  	s3 =	sadd.s32 s3, s9;
	s6 =	sadd.s32 @!p0 $0x88, s6;
	s7 =	simm.s32 @p2 $0x1082  }
0x22: {  	[simem:s7], [sflag:s8] =	dma.local @!p0 [hbm:s6], $0xF7A  }
0x23: {  	s9 =	sor.u32 $0xD0000000, s2;
	s6 =	simm.s32 $0x108;
	_ =	swait.ge @!p0 [sflag:s8], $0x0  }
0x24: {  	s3 =	sadd.s32 $0x88, s3;
	s6 =	simm.s32 @!p1 $0x1082;
	[sflag:s4] =	ssyncset.s32 $0xFFFFF086  }
0x25: {  	[simem:s6], [sflag:s4] =	dma.local [hbm:s3], $0xF7A  }
0x26: {  	[smem:$0x3F94] =	sst s1;
	(tag) =	ssettag s2;
	_ =	strace s9  }
0x27: {  	s1 =	sld [smem:$0x3FA4]  }
0x28: {  	s2 =	sld [smem:$0x3FA5]  }
0x29: {  	s4 =	sld [smem:$0x3FA7]  }
0x2a: {  	p0 =	seq.s32 s5, $0x0;
	s5 =	sld [smem:$0x3FA8]  }
0x2b: {  	s6 =	sld [smem:$0x3FA9]  }
0x2c: {  	s7 =	sld [smem:$0x3FAA]  }
0x2d: {  	s3 =	simm.s32 $0x108;
	s8 =	sld [smem:$0x3FAB]  }
0x2e: {  	s3 =	simm.s32 @!p0 $0x1082;
	s9 =	sld [smem:$0x3FAC]  }
0x2f: {  	lr =	sadd.s32 s0, s3;
	s0 =	sld [smem:$0x3FA3]  }
0x30: {  	s3 =	sld [smem:$0x3FA6]  }
0x31: {  	[smem:$0x3FAF] =	sst s10  }
0x32: {  	s10 =	sld [smem:$0x3FAD];
	_ =	sdelay $0x3  }
0x33: {  	p0 =	seq.s32 s10, $0x1;
	s10 =	sld [smem:$0x3FAF];
	_ =	sdelay $0x3  }
0x34: {  	[smem:$0x3FAF] =	sst s10  }
0x35: {  	s10 =	sld [smem:$0x3FAE];
	_ =	sdelay $0x3  }
0x36: {  	p1 =	seq.s32 s10, $0x1;
	s10 =	sld [smem:$0x3FAF];
	_ =	sdelay $0x3  }
0x37: {  	[smem:$0x3FAF] =	sst s10  }
0x38: {  	s10 =	sld [smem:$0x3FB0]  }
0x39: {  	_ = 	snop;
	(pc) =	sbr.ind lr, $3  }
0x3a: {  	_ = 	snop  }
0x3b: {  	_ = 	snop  }
0x3c: {  	p2 =	seq.s32 s10, $0x1;
	s10 =	sld [smem:$0x3FAF]  }
0x3d: {  	_ =	shalt  }
0x3e: {  	_ =	shalt  }
0x3f: {  	_ =	shalt  }
0x40: {  	_ =	shalt  }
0x41: {  	_ =	shalt  }
0x42: {  	_ =	shalt  }
0x43: {  	_ =	shalt  }
0x44: {  	_ =	shalt  }
0x45: {  	_ =	shalt  }
0x46: {  	_ =	shalt  }
0x47: {  	_ =	shalt  }
0x48: {  	_ =	shalt  }
0x49: {  	_ =	shalt  }
0x4a: {  	_ =	shalt  }
0x4b: {  	_ =	shalt  }
0x4c: {  	_ =	shalt  }
0x4d: {  	_ =	shalt  }
0x4e: {  	_ =	shalt  }
0x4f: {  	_ =	shalt  }
0x50: {  	_ =	shalt  }
0x51: {  	_ =	shalt  }
0x52: {  	_ =	shalt  }
0x53: {  	_ =	shalt  }
0x54: {  	_ =	shalt  }
0x55: {  	_ =	shalt  }
0x56: {  	_ =	shalt  }
0x57: {  	_ =	shalt  }
0x58: {  	_ =	shalt  }
0x59: {  	_ =	shalt  }
0x5a: {  	_ =	shalt  }
0x5b: {  	_ =	shalt  }
0x5c: {  	_ =	shalt  }
0x5d: {  	_ =	shalt  }
0x5e: {  	_ =	shalt  }
0x5f: {  	_ =	shalt  }
0x60: {  	_ =	shalt  }
0x61: {  	_ =	shalt  }
0x62: {  	_ =	shalt  }
0x63: {  	_ =	shalt  }
0x64: {  	_ =	shalt  }
0x65: {  	_ =	shalt  }
0x66: {  	_ =	shalt  }
0x67: {  	_ =	shalt  }
0x68: {  	_ =	shalt  }
0x69: {  	_ =	shalt  }
0x6a: {  	_ =	shalt  }
0x6b: {  	_ =	shalt  }
0x6c: {  	_ =	shalt  }
0x6d: {  	_ =	shalt  }
0x6e: {  	_ =	shalt  }
0x6f: {  	_ =	shalt  }
0x70: {  	_ =	shalt  }
0x71: {  	_ =	shalt  }
0x72: {  	_ =	shalt  }
0x73: {  	_ =	shalt  }
0x74: {  	_ =	shalt  }
0x75: {  	_ =	shalt  }
0x76: {  	_ =	shalt  }
0x77: {  	_ =	shalt  }
0x78: {  	_ =	shalt  }
0x79: {  	_ =	shalt  }
0x7a: {  	_ =	shalt  }
0x7b: {  	_ =	shalt  }
0x7c: {  	_ =	shalt  }
0x7d: {  	_ =	shalt  }
0x7e: {  	_ =	shalt  }
0x7f: {  	_ =	shalt  }
0x80: {  	_ =	shalt  }
0x81: {  	_ =	shalt  }
0x82: {  	_ =	shalt  }
0x83: {  	_ =	shalt  }
0x84: {  	_ =	shalt  }
0x85: {  	_ =	shalt  }
0x86: {  	_ =	shalt  }
0x87: {  	_ =	shalt  }
.Lfunc_end0:
.L_simem_size_0:
called_computation.1_lowered:
.L_overlay_start_0:
0x88: {  	s2 =	sld [smem:$0x3FD9]  }
0x89: {  	s3 =	sld [smem:$0x3FFE];
	_ =	sdelay $0x1  }
0x8a: {  	s1 =	srdreg.scid  }
0x8b: {  	s0 =	sand.u32 $0x1, s1  }
0x8c: {  	s16 =	sshll.u32 s0, $0xA;
	s2 =	sadd.s32 s3, s2  }
0x8d: {  	s2 =	sadd.s32 s2, s16  }
0x8e: {  	[smem:$0x3FBB] =	sst s2  }
0x8f: {  	_ = 	snop  }
0x90: {  	(tm) =	ssettm $0x1  }
0x91: {  	s17 =	sld [smem:$0x3FFB];
	_ =	sdelay $0x3  }
0x92: {  	_ =	strace s17  }
0x93: {  	s2 =	sld [smem:$0x3FFC];
	_ =	sdelay $0x3  }
0x94: {  	_ =	strace s2  }
0x95: {  	s2 =	sld [smem:$0x3FFD];
	_ =	sdelay $0x3  }
0x96: {  	_ =	strace s2  }
0x97: {  	_ =	strace $0x8FFFFFFF  }
0x98: {  	s18 =	sld [smem:$0x3FDB];
	_ =	sdelay $0x1  }
0x99: {  	s19 =	simm.s32 $_scs_section_size  }
0x9a: {  	s4 =	simm.s32 $_size__tile_overlayer_lowered;
	s5 =	simm.s32 $_tile_overlayer_lowered  }
0x9b: {  	s22 =	simm.s32 $0x1BFF;
	s21 =	sshll.u32 s5, $0x1;
	s2 =	sadd.s32 s19, s18  }
0x9c: {  	s6 =	simm.s32 $0x0;
	s20 =	sshll.u32 s4, $0x1;
	s4 =	sadd.s32 s21, s2  }
0x9d: {  	[timem:s6], [sflag:s22] =	dma.local [hbm:s4], s20  }
0x9e: {  	_ =	swait.ge [sflag:s22], s20  }
0x9f: {  	s3 =	ssub.s32 $0x0, s20;
	[sflag:s22] =	ssyncset.done $0x0  }
0xa0: {  	[sflag:s22] =	ssyncadd.s32 s3;
	_ =	sdelay $0x1  }
0xa1: {  	s23 =	simm.s32 $0x1B8B  }
0xa2: {  	_ =	swait.ge [sflag:s23], $0x1  }
0xa3: {  	[sflag:s23] =	ssyncset.done $0x0  }
0xa4: {  	s25 =	simm.s32 $0x1B8E;
	s24 =	sld [smem:$0x3FFE];
	[sflag:s23] =	ssyncadd.s32 $0xFFFFFFFF  }
0xa5: {  	s26 =	simm.s32 $execute0_lowered;
	[smem:$0x3FD2] =	sst s25  }
0xa6: {  	s4 =	sshll.u32 s26, $0x1;
	_ =	strace $0x80000049;
	[dreg:$0x1] =	wrdreg $0xFFFFFFFF  }
0xa7: {  	s28 =	simm.s32 $_size_execute0_lowered;
	s2 =	sadd.s32 s2, s4;
	[dreg:$0x0] =	wrdreg $0x0  }
0xa8: {  	s4 =	sshll.u32 s28, $0x1;
	[dreg:$0x2] =	wrdreg s2  }
0xa9: {  	[dreg:$0x3] =	wrdreg s4  }
0xaa: {  	[dreg:$0x4] =	wrdreg $0xC0  }
0xab: {  	_ =	task [dreg:s6], $0x5FFFF  }
0xac: {  	[dreg:$0x1] =	wrdreg $0xFFFFFFFF  }
0xad: {  	[dreg:$0x0] =	wrdreg $0x60  }
0xae: {  	[dreg:$0x2] =	wrdreg s24  }
0xaf: {  	[dreg:$0x3] =	wrdreg $0x196000  }
0xb0: {  	[dreg:$0x4] =	wrdreg $0x9  }
0xb1: {  	_ =	task.clear_ibuf [dreg:s6], $0x5FFFF;
	_ =	strace $0x90000049  }
0xb2: {  	s29 =	simm.s32 $0x9;
	_ =	strace $0x8000004B  }
0xb3: {  	_ =	swait.ge [sflag:s29], $0x1  }
0xb4: {  	[sflag:s29] =	ssyncadd.s32 $0xFFFFFFFF  }
0xb5: {  	_ =	strace $0x9000004B  }
0xb6: {  	_ =	sfence  }
0xb7: {  	s30 =	sld [smem:$0x0];
	_ =	sdelay $0x2  }
0xb8: {  	s31 =	sshll.u32 s1, $0xD;
	s1 =	sshrl.u32 s1, $0x2  }
0xb9: {  	s3 =	sand.u32 $0x4000, s31;
	s1 =	sadd.s32 s1, s30  }
0xba: {  	s0 =	sor.u32 s3, s0;
	s1 =	sshll.u32 s1, $0x11  }
0xbb: {  	s0 =	sor.u32 s1, s0  }
0xbc: {  	s0 =	sadd.s32 $0x8F2B, s0  }
0xbd: {  	[sflag:s0] =	ssyncadd.remote.s32 $0x1  }
0xbe: {  	_ =	sfence.sel $0xFFFF  }
0xbf: {  	[dreg:$0x0] =	wrdreg $0xFFFFFFFF;
	(pc) =	sbr.abs _section_cstart, $3  }
0xc0: {  	[dreg:$0x1] =	wrdreg $0xFFFFFFFF  }
0xc1: {  	_ =	task.clear_ibuf [dreg:s6], $0x2FFFF;
	_ =	strace $0x9FFFFFFF  }
0xc2: {  	(tm) =	ssettm $0x7FFFFFFF  }
0xc3: {  	_ =	shalt  }
tec
execute0_lowered:
.L_overlay_start_1:
0x0: {  	(tag) =	ssettag $0x1  }
0x1: {  	s0 =	rddreg [dreg:$0x0]  }
0x2: {  	s2 =	rddreg [dreg:$0x1];
	s3 =	simm.s32 $0x0;
	s9 =	stileid.u32  }
0x3: {  	s1 =	srdreg.scid;
	s16 =	simm.s32 $0x2;
	s17 =	simm.s32 $0x80  }
0x4: {  	s31 =	simm.s32 $0xC600;
	s18 =	simm.s32 $0xE600;
	s19 =	simm.s32 $0x1  }
0x5: {  	s20 =	simm.s32 $0x3;
	s21 =	simm.s32 $0x0;
	[smem:$0x7FF] =	sst s3  }
0x6: {  	s29 =	smul.u32 $0x5000, s9;
	s1 =	sand.u32 $0x1, s1;
	s4 =	sadd.s32 $0x2000, s0  }
0x7: {  	s11 =	sadd.s32 $0x15E00, s0;
	s12 =	sadd.s32 $0xC000, s0;
	s30 =	smul.u32 $0x47, s9  }
0x8: {  	p1 =	seq.s32 s9, $0xF;
	s10 =	smul.u32 $0x560, s9;
	p6 =	sne.s32 s9, $0xF  }
0x9: {  	_ =	strace $0x8000004A;
	s5 =	smul.u32 $0x50000, s1;
	s7 =	ssub.s32 $0x2, s1  }
0xa: {  	p0 =	seq.s32 s1, $0x0;
	p2 =	seq.s32 s1, $0x1;
	s6 =	sshrl.u32 s29, $0x3  }
0xb: {  	s8 =	sshrl.u32 s7, $0x1;
	s13 =	sadd.s32 $0x560, s30;
	s3 =	sadd.s32 s29, s2  }
0xc: {  	s5 =	sadd.s32 s29, s5;
	s6 =	sadd.s32 s6, s0;
	s14 =	ssub.s32 s7, s8  }
0xd: {  	s8 =	smul.u32 $0x56, s9;
	s7 =	sshll.u32 s9, $0x6;
	s9 =	sadd.s32 s11, s10  }
0xe: {  	s10 =	sadd.s32 s12, s10;
	s15 =	sshrl.u32 s3, $0x3;
	s3 =	simm.s32 $0x480  }
0xf: {  	s5 =	sshrl.u32 s5, $0x3;
	s6 =	sadd.s32 $0x1FC00, s6;
	s14 =	smax.u32 s14, $0x1  }
0x10: {  	s0 =	sadd.s32 s5, s0;
	s5 =	simm.s32 $0x3B;
	s13 =	smov.u32 @p0 s8  }
0x11: {  	s8 =	sor.u32 $0x1C02, s7;
	s5 =	simm.s32 @!p1 $0x47;
	p1 =	por !p1, !p2  }
0x12: {  	s13 =	sshll.u32 s13, $0x4;
	s5 =	simm.s32 @p0 $0x56;
	p0 =	por !p6, !p2  }
0x13: {  	p2 =	por !p1, !p1;
	s11 =	sadd.s32 s11, s13;
	s12 =	sadd.s32 s12, s13  }
0x14: {  	s13 =	sadd.s32 $0x29C00, s0;
	p1 =	sne.s32 s1, $0x0;
	p0 =	por !p0, !p0  }
0x15: {  	s0 =	simm.s32 $0x400;
	s1 =	simm.s32 $0xD600;
	p2 =	por !p2, p0  }
.LBB2_1:
0x16: {  	[spmem:s15], [sflag:s8] =	dma.local [hbm:s6], $0xA00  }
0x17: {  	s22 =	simm.s32 @!p1 $0x0  }
0x18: {  	[tilespmem:s22], [sflag:$0x1] =	stream.linear.gather @!p1 [hbm4b:s9+s22], $0x2B00, $0x38;
	[tilespmem:$0x1E600] =	vst v63  }
0x19: {  	s23 =	simm.s32 @!p1 $0x2B00  }
0x1a: {  	[tilespmem:s23], [sflag:$0x1] =	stream.linear.gather @!p1 [hbm4b:s10+s22], $0x2B00, $0x38;
	[tilespmem:$0x1E600] =	vst v63  }
0x1b: {  	s22 =	simm.s32 @!p2 $0x0  }
0x1c: {  	[tilespmem:s22], [sflag:$0x1] =	stream.linear.gather @!p2 [hbm4b:s11+s22], $0x1D80, $0x38;
	[tilespmem:$0x1E600] =	vst v63  }
0x1d: {  	s23 =	simm.s32 @!p2 $0x2B00  }
0x1e: {  	[tilespmem:s23], [sflag:$0x1] =	stream.linear.gather @!p2 [hbm4b:s12+s22], $0x1D80, $0x38;
	[tilespmem:$0x1E600] =	vst v63  }
0x1f: {  	s22 =	simm.s32 @p0 $0x0  }
0x20: {  	[tilespmem:s22], [sflag:$0x1] =	stream.linear.gather @p0 [hbm4b:s11+s22], $0x2380, $0x38;
	[tilespmem:$0x1E600] =	vst v63  }
0x21: {  	s23 =	simm.s32 @p0 $0x2B00  }
0x22: {  	[tilespmem:s23], [sflag:$0x1] =	stream.linear.gather @p0 [hbm4b:s12+s22], $0x2380, $0x38;
	[tilespmem:$0x1E600] =	vst v63  }
0x23: {  	_ =	swait.ge [sflag:s16], $0xA00  }
0x24: {  	[sflag:s16] =	ssyncset.done $0x0  }
0x25: {  	s22 =	simm.s32 @!p1 $0x1;
	[sflag:s16] =	ssyncadd.s32 $0xFFFFF600  }
0x26: {  	_ =	swait.ge @!p1 [sflag:s22], $0x2B00  }
0x27: {  	[sflag:s22] =	ssyncset.done @!p1 $0x0  }
0x28: {  	[sflag:s22] =	ssyncadd.s32 @!p1 $0xFFFFD500  }
0x29: {  	_ =	swait.ge @!p1 [sflag:s22], $0x2B00  }
0x2a: {  	[sflag:s22] =	ssyncset.done @!p1 $0x0  }
0x2b: {  	[sflag:s22] =	ssyncadd.s32 @!p1 $0xFFFFD500;
	s22 =	simm.s32 @p0 $0x1  }
0x2c: {  	_ =	swait.ge @p0 [sflag:s22], $0x2380  }
0x2d: {  	[sflag:s22] =	ssyncset.done @p0 $0x0  }
0x2e: {  	p3 =	por @!p0 $0x0, $0x0;
	p4 =	por @!p2 $0x1, $0x1;
	[sflag:s22] =	ssyncadd.s32 @p0 $0xFFFFDC80  }
0x2f: {  	p3 =	por @!p2 p4, p4;
	p4 =	por @p0 $0x0, $0x0;
	_ =	swait.ge @p0 [sflag:s22], $0x2380  }
0x30: {  	p4 =	por @!p0 p3, p3;
	[sflag:s22] =	ssyncset.done @p0 $0x0  }
0x31: {  	[sflag:s22] =	ssyncadd.s32 @p0 $0xFFFFDC80;
	s22 =	simm.s32 @p4 $0x1  }
0x32: {  	_ =	swait.ge @p4 [sflag:s22], $0x1D80  }
0x33: {  	[sflag:s22] =	ssyncset.done @p4 $0x0  }
0x34: {  	[sflag:s22] =	ssyncadd.s32 @p4 $0xFFFFE280  }
0x35: {  	_ =	swait.ge @p4 [sflag:s22], $0x1D80  }
0x36: {  	[sflag:s22] =	ssyncset.done @p4 $0x0  }
0x37: {  	[sflag:s22] =	ssyncadd.s32 @p4 $0xFFFFE280  }
0x38: {  	s26 =	simm.s32 $0x0;
	s22 =	simm.s32 $0x5600;
	[bflag:$0x0] =	sbarrier.arrive $0xFFFF  }
0x39: {  	[tilespmem:s22], [sflag:$0x1] =	stream.indirect.gather [hbm4b:s4+s17], $0x20, s26, s17, $0xb8;
	[tilespmem:$0x1E600] =	vst v63  }
0x3a: {  	s29 =	simm.s32 $0x6600  }
0x3b: {  	[tilespmem:s29], [sflag:$0x1] =	stream.indirect.gather [hbm4b:s4+s17], $0x20, s17, s17, $0xb8;
	[tilespmem:$0x1E600] =	vst v63  }
0x3c: {  	s30 =	simm.s32 $0x100;
	s24 =	simm.s32 $0x7600  }
0x3d: {  	[tilespmem:s24], [sflag:$0x1] =	stream.indirect.gather [hbm4b:s4+s17], $0x20, s30, s17, $0xb8;
	[tilespmem:$0x1E600] =	vst v63  }
0x3e: {  	s25 =	simm.s32 $0x180;
	s26 =	simm.s32 $0x8600  }
0x3f: {  	[tilespmem:s26], [sflag:$0x1] =	stream.indirect.gather [hbm4b:s4+s17], $0x20, s25, s17, $0xb8;
	[tilespmem:$0x1E600] =	vst v63  }
0x40: {  	s29 =	simm.s32 $0x200;
	s30 =	simm.s32 $0x9600  }
0x41: {  	[tilespmem:s30], [sflag:$0x1] =	stream.indirect.gather [hbm4b:s4+s17], $0x20, s29, s17, $0xb8;
	[tilespmem:$0x1E600] =	vst v63  }
0x42: {  	s24 =	simm.s32 $0x280;
	s25 =	simm.s32 $0xA600  }
0x43: {  	[tilespmem:s25], [sflag:$0x1] =	stream.indirect.gather [hbm4b:s4+s17], $0x20, s24, s17, $0xb8;
	[tilespmem:$0x1E600] =	vst v63  }
0x44: {  	s26 =	simm.s32 $0x300;
	s29 =	simm.s32 $0xB600  }
0x45: {  	[tilespmem:s29], [sflag:$0x1] =	stream.indirect.gather [hbm4b:s4+s17], $0x20, s26, s17, $0xb8;
	[tilespmem:$0x1E600] =	vst v63  }
0x46: {  	s30 =	simm.s32 $0x380  }
0x47: {  	[tilespmem:s31], [sflag:$0x1] =	stream.indirect.gather [hbm4b:s4+s17], $0x20, s30, s17, $0xb8;
	[tilespmem:$0x1E600] =	vst v63  }
0x48: {  	s28 =	simm.s32 $0x0;
	s23 =	simm.s32 $0xF600  }
0x49: {  	[tilespmem:s1], [sflag:$0x1] =	stream.indirect.gather [hbm4b:s4+s17], $0x20, s0, s17, $0xb8;
	[tilespmem:$0x1E600] =	vst v63  }
0x4a: {  	s24 =	simm.s32 $0xA;
	s25 =	simm.s32 $0x500;
	s26 =	simm.s32 $0x2B00  }
0x4b: {  	[tilespmem:s18], [sflag:$0x1] =	stream.indirect.gather [hbm4b:s4+s17], $0x20, s3, s17, $0xb8;
	[tilespmem:$0x1E600] =	vst v63  }
.LBB2_2:
0x4c: {  	s29 =	smulhi.u32 $0xCCCCCCCD, s28;
	_ =	sdelay $0x1  }
0x4d: {  	s29 =	sshrl.u32 s29, $0x4  }
0x4e: {  	s29 =	smul.u32 $0xFFFB0000, s29  }
0x4f: {  	_ =	swait.ge [sflag:s19], $0x1000;
	s30 =	smulhi.u32 $0xCCCCCCCD, s24  }
0x50: {  	p3 =	slt.u32 s28, $0xA;
	[sflag:s19] =	ssyncset.done $0x0;
	s29 =	sshra.s32 s29, $0x2  }
0x51: {  	[sflag:s19] =	ssyncadd.s32 $0xFFFFF000;
	s30 =	sshrl.u32 s30, $0x4;
	s29 =	sadd.s32 s29, s22  }
0x52: {  	[spmem:s2] =	stream.indirect.scatter.add.f32 [tilespmem:s29], [sflag:$0x2], $0x20, s26, s17, $0xb8;
	[tilespmem:$0x1E600] =	vst v63  }
0x53: {  	s29 =	smul.u32 $0xFFFB0000, s30;
	s30 =	simm.s32 @!p3 $0x2  }
0x54: {  	s28 =	sadd.s32 $0xA, s28;
	_ =	swait.ge @!p3 [sflag:s30], $0x1000  }
0x55: {  	p4 =	sge.u32 s28, s5;
	s28 =	sadd.s32 $0xFFFFFFF7, s28;
	[sflag:s30] =	ssyncset.done @!p3 $0x0  }
0x56: {  	[sflag:s30] =	ssyncadd.s32 @!p3 $0xFFFFF000;
	p3 =	sne.s32 s28, s5  }
.Ltmp0:
0x57: {  	_ = 	snop;
	(pc) =	sbr.rel @p3 .LBB2_2-.Ltmp0, $4  }
0x58: {  	s24 =	sadd.s32 $0x1, s24;
	s29 =	sshra.s32 s29, $0x2  }
0x59: {  	s22 =	sadd.s32 $0x1000, s22;
	s29 =	sadd.s32 s29, s23;
	s30 =	simm.s32 @!p4 $0x80  }
0x5a: {  	[tilespmem:s29], [sflag:$0x1] =	stream.indirect.gather @!p4 [hbm4b:s4+s30], $0x20, s25, s30, $0xb8;
	[tilespmem:$0x1E600] =	vst v63  }
0x5b: {  	s26 =	sadd.s32 $0x80, s26;
	s23 =	sadd.s32 $0x1000, s23;
	s25 =	sadd.s32 $0x80, s25  }
0x5c: {  	_ =	swait.ge [sflag:s16], $0x1000  }
0x5d: {  	[sflag:s16] =	ssyncset.done $0x0  }
0x5e: {  	[sflag:s16] =	ssyncadd.s32 $0xFFFFF000  }
0x5f: {  	_ =	swait.ge [sflag:s16], $0x1000  }
0x60: {  	[sflag:s16] =	ssyncset.done $0x0  }
0x61: {  	[sflag:s16] =	ssyncadd.s32 $0xFFFFF000  }
0x62: {  	_ =	swait.ge [sflag:s16], $0x1000  }
0x63: {  	[sflag:s16] =	ssyncset.done $0x0  }
0x64: {  	[sflag:s16] =	ssyncadd.s32 $0xFFFFF000  }
0x65: {  	_ =	swait.ge [sflag:s16], $0x1000  }
0x66: {  	[sflag:s16] =	ssyncset.done $0x0  }
0x67: {  	[sflag:s16] =	ssyncadd.s32 $0xFFFFF000  }
0x68: {  	_ =	swait.ge [sflag:s16], $0x1000  }
0x69: {  	[sflag:s16] =	ssyncset.done $0x0  }
0x6a: {  	[sflag:s16] =	ssyncadd.s32 $0xFFFFF000  }
0x6b: {  	_ =	swait.ge [sflag:s16], $0x1000  }
0x6c: {  	[sflag:s16] =	ssyncset.done $0x0  }
0x6d: {  	[sflag:s16] =	ssyncadd.s32 $0xFFFFF000  }
0x6e: {  	_ =	swait.ge [sflag:s16], $0x1000  }
0x6f: {  	[sflag:s16] =	ssyncset.done $0x0  }
0x70: {  	[sflag:s16] =	ssyncadd.s32 $0xFFFFF000  }
0x71: {  	_ =	swait.ge [sflag:s16], $0x1000  }
0x72: {  	[sflag:s16] =	ssyncset.done $0x0  }
0x73: {  	[sflag:s16] =	ssyncadd.s32 $0xFFFFF000  }
0x74: {  	_ =	swait.ge [sflag:s16], $0x1000  }
0x75: {  	[sflag:s16] =	ssyncset.done $0x0  }
0x76: {  	[sflag:s16] =	ssyncadd.s32 $0xFFFFF000  }
0x77: {  	_ =	swait.ge [sflag:s16], $0x1000  }
0x78: {  	s21 =	sadd.s32 $0x1, s21;
	[sflag:s16] =	ssyncset.done $0x0  }
0x79: {  	p3 =	sne.s32 s21, s14;
	[sflag:s16] =	ssyncadd.s32 $0xFFFFF000  }
.Ltmp1:
0x7a: {  	s22 =	sor.u32 $0x1C03, s7;
	[bflag:$0x0] =	sbarrier.arrive $0xFFFF;
	(pc) =	sbr.rel @p3 .LBB2_1-.Ltmp1, $4  }
0x7b: {  	[hbm:s13], [sflag:s22] =	dma.local [spmem:s15], $0xA00  }
0x7c: {  	_ =	swait.ge [sflag:s20], $0xA00  }
0x7d: {  	[sflag:s20] =	ssyncset.done $0x0  }
0x7e: {  	[sflag:s20] =	ssyncadd.s32 $0xFFFFF600  }
0x7f: {  	_ =	sfence.sel $0x180000  }
0x80: {  	[bflag:$0x0] =	sbarrier.arrive $0xFFFF  }
0x81: {  	_ =	strace $0x9000004A  }
0x82: {  	s0 =	stileid.u32;
	[bflag:$0x2] =	sbarrier.arrive $0xFFFF  }
0x83: {  	p0 =	sne.s32 s0, $0x0;
	s0 =	rddreg [dreg:$0x2]  }
0x84: {  	s0 =	sadd.s32 @!p0 $0x100000, s0  }
0x85: {  	[sflag:s0] =	ssyncadd.tile.s32 @!p0 $0x1;
	_ =	shalt  }
.Lfunc_end2:
_tile_overlayer_lowered:
.L_overlay_start_2:
0x86: {  	(tag) =	ssettag $0x2  }
0x87: {  	s0 =	rddreg [dreg:$0x0];
	s2 =	stileid.u32  }
0x88: {  	s1 =	rddreg [dreg:$0x1];
	p0 =	sne.s32 s2, $0x0  }
0x89: {  	s3 =	rddreg [dreg:$0x2];
	[bflag:$0x3] =	sbarrier.arrive $0xFFFF;
	s2 =	simm.s32 @!p0 $0x1C03  }
0x8a: {  	[timem:s3], [sflag:s2] =	dma.local @!p0 [hbm:s0], s1  }
0x8b: {  	s0 =	simm.s32 @!p0 $0x3  }
0x8c: {  	_ =	swait.ge @!p0 [sflag:s0], s1  }
0x8d: {  	s1 =	ssub.s32 @!p0 $0x0, s1;
	[sflag:s0] =	ssyncset.done @!p0 $0x0  }
0x8e: {  	[sflag:s0] =	ssyncadd.s32 @!p0 s1  }
0x8f: {  	[bflag:$0x3] =	sbarrier.arrive $0xFFFF  }
0x90: {  	_ =	shalt  }

// kernel: kernel.15.cloned.1.call-start
scs
__scs_entry_jumppad:
0x0: {  	(pc) =	sbr.rel $0x88, $3  }
0x1: {  	(tag) =	ssettag $0x0;
	lr =	simm.s32 $0x1  }
0x2: {  	[smem:$0x3F94] =	sst lr;
	_ =	strace $0xD0000000  }
0x3: {  	_ = 	snop  }
0x4: {  	_ = 	snop  }
0x5: {  	_ = 	snop  }
0x6: {  	_ = 	snop  }
0x7: {  	_ = 	snop  }
__scs_overlays_trampoline_lowered:
0x8: {  	[smem:$0x3FA3] =	sst s0  }
0x9: {  	[smem:$0x3FA4] =	sst s1  }
0xa: {  	[smem:$0x3FA5] =	sst s2  }
0xb: {  	[smem:$0x3FA6] =	sst s3  }
0xc: {  	[smem:$0x3FA7] =	sst s4  }
0xd: {  	[smem:$0x3FA8] =	sst s5  }
0xe: {  	[smem:$0x3FA9] =	sst s6  }
0xf: {  	[smem:$0x3FAA] =	sst s7  }
0x10: {  	[smem:$0x3FAB] =	sst s8  }
0x11: {  	[smem:$0x3FAC] =	sst s9;
	s0 =	simm.s32 @!p0 $0x0  }
0x12: {  	s1 =	sld [smem:$0x3F92];
	s0 =	simm.s32 @p0 $0x1  }
0x13: {  	[smem:$0x3FAD] =	sst s0;
	s0 =	simm.s32 @!p1 $0x0  }
0x14: {  	s2 =	sld [smem:$0x3F91];
	s0 =	simm.s32 @p1 $0x1  }
0x15: {  	[smem:$0x3FAE] =	sst s0;
	s0 =	simm.s32 @!p2 $0x0  }
0x16: {  	s3 =	sld [smem:$0x3FDB];
	s0 =	simm.s32 @p2 $0x1  }
0x17: {  	s4 =	simm.s32 $0x1BF5;
	[smem:$0x3FB0] =	sst s0  }
0x18: {  	s0 =	sld [smem:$0x3F93];
	_ =	swait.ge [sflag:s4], $0x0  }
0x19: {  	s7 =	sld [smem:$0x3F94]  }
0x1a: {  	s8 =	sadd.s32 $0xFFFFE003, lr  }
0x1b: {  	s9 =	sadd.s32 $0xFFFFFEF7, lr;
	s5 =	simm.s32 $0xFFFFFFFF;
	p2 =	slt.u32 s8, $0xFFFFF086  }
0x1c: {  	p1 =	slt.u32 s9, $0xF7A;
	s5 =	simm.s32 @!p2 $0x0  }
0x1d: {  	s5 =	simm.s32 @p1 $0x1;
	p0 =	seq.s32 s7, s2  }
0x1e: {  	s7 =	smul.u32 @!p0 $0xF7A, s2;
	p2 =	seq.s32 @!p0 s5, $0x0  }
0x1f: {  	s9 =	smul.u32 $0xF7A, s1;
	s8 =	simm.s32 @!p0 $0x1BF5;
	p2 =	por !p2, p0  }
0x20: {  	[sflag:s8] =	ssyncset.s32 @!p0 $0xFFFFF086;
	s6 =	sadd.s32 @!p0 s3, s7;
	s7 =	simm.s32 @!p0 $0x108  }
0x21: {  	s3 =	sadd.s32 s3, s9;
	s6 =	sadd.s32 @!p0 $0x88, s6;
	s7 =	simm.s32 @p2 $0x1082  }
0x22: {  	[simem:s7], [sflag:s8] =	dma.local @!p0 [hbm:s6], $0xF7A  }
0x23: {  	s9 =	sor.u32 $0xD0000000, s2;
	s6 =	simm.s32 $0x108;
	_ =	swait.ge @!p0 [sflag:s8], $0x0  }
0x24: {  	s3 =	sadd.s32 $0x88, s3;
	s6 =	simm.s32 @!p1 $0x1082;
	[sflag:s4] =	ssyncset.s32 $0xFFFFF086  }
0x25: {  	[simem:s6], [sflag:s4] =	dma.local [hbm:s3], $0xF7A  }
0x26: {  	[smem:$0x3F94] =	sst s1;
	(tag) =	ssettag s2;
	_ =	strace s9  }
0x27: {  	s1 =	sld [smem:$0x3FA4]  }
0x28: {  	s2 =	sld [smem:$0x3FA5]  }
0x29: {  	s4 =	sld [smem:$0x3FA7]  }
0x2a: {  	p0 =	seq.s32 s5, $0x0;
	s5 =	sld [smem:$0x3FA8]  }
0x2b: {  	s6 =	sld [smem:$0x3FA9]  }
0x2c: {  	s7 =	sld [smem:$0x3FAA]  }
0x2d: {  	s3 =	simm.s32 $0x108;
	s8 =	sld [smem:$0x3FAB]  }
0x2e: {  	s3 =	simm.s32 @!p0 $0x1082;
	s9 =	sld [smem:$0x3FAC]  }
0x2f: {  	lr =	sadd.s32 s0, s3;
	s0 =	sld [smem:$0x3FA3]  }
0x30: {  	s3 =	sld [smem:$0x3FA6]  }
0x31: {  	[smem:$0x3FAF] =	sst s10  }
0x32: {  	s10 =	sld [smem:$0x3FAD];
	_ =	sdelay $0x3  }
0x33: {  	p0 =	seq.s32 s10, $0x1;
	s10 =	sld [smem:$0x3FAF];
	_ =	sdelay $0x3  }
0x34: {  	[smem:$0x3FAF] =	sst s10  }
0x35: {  	s10 =	sld [smem:$0x3FAE];
	_ =	sdelay $0x3  }
0x36: {  	p1 =	seq.s32 s10, $0x1;
	s10 =	sld [smem:$0x3FAF];
	_ =	sdelay $0x3  }
0x37: {  	[smem:$0x3FAF] =	sst s10  }
0x38: {  	s10 =	sld [smem:$0x3FB0]  }
0x39: {  	_ = 	snop;
	(pc) =	sbr.ind lr, $3  }
0x3a: {  	_ = 	snop  }
0x3b: {  	_ = 	snop  }
0x3c: {  	p2 =	seq.s32 s10, $0x1;
	s10 =	sld [smem:$0x3FAF]  }
0x3d: {  	_ =	shalt  }
0x3e: {  	_ =	shalt  }
0x3f: {  	_ =	shalt  }
0x40: {  	_ =	shalt  }
0x41: {  	_ =	shalt  }
0x42: {  	_ =	shalt  }
0x43: {  	_ =	shalt  }
0x44: {  	_ =	shalt  }
0x45: {  	_ =	shalt  }
0x46: {  	_ =	shalt  }
0x47: {  	_ =	shalt  }
0x48: {  	_ =	shalt  }
0x49: {  	_ =	shalt  }
0x4a: {  	_ =	shalt  }
0x4b: {  	_ =	shalt  }
0x4c: {  	_ =	shalt  }
0x4d: {  	_ =	shalt  }
0x4e: {  	_ =	shalt  }
0x4f: {  	_ =	shalt  }
0x50: {  	_ =	shalt  }
0x51: {  	_ =	shalt  }
0x52: {  	_ =	shalt  }
0x53: {  	_ =	shalt  }
0x54: {  	_ =	shalt  }
0x55: {  	_ =	shalt  }
0x56: {  	_ =	shalt  }
0x57: {  	_ =	shalt  }
0x58: {  	_ =	shalt  }
0x59: {  	_ =	shalt  }
0x5a: {  	_ =	shalt  }
0x5b: {  	_ =	shalt  }
0x5c: {  	_ =	shalt  }
0x5d: {  	_ =	shalt  }
0x5e: {  	_ =	shalt  }
0x5f: {  	_ =	shalt  }
0x60: {  	_ =	shalt  }
0x61: {  	_ =	shalt  }
0x62: {  	_ =	shalt  }
0x63: {  	_ =	shalt  }
0x64: {  	_ =	shalt  }
0x65: {  	_ =	shalt  }
0x66: {  	_ =	shalt  }
0x67: {  	_ =	shalt  }
0x68: {  	_ =	shalt  }
0x69: {  	_ =	shalt  }
0x6a: {  	_ =	shalt  }
0x6b: {  	_ =	shalt  }
0x6c: {  	_ =	shalt  }
0x6d: {  	_ =	shalt  }
0x6e: {  	_ =	shalt  }
0x6f: {  	_ =	shalt  }
0x70: {  	_ =	shalt  }
0x71: {  	_ =	shalt  }
0x72: {  	_ =	shalt  }
0x73: {  	_ =	shalt  }
0x74: {  	_ =	shalt  }
0x75: {  	_ =	shalt  }
0x76: {  	_ =	shalt  }
0x77: {  	_ =	shalt  }
0x78: {  	_ =	shalt  }
0x79: {  	_ =	shalt  }
0x7a: {  	_ =	shalt  }
0x7b: {  	_ =	shalt  }
0x7c: {  	_ =	shalt  }
0x7d: {  	_ =	shalt  }
0x7e: {  	_ =	shalt  }
0x7f: {  	_ =	shalt  }
0x80: {  	_ =	shalt  }
0x81: {  	_ =	shalt  }
0x82: {  	_ =	shalt  }
0x83: {  	_ =	shalt  }
0x84: {  	_ =	shalt  }
0x85: {  	_ =	shalt  }
0x86: {  	_ =	shalt  }
0x87: {  	_ =	shalt  }
.Lfunc_end0:
.L_simem_size_0:
called_computation.2_lowered:
.L_overlay_start_0:
0x88: {  	s2 =	sld [smem:$0x3FD9]  }
0x89: {  	s3 =	sld [smem:$0x3FFE];
	_ =	sdelay $0x1  }
0x8a: {  	s1 =	srdreg.scid  }
0x8b: {  	s0 =	sand.u32 $0x1, s1  }
0x8c: {  	s16 =	sshll.u32 s0, $0xA;
	s2 =	sadd.s32 s3, s2  }
0x8d: {  	s2 =	sadd.s32 s2, s16  }
0x8e: {  	[smem:$0x3FBB] =	sst s2  }
0x8f: {  	_ = 	snop  }
0x90: {  	(tm) =	ssettm $0x1  }
0x91: {  	s17 =	sld [smem:$0x3FFB];
	_ =	sdelay $0x3  }
0x92: {  	_ =	strace s17  }
0x93: {  	s2 =	sld [smem:$0x3FFC];
	_ =	sdelay $0x3  }
0x94: {  	_ =	strace s2  }
0x95: {  	s2 =	sld [smem:$0x3FFD];
	_ =	sdelay $0x3  }
0x96: {  	_ =	strace s2  }
0x97: {  	_ =	strace $0x8FFFFFFF  }
0x98: {  	s18 =	sld [smem:$0x3FDB];
	_ =	sdelay $0x1  }
0x99: {  	s19 =	simm.s32 $_scs_section_size  }
0x9a: {  	s4 =	simm.s32 $_size__tile_overlayer_lowered;
	s5 =	simm.s32 $_tile_overlayer_lowered  }
0x9b: {  	s22 =	simm.s32 $0x1BFF;
	s21 =	sshll.u32 s5, $0x1;
	s2 =	sadd.s32 s19, s18  }
0x9c: {  	s6 =	simm.s32 $0x0;
	s20 =	sshll.u32 s4, $0x1;
	s4 =	sadd.s32 s21, s2  }
0x9d: {  	[timem:s6], [sflag:s22] =	dma.local [hbm:s4], s20  }
0x9e: {  	_ =	swait.ge [sflag:s22], s20  }
0x9f: {  	s3 =	ssub.s32 $0x0, s20;
	[sflag:s22] =	ssyncset.done $0x0  }
0xa0: {  	[sflag:s22] =	ssyncadd.s32 s3;
	_ =	sdelay $0x1  }
0xa1: {  	s23 =	simm.s32 $0x1B8B  }
0xa2: {  	_ =	swait.ge [sflag:s23], $0x1  }
0xa3: {  	[sflag:s23] =	ssyncset.done $0x0  }
0xa4: {  	s25 =	simm.s32 $0x1B8E;
	s24 =	sld [smem:$0x3FFE];
	[sflag:s23] =	ssyncadd.s32 $0xFFFFFFFF  }
0xa5: {  	s26 =	simm.s32 $execute0_lowered;
	[smem:$0x3FD2] =	sst s25  }
0xa6: {  	s4 =	sshll.u32 s26, $0x1;
	_ =	strace $0x8000004C;
	[dreg:$0x1] =	wrdreg $0xFFFFFFFF  }
0xa7: {  	s28 =	simm.s32 $_size_execute0_lowered;
	s2 =	sadd.s32 s2, s4;
	[dreg:$0x0] =	wrdreg $0x0  }
0xa8: {  	s4 =	sshll.u32 s28, $0x1;
	[dreg:$0x2] =	wrdreg s2  }
0xa9: {  	[dreg:$0x3] =	wrdreg s4  }
0xaa: {  	[dreg:$0x4] =	wrdreg $0xC0  }
0xab: {  	_ =	task [dreg:s6], $0x5FFFF  }
0xac: {  	[dreg:$0x1] =	wrdreg $0xFFFFFFFF  }
0xad: {  	[dreg:$0x0] =	wrdreg $0x60  }
0xae: {  	[dreg:$0x2] =	wrdreg s24  }
0xaf: {  	[dreg:$0x3] =	wrdreg $0x196000  }
0xb0: {  	[dreg:$0x4] =	wrdreg $0x9  }
0xb1: {  	_ =	task.clear_ibuf [dreg:s6], $0x5FFFF;
	_ =	strace $0x9000004C  }
0xb2: {  	s29 =	simm.s32 $0x9;
	_ =	strace $0x8000004E  }
0xb3: {  	_ =	swait.ge [sflag:s29], $0x1  }
0xb4: {  	[sflag:s29] =	ssyncadd.s32 $0xFFFFFFFF  }
0xb5: {  	_ =	strace $0x9000004E  }
0xb6: {  	_ =	sfence  }
0xb7: {  	s30 =	sld [smem:$0x0];
	_ =	sdelay $0x2  }
0xb8: {  	s31 =	sshll.u32 s1, $0xD;
	s1 =	sshrl.u32 s1, $0x2  }
0xb9: {  	s3 =	sand.u32 $0x4000, s31;
	s1 =	sadd.s32 s1, s30  }
0xba: {  	s0 =	sor.u32 s3, s0;
	s1 =	sshll.u32 s1, $0x11  }
0xbb: {  	s0 =	sor.u32 s1, s0  }
0xbc: {  	s0 =	sadd.s32 $0x8F2B, s0  }
0xbd: {  	[sflag:s0] =	ssyncadd.remote.s32 $0x1  }
0xbe: {  	_ =	sfence.sel $0xFFFF  }
0xbf: {  	[dreg:$0x0] =	wrdreg $0xFFFFFFFF;
	(pc) =	sbr.abs _section_cstart, $3  }
0xc0: {  	[dreg:$0x1] =	wrdreg $0xFFFFFFFF  }
0xc1: {  	_ =	task.clear_ibuf [dreg:s6], $0x2FFFF;
	_ =	strace $0x9FFFFFFF  }
0xc2: {  	(tm) =	ssettm $0x7FFFFFFF  }
0xc3: {  	_ =	shalt  }
tec
execute0_lowered:
.L_overlay_start_1:
0x0: {  	(tag) =	ssettag $0x1  }
0x1: {  	s0 =	rddreg [dreg:$0x0]  }
0x2: {  	s2 =	rddreg [dreg:$0x1];
	s3 =	simm.s32 $0x0;
	s9 =	stileid.u32  }
0x3: {  	s1 =	srdreg.scid;
	s16 =	simm.s32 $0x2;
	s17 =	simm.s32 $0x80  }
0x4: {  	s31 =	simm.s32 $0xC600;
	s18 =	simm.s32 $0xE600;
	s19 =	simm.s32 $0x1  }
0x5: {  	s20 =	simm.s32 $0x3;
	s21 =	simm.s32 $0x0;
	[smem:$0x7FF] =	sst s3  }
0x6: {  	s29 =	smul.u32 $0x5000, s9;
	s1 =	sand.u32 $0x1, s1;
	s4 =	sadd.s32 $0x2000, s0  }
0x7: {  	s11 =	sadd.s32 $0x15E00, s0;
	s12 =	sadd.s32 $0xC000, s0;
	s30 =	smul.u32 $0x47, s9  }
0x8: {  	p1 =	seq.s32 s9, $0xF;
	s10 =	smul.u32 $0x560, s9;
	p6 =	sne.s32 s9, $0xF  }
0x9: {  	_ =	strace $0x8000004D;
	s5 =	smul.u32 $0x50000, s1;
	s7 =	ssub.s32 $0x2, s1  }
0xa: {  	p0 =	seq.s32 s1, $0x0;
	p2 =	seq.s32 s1, $0x1;
	s6 =	sshrl.u32 s29, $0x3  }
0xb: {  	s8 =	sshrl.u32 s7, $0x1;
	s13 =	sadd.s32 $0x560, s30;
	s3 =	sadd.s32 s29, s2  }
0xc: {  	s5 =	sadd.s32 s29, s5;
	s6 =	sadd.s32 s6, s0;
	s14 =	ssub.s32 s7, s8  }
0xd: {  	s8 =	smul.u32 $0x56, s9;
	s7 =	sshll.u32 s9, $0x6;
	s9 =	sadd.s32 s11, s10  }
0xe: {  	s10 =	sadd.s32 s12, s10;
	s15 =	sshrl.u32 s3, $0x3;
	s3 =	simm.s32 $0x480  }
0xf: {  	s5 =	sshrl.u32 s5, $0x3;
	s6 =	sadd.s32 $0x1FC00, s6;
	s14 =	smax.u32 s14, $0x1  }
0x10: {  	s0 =	sadd.s32 s5, s0;
	s5 =	simm.s32 $0x3B;
	s13 =	smov.u32 @p0 s8  }
0x11: {  	s8 =	sor.u32 $0x1C02, s7;
	s5 =	simm.s32 @!p1 $0x47;
	p1 =	por !p1, !p2  }
0x12: {  	s13 =	sshll.u32 s13, $0x4;
	s5 =	simm.s32 @p0 $0x56;
	p0 =	por !p6, !p2  }
0x13: {  	p2 =	por !p1, !p1;
	s11 =	sadd.s32 s11, s13;
	s12 =	sadd.s32 s12, s13  }
0x14: {  	s13 =	sadd.s32 $0x29C00, s0;
	p1 =	sne.s32 s1, $0x0;
	p0 =	por !p0, !p0  }
0x15: {  	s0 =	simm.s32 $0x400;
	s1 =	simm.s32 $0xD600;
	p2 =	por !p2, p0  }
.LBB2_1:
0x16: {  	[spmem:s15], [sflag:s8] =	dma.local [hbm:s6], $0xA00  }
0x17: {  	s22 =	simm.s32 @!p1 $0x0  }
0x18: {  	[tilespmem:s22], [sflag:$0x1] =	stream.linear.gather @!p1 [hbm4b:s9+s22], $0x2B00, $0x38;
	[tilespmem:$0x1E600] =	vst v63  }
0x19: {  	s23 =	simm.s32 @!p1 $0x2B00  }
0x1a: {  	[tilespmem:s23], [sflag:$0x1] =	stream.linear.gather @!p1 [hbm4b:s10+s22], $0x2B00, $0x38;
	[tilespmem:$0x1E600] =	vst v63  }
0x1b: {  	s22 =	simm.s32 @!p2 $0x0  }
0x1c: {  	[tilespmem:s22], [sflag:$0x1] =	stream.linear.gather @!p2 [hbm4b:s11+s22], $0x1D80, $0x38;
	[tilespmem:$0x1E600] =	vst v63  }
0x1d: {  	s23 =	simm.s32 @!p2 $0x2B00  }
0x1e: {  	[tilespmem:s23], [sflag:$0x1] =	stream.linear.gather @!p2 [hbm4b:s12+s22], $0x1D80, $0x38;
	[tilespmem:$0x1E600] =	vst v63  }
0x1f: {  	s22 =	simm.s32 @p0 $0x0  }
0x20: {  	[tilespmem:s22], [sflag:$0x1] =	stream.linear.gather @p0 [hbm4b:s11+s22], $0x2380, $0x38;
	[tilespmem:$0x1E600] =	vst v63  }
0x21: {  	s23 =	simm.s32 @p0 $0x2B00  }
0x22: {  	[tilespmem:s23], [sflag:$0x1] =	stream.linear.gather @p0 [hbm4b:s12+s22], $0x2380, $0x38;
	[tilespmem:$0x1E600] =	vst v63  }
0x23: {  	_ =	swait.ge [sflag:s16], $0xA00  }
0x24: {  	[sflag:s16] =	ssyncset.done $0x0  }
0x25: {  	s22 =	simm.s32 @!p1 $0x1;
	[sflag:s16] =	ssyncadd.s32 $0xFFFFF600  }
0x26: {  	_ =	swait.ge @!p1 [sflag:s22], $0x2B00  }
0x27: {  	[sflag:s22] =	ssyncset.done @!p1 $0x0  }
0x28: {  	[sflag:s22] =	ssyncadd.s32 @!p1 $0xFFFFD500  }
0x29: {  	_ =	swait.ge @!p1 [sflag:s22], $0x2B00  }
0x2a: {  	[sflag:s22] =	ssyncset.done @!p1 $0x0  }
0x2b: {  	[sflag:s22] =	ssyncadd.s32 @!p1 $0xFFFFD500;
	s22 =	simm.s32 @p0 $0x1  }
0x2c: {  	_ =	swait.ge @p0 [sflag:s22], $0x2380  }
0x2d: {  	[sflag:s22] =	ssyncset.done @p0 $0x0  }
0x2e: {  	p3 =	por @!p0 $0x0, $0x0;
	p4 =	por @!p2 $0x1, $0x1;
	[sflag:s22] =	ssyncadd.s32 @p0 $0xFFFFDC80  }
0x2f: {  	p3 =	por @!p2 p4, p4;
	p4 =	por @p0 $0x0, $0x0;
	_ =	swait.ge @p0 [sflag:s22], $0x2380  }
0x30: {  	p4 =	por @!p0 p3, p3;
	[sflag:s22] =	ssyncset.done @p0 $0x0  }
0x31: {  	[sflag:s22] =	ssyncadd.s32 @p0 $0xFFFFDC80;
	s22 =	simm.s32 @p4 $0x1  }
0x32: {  	_ =	swait.ge @p4 [sflag:s22], $0x1D80  }
0x33: {  	[sflag:s22] =	ssyncset.done @p4 $0x0  }
0x34: {  	[sflag:s22] =	ssyncadd.s32 @p4 $0xFFFFE280  }
0x35: {  	_ =	swait.ge @p4 [sflag:s22], $0x1D80  }
0x36: {  	[sflag:s22] =	ssyncset.done @p4 $0x0  }
0x37: {  	[sflag:s22] =	ssyncadd.s32 @p4 $0xFFFFE280  }
0x38: {  	s26 =	simm.s32 $0x0;
	s22 =	simm.s32 $0x5600;
	[bflag:$0x0] =	sbarrier.arrive $0xFFFF  }
0x39: {  	[tilespmem:s22], [sflag:$0x1] =	stream.indirect.gather [hbm4b:s4+s17], $0x20, s26, s17, $0xb8;
	[tilespmem:$0x1E600] =	vst v63  }
0x3a: {  	s29 =	simm.s32 $0x6600  }
0x3b: {  	[tilespmem:s29], [sflag:$0x1] =	stream.indirect.gather [hbm4b:s4+s17], $0x20, s17, s17, $0xb8;
	[tilespmem:$0x1E600] =	vst v63  }
0x3c: {  	s30 =	simm.s32 $0x100;
	s24 =	simm.s32 $0x7600  }
0x3d: {  	[tilespmem:s24], [sflag:$0x1] =	stream.indirect.gather [hbm4b:s4+s17], $0x20, s30, s17, $0xb8;
	[tilespmem:$0x1E600] =	vst v63  }
0x3e: {  	s25 =	simm.s32 $0x180;
	s26 =	simm.s32 $0x8600  }
0x3f: {  	[tilespmem:s26], [sflag:$0x1] =	stream.indirect.gather [hbm4b:s4+s17], $0x20, s25, s17, $0xb8;
	[tilespmem:$0x1E600] =	vst v63  }
0x40: {  	s29 =	simm.s32 $0x200;
	s30 =	simm.s32 $0x9600  }
0x41: {  	[tilespmem:s30], [sflag:$0x1] =	stream.indirect.gather [hbm4b:s4+s17], $0x20, s29, s17, $0xb8;
	[tilespmem:$0x1E600] =	vst v63  }
0x42: {  	s24 =	simm.s32 $0x280;
	s25 =	simm.s32 $0xA600  }
0x43: {  	[tilespmem:s25], [sflag:$0x1] =	stream.indirect.gather [hbm4b:s4+s17], $0x20, s24, s17, $0xb8;
	[tilespmem:$0x1E600] =	vst v63  }
0x44: {  	s26 =	simm.s32 $0x300;
	s29 =	simm.s32 $0xB600  }
0x45: {  	[tilespmem:s29], [sflag:$0x1] =	stream.indirect.gather [hbm4b:s4+s17], $0x20, s26, s17, $0xb8;
	[tilespmem:$0x1E600] =	vst v63  }
0x46: {  	s30 =	simm.s32 $0x380  }
0x47: {  	[tilespmem:s31], [sflag:$0x1] =	stream.indirect.gather [hbm4b:s4+s17], $0x20, s30, s17, $0xb8;
	[tilespmem:$0x1E600] =	vst v63  }
0x48: {  	s28 =	simm.s32 $0x0;
	s23 =	simm.s32 $0xF600  }
0x49: {  	[tilespmem:s1], [sflag:$0x1] =	stream.indirect.gather [hbm4b:s4+s17], $0x20, s0, s17, $0xb8;
	[tilespmem:$0x1E600] =	vst v63  }
0x4a: {  	s24 =	simm.s32 $0xA;
	s25 =	simm.s32 $0x500;
	s26 =	simm.s32 $0x2B00  }
0x4b: {  	[tilespmem:s18], [sflag:$0x1] =	stream.indirect.gather [hbm4b:s4+s17], $0x20, s3, s17, $0xb8;
	[tilespmem:$0x1E600] =	vst v63  }
.LBB2_2:
0x4c: {  	s29 =	smulhi.u32 $0xCCCCCCCD, s28;
	_ =	sdelay $0x1  }
0x4d: {  	s29 =	sshrl.u32 s29, $0x4  }
0x4e: {  	s29 =	smul.u32 $0xFFFB0000, s29  }
0x4f: {  	_ =	swait.ge [sflag:s19], $0x1000;
	s30 =	smulhi.u32 $0xCCCCCCCD, s24  }
0x50: {  	p3 =	slt.u32 s28, $0xA;
	[sflag:s19] =	ssyncset.done $0x0;
	s29 =	sshra.s32 s29, $0x2  }
0x51: {  	[sflag:s19] =	ssyncadd.s32 $0xFFFFF000;
	s30 =	sshrl.u32 s30, $0x4;
	s29 =	sadd.s32 s29, s22  }
0x52: {  	[spmem:s2] =	stream.indirect.scatter.add.f32 [tilespmem:s29], [sflag:$0x2], $0x20, s26, s17, $0xb8;
	[tilespmem:$0x1E600] =	vst v63  }
0x53: {  	s29 =	smul.u32 $0xFFFB0000, s30;
	s30 =	simm.s32 @!p3 $0x2  }
0x54: {  	s28 =	sadd.s32 $0xA, s28;
	_ =	swait.ge @!p3 [sflag:s30], $0x1000  }
0x55: {  	p4 =	sge.u32 s28, s5;
	s28 =	sadd.s32 $0xFFFFFFF7, s28;
	[sflag:s30] =	ssyncset.done @!p3 $0x0  }
0x56: {  	[sflag:s30] =	ssyncadd.s32 @!p3 $0xFFFFF000;
	p3 =	sne.s32 s28, s5  }
.Ltmp0:
0x57: {  	_ = 	snop;
	(pc) =	sbr.rel @p3 .LBB2_2-.Ltmp0, $4  }
0x58: {  	s24 =	sadd.s32 $0x1, s24;
	s29 =	sshra.s32 s29, $0x2  }
0x59: {  	s22 =	sadd.s32 $0x1000, s22;
	s29 =	sadd.s32 s29, s23;
	s30 =	simm.s32 @!p4 $0x80  }
0x5a: {  	[tilespmem:s29], [sflag:$0x1] =	stream.indirect.gather @!p4 [hbm4b:s4+s30], $0x20, s25, s30, $0xb8;
	[tilespmem:$0x1E600] =	vst v63  }
0x5b: {  	s26 =	sadd.s32 $0x80, s26;
	s23 =	sadd.s32 $0x1000, s23;
	s25 =	sadd.s32 $0x80, s25  }
0x5c: {  	_ =	swait.ge [sflag:s16], $0x1000  }
0x5d: {  	[sflag:s16] =	ssyncset.done $0x0  }
0x5e: {  	[sflag:s16] =	ssyncadd.s32 $0xFFFFF000  }
0x5f: {  	_ =	swait.ge [sflag:s16], $0x1000  }
0x60: {  	[sflag:s16] =	ssyncset.done $0x0  }
0x61: {  	[sflag:s16] =	ssyncadd.s32 $0xFFFFF000  }
0x62: {  	_ =	swait.ge [sflag:s16], $0x1000  }
0x63: {  	[sflag:s16] =	ssyncset.done $0x0  }
0x64: {  	[sflag:s16] =	ssyncadd.s32 $0xFFFFF000  }
0x65: {  	_ =	swait.ge [sflag:s16], $0x1000  }
0x66: {  	[sflag:s16] =	ssyncset.done $0x0  }
0x67: {  	[sflag:s16] =	ssyncadd.s32 $0xFFFFF000  }
0x68: {  	_ =	swait.ge [sflag:s16], $0x1000  }
0x69: {  	[sflag:s16] =	ssyncset.done $0x0  }
0x6a: {  	[sflag:s16] =	ssyncadd.s32 $0xFFFFF000  }
0x6b: {  	_ =	swait.ge [sflag:s16], $0x1000  }
0x6c: {  	[sflag:s16] =	ssyncset.done $0x0  }
0x6d: {  	[sflag:s16] =	ssyncadd.s32 $0xFFFFF000  }
0x6e: {  	_ =	swait.ge [sflag:s16], $0x1000  }
0x6f: {  	[sflag:s16] =	ssyncset.done $0x0  }
0x70: {  	[sflag:s16] =	ssyncadd.s32 $0xFFFFF000  }
0x71: {  	_ =	swait.ge [sflag:s16], $0x1000  }
0x72: {  	[sflag:s16] =	ssyncset.done $0x0  }
0x73: {  	[sflag:s16] =	ssyncadd.s32 $0xFFFFF000  }
0x74: {  	_ =	swait.ge [sflag:s16], $0x1000  }
0x75: {  	[sflag:s16] =	ssyncset.done $0x0  }
0x76: {  	[sflag:s16] =	ssyncadd.s32 $0xFFFFF000  }
0x77: {  	_ =	swait.ge [sflag:s16], $0x1000  }
0x78: {  	s21 =	sadd.s32 $0x1, s21;
	[sflag:s16] =	ssyncset.done $0x0  }
0x79: {  	p3 =	sne.s32 s21, s14;
	[sflag:s16] =	ssyncadd.s32 $0xFFFFF000  }
.Ltmp1:
0x7a: {  	s22 =	sor.u32 $0x1C03, s7;
	[bflag:$0x0] =	sbarrier.arrive $0xFFFF;
	(pc) =	sbr.rel @p3 .LBB2_1-.Ltmp1, $4  }
0x7b: {  	[hbm:s13], [sflag:s22] =	dma.local [spmem:s15], $0xA00  }
0x7c: {  	_ =	swait.ge [sflag:s20], $0xA00  }
0x7d: {  	[sflag:s20] =	ssyncset.done $0x0  }
0x7e: {  	[sflag:s20] =	ssyncadd.s32 $0xFFFFF600  }
0x7f: {  	_ =	sfence.sel $0x180000  }
0x80: {  	[bflag:$0x0] =	sbarrier.arrive $0xFFFF  }
0x81: {  	_ =	strace $0x9000004D  }
0x82: {  	s0 =	stileid.u32;
	[bflag:$0x2] =	sbarrier.arrive $0xFFFF  }
0x83: {  	p0 =	sne.s32 s0, $0x0;
	s0 =	rddreg [dreg:$0x2]  }
0x84: {  	s0 =	sadd.s32 @!p0 $0x100000, s0  }
0x85: {  	[sflag:s0] =	ssyncadd.tile.s32 @!p0 $0x1;
	_ =	shalt  }
.Lfunc_end2:
_tile_overlayer_lowered:
.L_overlay_start_2:
0x86: {  	(tag) =	ssettag $0x2  }
0x87: {  	s0 =	rddreg [dreg:$0x0];
	s2 =	stileid.u32  }
0x88: {  	s1 =	rddreg [dreg:$0x1];
	p0 =	sne.s32 s2, $0x0  }
0x89: {  	s3 =	rddreg [dreg:$0x2];
	[bflag:$0x3] =	sbarrier.arrive $0xFFFF;
	s2 =	simm.s32 @!p0 $0x1C03  }
0x8a: {  	[timem:s3], [sflag:s2] =	dma.local @!p0 [hbm:s0], s1  }
0x8b: {  	s0 =	simm.s32 @!p0 $0x3  }
0x8c: {  	_ =	swait.ge @!p0 [sflag:s0], s1  }
0x8d: {  	s1 =	ssub.s32 @!p0 $0x0, s1;
	[sflag:s0] =	ssyncset.done @!p0 $0x0  }
0x8e: {  	[sflag:s0] =	ssyncadd.s32 @!p0 s1  }
0x8f: {  	[bflag:$0x3] =	sbarrier.arrive $0xFFFF  }
0x90: {  	_ =	shalt  }

// kernel: kernel.9.cloned.1.call-start
scs
__scs_entry_jumppad:
0x0: {  	(pc) =	sbr.rel $0x88, $3  }
0x1: {  	(tag) =	ssettag $0x0;
	lr =	simm.s32 $0x1  }
0x2: {  	[smem:$0x3F94] =	sst lr;
	_ =	strace $0xD0000000  }
0x3: {  	_ = 	snop  }
0x4: {  	_ = 	snop  }
0x5: {  	_ = 	snop  }
0x6: {  	_ = 	snop  }
0x7: {  	_ = 	snop  }
__scs_overlays_trampoline_lowered:
0x8: {  	[smem:$0x3FA3] =	sst s0  }
0x9: {  	[smem:$0x3FA4] =	sst s1  }
0xa: {  	[smem:$0x3FA5] =	sst s2  }
0xb: {  	[smem:$0x3FA6] =	sst s3  }
0xc: {  	[smem:$0x3FA7] =	sst s4  }
0xd: {  	[smem:$0x3FA8] =	sst s5  }
0xe: {  	[smem:$0x3FA9] =	sst s6  }
0xf: {  	[smem:$0x3FAA] =	sst s7  }
0x10: {  	[smem:$0x3FAB] =	sst s8  }
0x11: {  	[smem:$0x3FAC] =	sst s9;
	s0 =	simm.s32 @!p0 $0x0  }
0x12: {  	s1 =	sld [smem:$0x3F92];
	s0 =	simm.s32 @p0 $0x1  }
0x13: {  	[smem:$0x3FAD] =	sst s0;
	s0 =	simm.s32 @!p1 $0x0  }
0x14: {  	s2 =	sld [smem:$0x3F91];
	s0 =	simm.s32 @p1 $0x1  }
0x15: {  	[smem:$0x3FAE] =	sst s0;
	s0 =	simm.s32 @!p2 $0x0  }
0x16: {  	s3 =	sld [smem:$0x3FDB];
	s0 =	simm.s32 @p2 $0x1  }
0x17: {  	s4 =	simm.s32 $0x1BF5;
	[smem:$0x3FB0] =	sst s0  }
0x18: {  	s0 =	sld [smem:$0x3F93];
	_ =	swait.ge [sflag:s4], $0x0  }
0x19: {  	s7 =	sld [smem:$0x3F94]  }
0x1a: {  	s8 =	sadd.s32 $0xFFFFE003, lr  }
0x1b: {  	s9 =	sadd.s32 $0xFFFFFEF7, lr;
	s5 =	simm.s32 $0xFFFFFFFF;
	p2 =	slt.u32 s8, $0xFFFFF086  }
0x1c: {  	p1 =	slt.u32 s9, $0xF7A;
	s5 =	simm.s32 @!p2 $0x0  }
0x1d: {  	s5 =	simm.s32 @p1 $0x1;
	p0 =	seq.s32 s7, s2  }
0x1e: {  	s7 =	smul.u32 @!p0 $0xF7A, s2;
	p2 =	seq.s32 @!p0 s5, $0x0  }
0x1f: {  	s9 =	smul.u32 $0xF7A, s1;
	s8 =	simm.s32 @!p0 $0x1BF5;
	p2 =	por !p2, p0  }
0x20: {  	[sflag:s8] =	ssyncset.s32 @!p0 $0xFFFFF086;
	s6 =	sadd.s32 @!p0 s3, s7;
	s7 =	simm.s32 @!p0 $0x108  }
0x21: {  	s3 =	sadd.s32 s3, s9;
	s6 =	sadd.s32 @!p0 $0x88, s6;
	s7 =	simm.s32 @p2 $0x1082  }
0x22: {  	[simem:s7], [sflag:s8] =	dma.local @!p0 [hbm:s6], $0xF7A  }
0x23: {  	s9 =	sor.u32 $0xD0000000, s2;
	s6 =	simm.s32 $0x108;
	_ =	swait.ge @!p0 [sflag:s8], $0x0  }
0x24: {  	s3 =	sadd.s32 $0x88, s3;
	s6 =	simm.s32 @!p1 $0x1082;
	[sflag:s4] =	ssyncset.s32 $0xFFFFF086  }
0x25: {  	[simem:s6], [sflag:s4] =	dma.local [hbm:s3], $0xF7A  }
0x26: {  	[smem:$0x3F94] =	sst s1;
	(tag) =	ssettag s2;
	_ =	strace s9  }
0x27: {  	s1 =	sld [smem:$0x3FA4]  }
0x28: {  	s2 =	sld [smem:$0x3FA5]  }
0x29: {  	s4 =	sld [smem:$0x3FA7]  }
0x2a: {  	p0 =	seq.s32 s5, $0x0;
	s5 =	sld [smem:$0x3FA8]  }
0x2b: {  	s6 =	sld [smem:$0x3FA9]  }
0x2c: {  	s7 =	sld [smem:$0x3FAA]  }
0x2d: {  	s3 =	simm.s32 $0x108;
	s8 =	sld [smem:$0x3FAB]  }
0x2e: {  	s3 =	simm.s32 @!p0 $0x1082;
	s9 =	sld [smem:$0x3FAC]  }
0x2f: {  	lr =	sadd.s32 s0, s3;
	s0 =	sld [smem:$0x3FA3]  }
0x30: {  	s3 =	sld [smem:$0x3FA6]  }
0x31: {  	[smem:$0x3FAF] =	sst s10  }
0x32: {  	s10 =	sld [smem:$0x3FAD];
	_ =	sdelay $0x3  }
0x33: {  	p0 =	seq.s32 s10, $0x1;
	s10 =	sld [smem:$0x3FAF];
	_ =	sdelay $0x3  }
0x34: {  	[smem:$0x3FAF] =	sst s10  }
0x35: {  	s10 =	sld [smem:$0x3FAE];
	_ =	sdelay $0x3  }
0x36: {  	p1 =	seq.s32 s10, $0x1;
	s10 =	sld [smem:$0x3FAF];
	_ =	sdelay $0x3  }
0x37: {  	[smem:$0x3FAF] =	sst s10  }
0x38: {  	s10 =	sld [smem:$0x3FB0]  }
0x39: {  	_ = 	snop;
	(pc) =	sbr.ind lr, $3  }
0x3a: {  	_ = 	snop  }
0x3b: {  	_ = 	snop  }
0x3c: {  	p2 =	seq.s32 s10, $0x1;
	s10 =	sld [smem:$0x3FAF]  }
0x3d: {  	_ =	shalt  }
0x3e: {  	_ =	shalt  }
0x3f: {  	_ =	shalt  }
0x40: {  	_ =	shalt  }
0x41: {  	_ =	shalt  }
0x42: {  	_ =	shalt  }
0x43: {  	_ =	shalt  }
0x44: {  	_ =	shalt  }
0x45: {  	_ =	shalt  }
0x46: {  	_ =	shalt  }
0x47: {  	_ =	shalt  }
0x48: {  	_ =	shalt  }
0x49: {  	_ =	shalt  }
0x4a: {  	_ =	shalt  }
0x4b: {  	_ =	shalt  }
0x4c: {  	_ =	shalt  }
0x4d: {  	_ =	shalt  }
0x4e: {  	_ =	shalt  }
0x4f: {  	_ =	shalt  }
0x50: {  	_ =	shalt  }
0x51: {  	_ =	shalt  }
0x52: {  	_ =	shalt  }
0x53: {  	_ =	shalt  }
0x54: {  	_ =	shalt  }
0x55: {  	_ =	shalt  }
0x56: {  	_ =	shalt  }
0x57: {  	_ =	shalt  }
0x58: {  	_ =	shalt  }
0x59: {  	_ =	shalt  }
0x5a: {  	_ =	shalt  }
0x5b: {  	_ =	shalt  }
0x5c: {  	_ =	shalt  }
0x5d: {  	_ =	shalt  }
0x5e: {  	_ =	shalt  }
0x5f: {  	_ =	shalt  }
0x60: {  	_ =	shalt  }
0x61: {  	_ =	shalt  }
0x62: {  	_ =	shalt  }
0x63: {  	_ =	shalt  }
0x64: {  	_ =	shalt  }
0x65: {  	_ =	shalt  }
0x66: {  	_ =	shalt  }
0x67: {  	_ =	shalt  }
0x68: {  	_ =	shalt  }
0x69: {  	_ =	shalt  }
0x6a: {  	_ =	shalt  }
0x6b: {  	_ =	shalt  }
0x6c: {  	_ =	shalt  }
0x6d: {  	_ =	shalt  }
0x6e: {  	_ =	shalt  }
0x6f: {  	_ =	shalt  }
0x70: {  	_ =	shalt  }
0x71: {  	_ =	shalt  }
0x72: {  	_ =	shalt  }
0x73: {  	_ =	shalt  }
0x74: {  	_ =	shalt  }
0x75: {  	_ =	shalt  }
0x76: {  	_ =	shalt  }
0x77: {  	_ =	shalt  }
0x78: {  	_ =	shalt  }
0x79: {  	_ =	shalt  }
0x7a: {  	_ =	shalt  }
0x7b: {  	_ =	shalt  }
0x7c: {  	_ =	shalt  }
0x7d: {  	_ =	shalt  }
0x7e: {  	_ =	shalt  }
0x7f: {  	_ =	shalt  }
0x80: {  	_ =	shalt  }
0x81: {  	_ =	shalt  }
0x82: {  	_ =	shalt  }
0x83: {  	_ =	shalt  }
0x84: {  	_ =	shalt  }
0x85: {  	_ =	shalt  }
0x86: {  	_ =	shalt  }
0x87: {  	_ =	shalt  }
.Lfunc_end0:
.L_simem_size_0:
called_computation_lowered:
.L_overlay_start_0:
0x88: {  	s2 =	sld [smem:$0x3FD9]  }
0x89: {  	s3 =	sld [smem:$0x3FFE];
	_ =	sdelay $0x1  }
0x8a: {  	s1 =	srdreg.scid  }
0x8b: {  	s0 =	sand.u32 $0x1, s1  }
0x8c: {  	s16 =	sshll.u32 s0, $0xA;
	s2 =	sadd.s32 s3, s2  }
0x8d: {  	s2 =	sadd.s32 s2, s16  }
0x8e: {  	[smem:$0x3FBB] =	sst s2  }
0x8f: {  	_ = 	snop  }
0x90: {  	(tm) =	ssettm $0x1  }
0x91: {  	s17 =	sld [smem:$0x3FFB];
	_ =	sdelay $0x3  }
0x92: {  	_ =	strace s17  }
0x93: {  	s2 =	sld [smem:$0x3FFC];
	_ =	sdelay $0x3  }
0x94: {  	_ =	strace s2  }
0x95: {  	s2 =	sld [smem:$0x3FFD];
	_ =	sdelay $0x3  }
0x96: {  	_ =	strace s2  }
0x97: {  	_ =	strace $0x8FFFFFFF  }
0x98: {  	s18 =	sld [smem:$0x3FDB];
	_ =	sdelay $0x1  }
0x99: {  	s19 =	simm.s32 $_scs_section_size  }
0x9a: {  	s4 =	simm.s32 $_size__tile_overlayer_lowered;
	s5 =	simm.s32 $_tile_overlayer_lowered  }
0x9b: {  	s22 =	simm.s32 $0x1BFF;
	s21 =	sshll.u32 s5, $0x1;
	s2 =	sadd.s32 s19, s18  }
0x9c: {  	s6 =	simm.s32 $0x0;
	s20 =	sshll.u32 s4, $0x1;
	s4 =	sadd.s32 s21, s2  }
0x9d: {  	[timem:s6], [sflag:s22] =	dma.local [hbm:s4], s20  }
0x9e: {  	_ =	swait.ge [sflag:s22], s20  }
0x9f: {  	s3 =	ssub.s32 $0x0, s20;
	[sflag:s22] =	ssyncset.done $0x0  }
0xa0: {  	[sflag:s22] =	ssyncadd.s32 s3;
	_ =	sdelay $0x1  }
0xa1: {  	s23 =	simm.s32 $0x1B8B  }
0xa2: {  	_ =	swait.ge [sflag:s23], $0x1  }
0xa3: {  	[sflag:s23] =	ssyncset.done $0x0  }
0xa4: {  	s25 =	simm.s32 $0x1B8E;
	s24 =	sld [smem:$0x3FFE];
	[sflag:s23] =	ssyncadd.s32 $0xFFFFFFFF  }
0xa5: {  	s26 =	simm.s32 $execute0_lowered;
	[smem:$0x3FD2] =	sst s25  }
0xa6: {  	s4 =	sshll.u32 s26, $0x1;
	_ =	strace $0x80000046;
	[dreg:$0x1] =	wrdreg $0xFFFFFFFF  }
0xa7: {  	s28 =	simm.s32 $_size_execute0_lowered;
	s2 =	sadd.s32 s2, s4;
	[dreg:$0x0] =	wrdreg $0x0  }
0xa8: {  	s4 =	sshll.u32 s28, $0x1;
	[dreg:$0x2] =	wrdreg s2  }
0xa9: {  	[dreg:$0x3] =	wrdreg s4  }
0xaa: {  	[dreg:$0x4] =	wrdreg $0xC0  }
0xab: {  	_ =	task [dreg:s6], $0x5FFFF  }
0xac: {  	[dreg:$0x1] =	wrdreg $0xFFFFFFFF  }
0xad: {  	[dreg:$0x0] =	wrdreg $0x60  }
0xae: {  	[dreg:$0x2] =	wrdreg s24  }
0xaf: {  	[dreg:$0x3] =	wrdreg $0x196000  }
0xb0: {  	[dreg:$0x4] =	wrdreg $0x9  }
0xb1: {  	_ =	task.clear_ibuf [dreg:s6], $0x5FFFF;
	_ =	strace $0x90000046  }
0xb2: {  	s29 =	simm.s32 $0x9;
	_ =	strace $0x80000048  }
0xb3: {  	_ =	swait.ge [sflag:s29], $0x1  }
0xb4: {  	[sflag:s29] =	ssyncadd.s32 $0xFFFFFFFF  }
0xb5: {  	_ =	strace $0x90000048  }
0xb6: {  	_ =	sfence  }
0xb7: {  	s30 =	sld [smem:$0x0];
	_ =	sdelay $0x2  }
0xb8: {  	s31 =	sshll.u32 s1, $0xD;
	s1 =	sshrl.u32 s1, $0x2  }
0xb9: {  	s3 =	sand.u32 $0x4000, s31;
	s1 =	sadd.s32 s1, s30  }
0xba: {  	s0 =	sor.u32 s3, s0;
	s1 =	sshll.u32 s1, $0x11  }
0xbb: {  	s0 =	sor.u32 s1, s0  }
0xbc: {  	s0 =	sadd.s32 $0x8F2B, s0  }
0xbd: {  	[sflag:s0] =	ssyncadd.remote.s32 $0x1  }
0xbe: {  	_ =	sfence.sel $0xFFFF  }
0xbf: {  	[dreg:$0x0] =	wrdreg $0xFFFFFFFF;
	(pc) =	sbr.abs _section_cstart, $3  }
0xc0: {  	[dreg:$0x1] =	wrdreg $0xFFFFFFFF  }
0xc1: {  	_ =	task.clear_ibuf [dreg:s6], $0x2FFFF;
	_ =	strace $0x9FFFFFFF  }
0xc2: {  	(tm) =	ssettm $0x7FFFFFFF  }
0xc3: {  	_ =	shalt  }
tec
execute0_lowered:
.L_overlay_start_1:
0x0: {  	(tag) =	ssettag $0x1  }
0x1: {  	s0 =	rddreg [dreg:$0x0]  }
0x2: {  	s2 =	rddreg [dreg:$0x1];
	s3 =	simm.s32 $0x0;
	s9 =	stileid.u32  }
0x3: {  	s1 =	srdreg.scid;
	s16 =	simm.s32 $0x2;
	s17 =	simm.s32 $0x80  }
0x4: {  	s31 =	simm.s32 $0xC600;
	s18 =	simm.s32 $0xE600;
	s19 =	simm.s32 $0x1  }
0x5: {  	s20 =	simm.s32 $0x3;
	s21 =	simm.s32 $0x0;
	[smem:$0x7FF] =	sst s3  }
0x6: {  	s29 =	smul.u32 $0x5000, s9;
	s1 =	sand.u32 $0x1, s1;
	s4 =	sadd.s32 $0x2000, s0  }
0x7: {  	s11 =	sadd.s32 $0x15E00, s0;
	s12 =	sadd.s32 $0xC000, s0;
	s30 =	smul.u32 $0x47, s9  }
0x8: {  	p1 =	seq.s32 s9, $0xF;
	s10 =	smul.u32 $0x560, s9;
	p6 =	sne.s32 s9, $0xF  }
0x9: {  	_ =	strace $0x80000047;
	s5 =	smul.u32 $0x50000, s1;
	s7 =	ssub.s32 $0x2, s1  }
0xa: {  	p0 =	seq.s32 s1, $0x0;
	p2 =	seq.s32 s1, $0x1;
	s6 =	sshrl.u32 s29, $0x3  }
0xb: {  	s8 =	sshrl.u32 s7, $0x1;
	s13 =	sadd.s32 $0x560, s30;
	s3 =	sadd.s32 s29, s2  }
0xc: {  	s5 =	sadd.s32 s29, s5;
	s6 =	sadd.s32 s6, s0;
	s14 =	ssub.s32 s7, s8  }
0xd: {  	s8 =	smul.u32 $0x56, s9;
	s7 =	sshll.u32 s9, $0x6;
	s9 =	sadd.s32 s11, s10  }
0xe: {  	s10 =	sadd.s32 s12, s10;
	s15 =	sshrl.u32 s3, $0x3;
	s3 =	simm.s32 $0x480  }
0xf: {  	s5 =	sshrl.u32 s5, $0x3;
	s6 =	sadd.s32 $0x1FC00, s6;
	s14 =	smax.u32 s14, $0x1  }
0x10: {  	s0 =	sadd.s32 s5, s0;
	s5 =	simm.s32 $0x3B;
	s13 =	smov.u32 @p0 s8  }
0x11: {  	s8 =	sor.u32 $0x1C02, s7;
	s5 =	simm.s32 @!p1 $0x47;
	p1 =	por !p1, !p2  }
0x12: {  	s13 =	sshll.u32 s13, $0x4;
	s5 =	simm.s32 @p0 $0x56;
	p0 =	por !p6, !p2  }
0x13: {  	p2 =	por !p1, !p1;
	s11 =	sadd.s32 s11, s13;
	s12 =	sadd.s32 s12, s13  }
0x14: {  	s13 =	sadd.s32 $0x29C00, s0;
	p1 =	sne.s32 s1, $0x0;
	p0 =	por !p0, !p0  }
0x15: {  	s0 =	simm.s32 $0x400;
	s1 =	simm.s32 $0xD600;
	p2 =	por !p2, p0  }
.LBB2_1:
0x16: {  	[spmem:s15], [sflag:s8] =	dma.local [hbm:s6], $0xA00  }
0x17: {  	s22 =	simm.s32 @!p1 $0x0  }
0x18: {  	[tilespmem:s22], [sflag:$0x1] =	stream.linear.gather @!p1 [hbm4b:s9+s22], $0x2B00, $0x38;
	[tilespmem:$0x1E600] =	vst v63  }
0x19: {  	s23 =	simm.s32 @!p1 $0x2B00  }
0x1a: {  	[tilespmem:s23], [sflag:$0x1] =	stream.linear.gather @!p1 [hbm4b:s10+s22], $0x2B00, $0x38;
	[tilespmem:$0x1E600] =	vst v63  }
0x1b: {  	s22 =	simm.s32 @!p2 $0x0  }
0x1c: {  	[tilespmem:s22], [sflag:$0x1] =	stream.linear.gather @!p2 [hbm4b:s11+s22], $0x1D80, $0x38;
	[tilespmem:$0x1E600] =	vst v63  }
0x1d: {  	s23 =	simm.s32 @!p2 $0x2B00  }
0x1e: {  	[tilespmem:s23], [sflag:$0x1] =	stream.linear.gather @!p2 [hbm4b:s12+s22], $0x1D80, $0x38;
	[tilespmem:$0x1E600] =	vst v63  }
0x1f: {  	s22 =	simm.s32 @p0 $0x0  }
0x20: {  	[tilespmem:s22], [sflag:$0x1] =	stream.linear.gather @p0 [hbm4b:s11+s22], $0x2380, $0x38;
	[tilespmem:$0x1E600] =	vst v63  }
0x21: {  	s23 =	simm.s32 @p0 $0x2B00  }
0x22: {  	[tilespmem:s23], [sflag:$0x1] =	stream.linear.gather @p0 [hbm4b:s12+s22], $0x2380, $0x38;
	[tilespmem:$0x1E600] =	vst v63  }
0x23: {  	_ =	swait.ge [sflag:s16], $0xA00  }
0x24: {  	[sflag:s16] =	ssyncset.done $0x0  }
0x25: {  	s22 =	simm.s32 @!p1 $0x1;
	[sflag:s16] =	ssyncadd.s32 $0xFFFFF600  }
0x26: {  	_ =	swait.ge @!p1 [sflag:s22], $0x2B00  }
0x27: {  	[sflag:s22] =	ssyncset.done @!p1 $0x0  }
0x28: {  	[sflag:s22] =	ssyncadd.s32 @!p1 $0xFFFFD500  }
0x29: {  	_ =	swait.ge @!p1 [sflag:s22], $0x2B00  }
0x2a: {  	[sflag:s22] =	ssyncset.done @!p1 $0x0  }
0x2b: {  	[sflag:s22] =	ssyncadd.s32 @!p1 $0xFFFFD500;
	s22 =	simm.s32 @p0 $0x1  }
0x2c: {  	_ =	swait.ge @p0 [sflag:s22], $0x2380  }
0x2d: {  	[sflag:s22] =	ssyncset.done @p0 $0x0  }
0x2e: {  	p3 =	por @!p0 $0x0, $0x0;
	p4 =	por @!p2 $0x1, $0x1;
	[sflag:s22] =	ssyncadd.s32 @p0 $0xFFFFDC80  }
0x2f: {  	p3 =	por @!p2 p4, p4;
	p4 =	por @p0 $0x0, $0x0;
	_ =	swait.ge @p0 [sflag:s22], $0x2380  }
0x30: {  	p4 =	por @!p0 p3, p3;
	[sflag:s22] =	ssyncset.done @p0 $0x0  }
0x31: {  	[sflag:s22] =	ssyncadd.s32 @p0 $0xFFFFDC80;
	s22 =	simm.s32 @p4 $0x1  }
0x32: {  	_ =	swait.ge @p4 [sflag:s22], $0x1D80  }
0x33: {  	[sflag:s22] =	ssyncset.done @p4 $0x0  }
0x34: {  	[sflag:s22] =	ssyncadd.s32 @p4 $0xFFFFE280  }
0x35: {  	_ =	swait.ge @p4 [sflag:s22], $0x1D80  }
0x36: {  	[sflag:s22] =	ssyncset.done @p4 $0x0  }
0x37: {  	[sflag:s22] =	ssyncadd.s32 @p4 $0xFFFFE280  }
0x38: {  	s26 =	simm.s32 $0x0;
	s22 =	simm.s32 $0x5600;
	[bflag:$0x0] =	sbarrier.arrive $0xFFFF  }
0x39: {  	[tilespmem:s22], [sflag:$0x1] =	stream.indirect.gather [hbm4b:s4+s17], $0x20, s26, s17, $0xb8;
	[tilespmem:$0x1E600] =	vst v63  }
0x3a: {  	s29 =	simm.s32 $0x6600  }
0x3b: {  	[tilespmem:s29], [sflag:$0x1] =	stream.indirect.gather [hbm4b:s4+s17], $0x20, s17, s17, $0xb8;
	[tilespmem:$0x1E600] =	vst v63  }
0x3c: {  	s30 =	simm.s32 $0x100;
	s24 =	simm.s32 $0x7600  }
0x3d: {  	[tilespmem:s24], [sflag:$0x1] =	stream.indirect.gather [hbm4b:s4+s17], $0x20, s30, s17, $0xb8;
	[tilespmem:$0x1E600] =	vst v63  }
0x3e: {  	s25 =	simm.s32 $0x180;
	s26 =	simm.s32 $0x8600  }
0x3f: {  	[tilespmem:s26], [sflag:$0x1] =	stream.indirect.gather [hbm4b:s4+s17], $0x20, s25, s17, $0xb8;
	[tilespmem:$0x1E600] =	vst v63  }
0x40: {  	s29 =	simm.s32 $0x200;
	s30 =	simm.s32 $0x9600  }
0x41: {  	[tilespmem:s30], [sflag:$0x1] =	stream.indirect.gather [hbm4b:s4+s17], $0x20, s29, s17, $0xb8;
	[tilespmem:$0x1E600] =	vst v63  }
0x42: {  	s24 =	simm.s32 $0x280;
	s25 =	simm.s32 $0xA600  }
0x43: {  	[tilespmem:s25], [sflag:$0x1] =	stream.indirect.gather [hbm4b:s4+s17], $0x20, s24, s17, $0xb8;
	[tilespmem:$0x1E600] =	vst v63  }
0x44: {  	s26 =	simm.s32 $0x300;
	s29 =	simm.s32 $0xB600  }
0x45: {  	[tilespmem:s29], [sflag:$0x1] =	stream.indirect.gather [hbm4b:s4+s17], $0x20, s26, s17, $0xb8;
	[tilespmem:$0x1E600] =	vst v63  }
0x46: {  	s30 =	simm.s32 $0x380  }
0x47: {  	[tilespmem:s31], [sflag:$0x1] =	stream.indirect.gather [hbm4b:s4+s17], $0x20, s30, s17, $0xb8;
	[tilespmem:$0x1E600] =	vst v63  }
0x48: {  	s28 =	simm.s32 $0x0;
	s23 =	simm.s32 $0xF600  }
0x49: {  	[tilespmem:s1], [sflag:$0x1] =	stream.indirect.gather [hbm4b:s4+s17], $0x20, s0, s17, $0xb8;
	[tilespmem:$0x1E600] =	vst v63  }
0x4a: {  	s24 =	simm.s32 $0xA;
	s25 =	simm.s32 $0x500;
	s26 =	simm.s32 $0x2B00  }
0x4b: {  	[tilespmem:s18], [sflag:$0x1] =	stream.indirect.gather [hbm4b:s4+s17], $0x20, s3, s17, $0xb8;
	[tilespmem:$0x1E600] =	vst v63  }
.LBB2_2:
0x4c: {  	s29 =	smulhi.u32 $0xCCCCCCCD, s28;
	_ =	sdelay $0x1  }
0x4d: {  	s29 =	sshrl.u32 s29, $0x4  }
0x4e: {  	s29 =	smul.u32 $0xFFFB0000, s29  }
0x4f: {  	_ =	swait.ge [sflag:s19], $0x1000;
	s30 =	smulhi.u32 $0xCCCCCCCD, s24  }
0x50: {  	p3 =	slt.u32 s28, $0xA;
	[sflag:s19] =	ssyncset.done $0x0;
	s29 =	sshra.s32 s29, $0x2  }
0x51: {  	[sflag:s19] =	ssyncadd.s32 $0xFFFFF000;
	s30 =	sshrl.u32 s30, $0x4;
	s29 =	sadd.s32 s29, s22  }
0x52: {  	[spmem:s2] =	stream.indirect.scatter.add.f32 [tilespmem:s29], [sflag:$0x2], $0x20, s26, s17, $0xb8;
	[tilespmem:$0x1E600] =	vst v63  }
0x53: {  	s29 =	smul.u32 $0xFFFB0000, s30;
	s30 =	simm.s32 @!p3 $0x2  }
0x54: {  	s28 =	sadd.s32 $0xA, s28;
	_ =	swait.ge @!p3 [sflag:s30], $0x1000  }
0x55: {  	p4 =	sge.u32 s28, s5;
	s28 =	sadd.s32 $0xFFFFFFF7, s28;
	[sflag:s30] =	ssyncset.done @!p3 $0x0  }
0x56: {  	[sflag:s30] =	ssyncadd.s32 @!p3 $0xFFFFF000;
	p3 =	sne.s32 s28, s5  }
.Ltmp0:
0x57: {  	_ = 	snop;
	(pc) =	sbr.rel @p3 .LBB2_2-.Ltmp0, $4  }
0x58: {  	s24 =	sadd.s32 $0x1, s24;
	s29 =	sshra.s32 s29, $0x2  }
0x59: {  	s22 =	sadd.s32 $0x1000, s22;
	s29 =	sadd.s32 s29, s23;
	s30 =	simm.s32 @!p4 $0x80  }
0x5a: {  	[tilespmem:s29], [sflag:$0x1] =	stream.indirect.gather @!p4 [hbm4b:s4+s30], $0x20, s25, s30, $0xb8;
	[tilespmem:$0x1E600] =	vst v63  }
0x5b: {  	s26 =	sadd.s32 $0x80, s26;
	s23 =	sadd.s32 $0x1000, s23;
	s25 =	sadd.s32 $0x80, s25  }
0x5c: {  	_ =	swait.ge [sflag:s16], $0x1000  }
0x5d: {  	[sflag:s16] =	ssyncset.done $0x0  }
0x5e: {  	[sflag:s16] =	ssyncadd.s32 $0xFFFFF000  }
0x5f: {  	_ =	swait.ge [sflag:s16], $0x1000  }
0x60: {  	[sflag:s16] =	ssyncset.done $0x0  }
0x61: {  	[sflag:s16] =	ssyncadd.s32 $0xFFFFF000  }
0x62: {  	_ =	swait.ge [sflag:s16], $0x1000  }
0x63: {  	[sflag:s16] =	ssyncset.done $0x0  }
0x64: {  	[sflag:s16] =	ssyncadd.s32 $0xFFFFF000  }
0x65: {  	_ =	swait.ge [sflag:s16], $0x1000  }
0x66: {  	[sflag:s16] =	ssyncset.done $0x0  }
0x67: {  	[sflag:s16] =	ssyncadd.s32 $0xFFFFF000  }
0x68: {  	_ =	swait.ge [sflag:s16], $0x1000  }
0x69: {  	[sflag:s16] =	ssyncset.done $0x0  }
0x6a: {  	[sflag:s16] =	ssyncadd.s32 $0xFFFFF000  }
0x6b: {  	_ =	swait.ge [sflag:s16], $0x1000  }
0x6c: {  	[sflag:s16] =	ssyncset.done $0x0  }
0x6d: {  	[sflag:s16] =	ssyncadd.s32 $0xFFFFF000  }
0x6e: {  	_ =	swait.ge [sflag:s16], $0x1000  }
0x6f: {  	[sflag:s16] =	ssyncset.done $0x0  }
0x70: {  	[sflag:s16] =	ssyncadd.s32 $0xFFFFF000  }
0x71: {  	_ =	swait.ge [sflag:s16], $0x1000  }
0x72: {  	[sflag:s16] =	ssyncset.done $0x0  }
0x73: {  	[sflag:s16] =	ssyncadd.s32 $0xFFFFF000  }
0x74: {  	_ =	swait.ge [sflag:s16], $0x1000  }
0x75: {  	[sflag:s16] =	ssyncset.done $0x0  }
0x76: {  	[sflag:s16] =	ssyncadd.s32 $0xFFFFF000  }
0x77: {  	_ =	swait.ge [sflag:s16], $0x1000  }
0x78: {  	s21 =	sadd.s32 $0x1, s21;
	[sflag:s16] =	ssyncset.done $0x0  }
0x79: {  	p3 =	sne.s32 s21, s14;
	[sflag:s16] =	ssyncadd.s32 $0xFFFFF000  }
.Ltmp1:
0x7a: {  	s22 =	sor.u32 $0x1C03, s7;
	[bflag:$0x0] =	sbarrier.arrive $0xFFFF;
	(pc) =	sbr.rel @p3 .LBB2_1-.Ltmp1, $4  }
0x7b: {  	[hbm:s13], [sflag:s22] =	dma.local [spmem:s15], $0xA00  }
0x7c: {  	_ =	swait.ge [sflag:s20], $0xA00  }
0x7d: {  	[sflag:s20] =	ssyncset.done $0x0  }
0x7e: {  	[sflag:s20] =	ssyncadd.s32 $0xFFFFF600  }
0x7f: {  	_ =	sfence.sel $0x180000  }
0x80: {  	[bflag:$0x0] =	sbarrier.arrive $0xFFFF  }
0x81: {  	_ =	strace $0x90000047  }
0x82: {  	s0 =	stileid.u32;
	[bflag:$0x2] =	sbarrier.arrive $0xFFFF  }
0x83: {  	p0 =	sne.s32 s0, $0x0;
	s0 =	rddreg [dreg:$0x2]  }
0x84: {  	s0 =	sadd.s32 @!p0 $0x100000, s0  }
0x85: {  	[sflag:s0] =	ssyncadd.tile.s32 @!p0 $0x1;
	_ =	shalt  }
.Lfunc_end2:
_tile_overlayer_lowered:
.L_overlay_start_2:
0x86: {  	(tag) =	ssettag $0x2  }
0x87: {  	s0 =	rddreg [dreg:$0x0];
	s2 =	stileid.u32  }
0x88: {  	s1 =	rddreg [dreg:$0x1];
	p0 =	sne.s32 s2, $0x0  }
0x89: {  	s3 =	rddreg [dreg:$0x2];
	[bflag:$0x3] =	sbarrier.arrive $0xFFFF;
	s2 =	simm.s32 @!p0 $0x1C03  }
0x8a: {  	[timem:s3], [sflag:s2] =	dma.local @!p0 [hbm:s0], s1  }
0x8b: {  	s0 =	simm.s32 @!p0 $0x3  }
0x8c: {  	_ =	swait.ge @!p0 [sflag:s0], s1  }
0x8d: {  	s1 =	ssub.s32 @!p0 $0x0, s1;
	[sflag:s0] =	ssyncset.done @!p0 $0x0  }
0x8e: {  	[sflag:s0] =	ssyncadd.s32 @!p0 s1  }
0x8f: {  	[bflag:$0x3] =	sbarrier.arrive $0xFFFF  }
0x90: {  	_ =	shalt  }

</sc_bundles>
